<compile_context>
chip_gen: v7x
topology: tpu7x:2x2x1
jax: 0.10.2.dev20260603
libtpu: 0.0.44.dev20260713+nightly
codegen_flags: <defaults>
</compile_context>

<pallas_src>
import functools

import jax
import jax.numpy as jnp
from jax import lax
from jax.experimental import pallas as pl
from jax.experimental.pallas import tpu as pltpu
from jax.experimental.pallas import tpu_sc as plsc

B, H, L, Dh = 4, 16, 8192, 64
TPF = 256
PD = 1
CAP = L + TPF
NUM_BUCKETS = (L // TPF) // PD
BS = 128
KV_BLOCKS = CAP // BS
Q_BLOCKS = TPF // BS

BH = B * H
BLK2 = TPF // BS

NWORK = 32
SLABS_PER_W = BH * 2 // NWORK
ZCOLS = 1024
NZDMA = L // ZCOLS



def _sc_body(tp_hbm, kv_hbm, k_hbm, v_hbm, tp_v, zbuf, kvbuf, semz, semk):
    w = lax.axis_index("c") * 16 + lax.axis_index("s")

    zvec = jnp.zeros((16,), jnp.float32)

    def _zrow(i, _):
        for seg in range(ZCOLS // 16):
            zbuf[i, pl.ds(seg * 16, 16)] = zvec
        return 0

    lax.fori_loop(0, Dh, _zrow, 0)

    pltpu.sync_copy(tp_hbm.at[0, pl.ds(0, 16)], tp_v)
    frame_t = tp_v[...][0]
    bucket = lax.div(frame_t + (PD - 1), PD)
    slot = lax.rem(bucket, NUM_BUCKETS)
    rbase = slot * TPF

    is_k = w < 16
    slab0 = lax.rem(w, 16) * SLABS_PER_W

    def _emit(out_hbm, kv_base):
        zdescs = []
        for j in range(SLABS_PER_W):
            bh = slab0 + j
            for z in range(NZDMA):
                zdescs.append(pltpu.async_copy(
                    zbuf, out_hbm.at[bh, :, pl.ds(z * ZCOLS, ZCOLS)], semz))
        for d in zdescs:
            d.wait()
        for j in range(SLABS_PER_W):
            bh = slab0 + j
            pltpu.sync_copy(kv_hbm.at[kv_base + bh], kvbuf)
            d1 = pltpu.async_copy(kvbuf, out_hbm.at[bh, :, pl.ds(L, TPF)], semk)
            d2 = pltpu.async_copy(kvbuf, out_hbm.at[bh, :, pl.ds(rbase, TPF)], semk)
            d1.wait()
            d2.wait()

    @pl.when(is_k)
    def _():
        _emit(k_hbm, 0)

    @pl.when(jnp.logical_not(is_k))
    def _():
        _emit(v_hbm, BH)


def _sc_write(kv_t, t_pos):
    mesh = plsc.VectorSubcoreMesh(core_axis_name="c", subcore_axis_name="s")
    f = functools.partial(
        pl.kernel,
        mesh=mesh,
        out_type=[
            jax.ShapeDtypeStruct((BH, Dh, CAP), jnp.float32),
            jax.ShapeDtypeStruct((BH, Dh, CAP), jnp.float32),
        ],
        scratch_types=[
            pltpu.VMEM((16,), jnp.int32),
            pltpu.VMEM((Dh, ZCOLS), jnp.float32),
            pltpu.VMEM((Dh, TPF), jnp.float32),
            pltpu.SemaphoreType.DMA,
            pltpu.SemaphoreType.DMA,
        ],
    )(_sc_body)
    return f(t_pos, kv_t)



def _ordered(mask, iota_r, iota_c):
    mb = jnp.broadcast_to(mask, (KV_BLOCKS, KV_BLOCKS))
    tri = iota_c < iota_r
    lt_t = jnp.sum(jnp.where(tri, mb, 0), axis=1, keepdims=True)
    lt_f = jnp.sum(jnp.where(tri, 1 - mb, 0), axis=1, keepdims=True)
    diag = jnp.sum(jnp.where(iota_c == iota_r, mb, 0), axis=1, keepdims=True)
    num = jnp.sum(mask)
    rank = jnp.where(diag > 0, lt_t, num + lt_f)
    val = jnp.where(rank == iota_c, iota_r, 0)
    out = jnp.sum(val, axis=0, keepdims=True)
    return num, out


def _meta_body(tp_ref, wr_ref, nbp_ref, idxp_ref, nbf_ref, idxf_ref):
    frame_t = tp_ref[0, 0]
    bucket = lax.div(frame_t + (PD - 1), PD)
    slot = lax.rem(bucket, NUM_BUCKETS)

    w = wr_ref[...]
    any_ = jnp.max(w, axis=0, keepdims=True)
    all_ = jnp.min(w, axis=0, keepdims=True)
    col = lax.broadcasted_iota(jnp.int32, (1, KV_BLOCKS), 1)
    rb2 = slot * BLK2
    hit = (col >= rb2) & (col < rb2 + BLK2)
    any_ = jnp.where(hit, 0, any_)
    all_ = jnp.where(hit, 0, all_)
    partial = any_ * (1 - all_)
    full = all_
    iota_r = lax.broadcasted_iota(jnp.int32, (KV_BLOCKS, KV_BLOCKS), 0)
    iota_c = lax.broadcasted_iota(jnp.int32, (KV_BLOCKS, KV_BLOCKS), 1)
    nump, idxp = _ordered(partial, iota_r, iota_c)
    numf, idxf = _ordered(full, iota_r, iota_c)
    nbp_ref[...] = jnp.broadcast_to(nump, (1, 1, Q_BLOCKS))
    idxp_ref[...] = jnp.broadcast_to(
        idxp.reshape(1, 1, 1, KV_BLOCKS), (1, 1, Q_BLOCKS, KV_BLOCKS))
    nbf_ref[...] = jnp.broadcast_to(numf, (1, 1, Q_BLOCKS))
    idxf_ref[...] = jnp.broadcast_to(
        idxf.reshape(1, 1, 1, KV_BLOCKS), (1, 1, Q_BLOCKS, KV_BLOCKS))


def _meta(tp, wrT):
    out_shape = [
        jax.ShapeDtypeStruct((1, 1, Q_BLOCKS), jnp.int32),
        jax.ShapeDtypeStruct((1, 1, Q_BLOCKS, KV_BLOCKS), jnp.int32),
        jax.ShapeDtypeStruct((1, 1, Q_BLOCKS), jnp.int32),
        jax.ShapeDtypeStruct((1, 1, Q_BLOCKS, KV_BLOCKS), jnp.int32),
    ]
    return pl.pallas_call(
        _meta_body,
        in_specs=[
            pl.BlockSpec(memory_space=pltpu.SMEM),
            pl.BlockSpec((BS, KV_BLOCKS), lambda: (0, 0)),
        ],
        out_specs=[
            pl.BlockSpec((1, 1, Q_BLOCKS), lambda: (0, 0, 0)),
            pl.BlockSpec((1, 1, Q_BLOCKS, KV_BLOCKS), lambda: (0, 0, 0, 0)),
            pl.BlockSpec((1, 1, Q_BLOCKS), lambda: (0, 0, 0)),
            pl.BlockSpec((1, 1, Q_BLOCKS, KV_BLOCKS), lambda: (0, 0, 0, 0)),
        ],
        out_shape=out_shape,
    )(tp, wrT)


def kernel(kv, t_pos, kv_buf, written):
    del kv_buf
    kv_t = kv.transpose(0, 1, 2, 4, 3).reshape(2 * BH, Dh, TPF)
    wrT = written.reshape(KV_BLOCKS, BS).astype(jnp.int32).T
    tp = t_pos.astype(jnp.int32)

    k, v = _sc_write(kv_t, tp)
    nbp, idxp, nbf, idxf = _meta(tp, wrT)

    k = k.reshape(B, H, Dh, CAP).transpose(0, 1, 3, 2)
    v = v.reshape(B, H, Dh, CAP).transpose(0, 1, 3, 2)
    return (k, v, nbp, idxp, nbf, idxf)

# --- scband reference (transcript-rebuilt; emitter-appended) ---
"""Pipeline reference for scband-layer-kvcache-54924041781647 (READ-ONLY COPY).

The authoritative reference and input builder live on the scoring server;
editing this copy changes nothing except your own understanding.
"""

import jax, jax.numpy as jnp
import numpy as np

B, H, L, Dh = 4, 16, 8192, 64
TPF = 256
PD = 1
CAP = L + TPF
NUM_BUCKETS = (L // TPF) // PD
BS = 128  # _DEFAULT_SPARSE_BLOCK_SIZE


def _dense_to_ordered(dense_mask):
    num_blocks = jnp.sum(dense_mask.astype(jnp.int32), axis=-1)
    # descending stable argsort on bools == ascending stable argsort on negated mask
    indices = jnp.argsort((~dense_mask).astype(jnp.int32), axis=-1).astype(jnp.int32)
    return num_blocks[None, None], indices[None, None]


def _make_block_mask(T, Lcap, written):
    KV_blocks = (Lcap + BS - 1) // BS
    Q_blocks = (T + BS - 1) // BS
    wb = jnp.pad(written, (0, KV_blocks * BS - Lcap)).reshape(KV_blocks, BS)
    block_any = jnp.any(wb, axis=-1)
    block_all = jnp.all(wb, axis=-1)
    nonzero_bm = jnp.broadcast_to(block_any[None, :], (Q_blocks, KV_blocks))
    full_bm = jnp.broadcast_to(block_all[None, :], (Q_blocks, KV_blocks))
    partial_bm = nonzero_bm & (~full_bm)
    kv_num_blocks, kv_indices = _dense_to_ordered(partial_bm)
    full_kv_num_blocks, full_kv_indices = _dense_to_ordered(full_bm)
    return kv_num_blocks, kv_indices, full_kv_num_blocks, full_kv_indices


def setup_inputs(seed: int = 0) -> dict:
    key = jax.random.key(seed)
    kv = jax.random.normal(jax.random.fold_in(key, 0), (2, B, H, TPF, Dh), dtype=jnp.float32)
    t_pos = jnp.zeros((B, TPF), dtype=jnp.int32)
    # module buffers (state)
    kv_buf = jnp.zeros((2, B, H, CAP, Dh), dtype=jnp.float32)
    written = jnp.zeros((CAP,), dtype=bool).at[L:].set(True)
    return {"kv": kv, "t_pos": t_pos, "kv_buf": kv_buf, "written": written}


def reference(kv, t_pos, kv_buf, written):
    # upsert(kv, pos_ids={'t_pos': t_pos}, is_frozen=False)
    frame_offsets = jnp.arange(TPF, dtype=jnp.int32)
    current_idx = frame_offsets + L
    frame_t = t_pos[0, 0]
    bucket = (frame_t + (PD - 1)) // PD
    slot = bucket % NUM_BUCKETS
    base = slot * TPF
    ring_idx = frame_offsets + base
    # scatter current frame into tail slots (index_copy_ on dim 3)
    kv_buf = kv_buf.at[:, :, :, current_idx, :].set(kv)
    write_step = (frame_t % PD) == 0
    mask_written = written.at[ring_idx].set(written[ring_idx] & (~write_step))
    kv_nb, kv_idx, fkv_nb, fkv_idx = _make_block_mask(TPF, CAP, mask_written)
    # is_frozen == False branch
    dst = jnp.where(write_step, ring_idx, current_idx)
    kv_buf = kv_buf.at[:, :, :, dst, :].set(kv)
    written = written.at[dst].set(True)
    k = kv_buf[0]
    v = kv_buf[1]
    return (k, v, kv_nb, kv_idx, fkv_nb, fkv_idx)

if __name__ == "__main__":
    import jax
    _d = setup_inputs()
    print(jax.jit(kernel)(*tuple(_d.values())))

</pallas_src>

<mosaic_0001>
#map = affine_map<(d0, d1) -> (0, 0)>
#map1 = affine_map<(d0, d1) -> (0, 0, 0)>
module attributes {stable_mosaic.version = 14 : i64} {
  func.func @_sc_body(%arg0: i32, %arg1: i32, %arg2: memref<4x256xi32, #tpu.memory_space<hbm>>, %arg3: memref<128x64x256xf32, #tpu.memory_space<hbm>>, %arg4: memref<64x64x8448xf32, #tpu.memory_space<hbm>>, %arg5: memref<64x64x8448xf32, #tpu.memory_space<hbm>>, %arg6: memref<16xi32, #tpu.memory_space<vmem>>, %arg7: memref<64x1024xf32, #tpu.memory_space<vmem>>, %arg8: memref<64x256xf32, #tpu.memory_space<vmem>>, %arg9: memref<!tpu.dma_semaphore, #tpu.memory_space<semaphore_mem>>, %arg10: memref<!tpu.dma_semaphore, #tpu.memory_space<semaphore_mem>>) attributes {dimension_semantics = [#tpu.dimension_semantics<core_parallel>, #tpu.dimension_semantics<subcore_parallel>], iteration_bounds = array<i64: 2, 16>, scalar_prefetch = 0 : i64, scratch_operands = 5 : i64, tpu.core_type = #tpu.core_type<sc_vector_subcore>, window_params = [{transform_indices = #map}, {transform_indices = #map1}, {transform_indices = #map1}, {transform_indices = #map1}]} {
    %mul3A = arith.constant 16 : i32
    %mul3A_0 = arith.muli %arg0, %mul3A : i32
    %add3A = arith.addi %mul3A_0, %arg1 : i32
    %broadcast_in_dim3A = arith.constant 0.000000e+00 : f32
    %broadcast_in_dim3A_1 = vector.broadcast %broadcast_in_dim3A : f32 to vector<16xf32>
    %scan3A = arith.constant 0 : i32
    %scan3A_2 = arith.constant 0 : i32
    %scan3A_3 = arith.constant 64 : i32
    %scan3A_4 = arith.addi %scan3A_2, %scan3A_3 : i32
    %scan3A_5 = arith.constant 1 : i32
    %scan3A_6 = scf.for %scan3A_26 = %scan3A_2 to %scan3A_4 step %scan3A_5 iter_args(%scan3A_27 = %scan3A) -> (i32)  : i32 {
      %swap3A = arith.index_cast %scan3A_26 : i32 to index
      %swap3A_28 = arith.constant 0 : index
      %swap3A_29 = tpu.vector_load %arg7[%swap3A, %swap3A_28] {strides = array<i32>} : memref<64x1024xf32, #tpu.memory_space<vmem>>, vector<1x16xf32>,
      %swap3A_30 = vector.shape_cast %swap3A_29 : vector<1x16xf32> to vector<16xf32>
      %swap3A_31 = vector.shape_cast %broadcast_in_dim3A_1 : vector<16xf32> to vector<1x16xf32>
      tpu.vector_store %arg7[%swap3A, %swap3A_28], %swap3A_31 {strides = array<i32>} : memref<64x1024xf32, #tpu.memory_space<vmem>>, vector<1x16xf32>,
      %swap3A_32 = arith.index_cast %scan3A_26 : i32 to index
      %swap3A_33 = arith.constant 16 : index
      %swap3A_34 = tpu.vector_load %arg7[%swap3A_32, %swap3A_33] {strides = array<i32>} : memref<64x1024xf32, #tpu.memory_space<vmem>>, vector<1x16xf32>,
      %swap3A_35 = vector.shape_cast %swap3A_34 : vector<1x16xf32> to vector<16xf32>
      %swap3A_36 = vector.shape_cast %broadcast_in_dim3A_1 : vector<16xf32> to vector<1x16xf32>
      tpu.vector_store %arg7[%swap3A_32, %swap3A_33], %swap3A_36 {strides = array<i32>} : memref<64x1024xf32, #tpu.memory_space<vmem>>, vector<1x16xf32>,
      %swap3A_37 = arith.index_cast %scan3A_26 : i32 to index
      %swap3A_38 = arith.constant 32 : index
      %swap3A_39 = tpu.vector_load %arg7[%swap3A_37, %swap3A_38] {strides = array<i32>} : memref<64x1024xf32, #tpu.memory_space<vmem>>, vector<1x16xf32>,
      %swap3A_40 = vector.shape_cast %swap3A_39 : vector<1x16xf32> to vector<16xf32>
      %swap3A_41 = vector.shape_cast %broadcast_in_dim3A_1 : vector<16xf32> to vector<1x16xf32>
      tpu.vector_store %arg7[%swap3A_37, %swap3A_38], %swap3A_41 {strides = array<i32>} : memref<64x1024xf32, #tpu.memory_space<vmem>>, vector<1x16xf32>,
      %swap3A_42 = arith.index_cast %scan3A_26 : i32 to index
      %swap3A_43 = arith.constant 48 : index
      %swap3A_44 = tpu.vector_load %arg7[%swap3A_42, %swap3A_43] {strides = array<i32>} : memref<64x1024xf32, #tpu.memory_space<vmem>>, vector<1x16xf32>,
      %swap3A_45 = vector.shape_cast %swap3A_44 : vector<1x16xf32> to vector<16xf32>
      %swap3A_46 = vector.shape_cast %broadcast_in_dim3A_1 : vector<16xf32> to vector<1x16xf32>
      tpu.vector_store %arg7[%swap3A_42, %swap3A_43], %swap3A_46 {strides = array<i32>} : memref<64x1024xf32, #tpu.memory_space<vmem>>, vector<1x16xf32>,
      %swap3A_47 = arith.index_cast %scan3A_26 : i32 to index
      %swap3A_48 = arith.constant 64 : index
      %swap3A_49 = tpu.vector_load %arg7[%swap3A_47, %swap3A_48] {strides = array<i32>} : memref<64x1024xf32, #tpu.memory_space<vmem>>, vector<1x16xf32>,
      %swap3A_50 = vector.shape_cast %swap3A_49 : vector<1x16xf32> to vector<16xf32>
      %swap3A_51 = vector.shape_cast %broadcast_in_dim3A_1 : vector<16xf32> to vector<1x16xf32>
      tpu.vector_store %arg7[%swap3A_47, %swap3A_48], %swap3A_51 {strides = array<i32>} : memref<64x1024xf32, #tpu.memory_space<vmem>>, vector<1x16xf32>,
      %swap3A_52 = arith.index_cast %scan3A_26 : i32 to index
      %swap3A_53 = arith.constant 80 : index
      %swap3A_54 = tpu.vector_load %arg7[%swap3A_52, %swap3A_53] {strides = array<i32>} : memref<64x1024xf32, #tpu.memory_space<vmem>>, vector<1x16xf32>,
      %swap3A_55 = vector.shape_cast %swap3A_54 : vector<1x16xf32> to vector<16xf32>
      %swap3A_56 = vector.shape_cast %broadcast_in_dim3A_1 : vector<16xf32> to vector<1x16xf32>
      tpu.vector_store %arg7[%swap3A_52, %swap3A_53], %swap3A_56 {strides = array<i32>} : memref<64x1024xf32, #tpu.memory_space<vmem>>, vector<1x16xf32>,
      %swap3A_57 = arith.index_cast %scan3A_26 : i32 to index
      %swap3A_58 = arith.constant 96 : index
      %swap3A_59 = tpu.vector_load %arg7[%swap3A_57, %swap3A_58] {strides = array<i32>} : memref<64x1024xf32, #tpu.memory_space<vmem>>, vector<1x16xf32>,
      %swap3A_60 = vector.shape_cast %swap3A_59 : vector<1x16xf32> to vector<16xf32>
      %swap3A_61 = vector.shape_cast %broadcast_in_dim3A_1 : vector<16xf32> to vector<1x16xf32>
      tpu.vector_store %arg7[%swap3A_57, %swap3A_58], %swap3A_61 {strides = array<i32>} : memref<64x1024xf32, #tpu.memory_space<vmem>>, vector<1x16xf32>,
      %swap3A_62 = arith.index_cast %scan3A_26 : i32 to index
      %swap3A_63 = arith.constant 112 : index
      %swap3A_64 = tpu.vector_load %arg7[%swap3A_62, %swap3A_63] {strides = array<i32>} : memref<64x1024xf32, #tpu.memory_space<vmem>>, vector<1x16xf32>,
      %swap3A_65 = vector.shape_cast %swap3A_64 : vector<1x16xf32> to vector<16xf32>
      %swap3A_66 = vector.shape_cast %broadcast_in_dim3A_1 : vector<16xf32> to vector<1x16xf32>
      tpu.vector_store %arg7[%swap3A_62, %swap3A_63], %swap3A_66 {strides = array<i32>} : memref<64x1024xf32, #tpu.memory_space<vmem>>, vector<1x16xf32>,
      %swap3A_67 = arith.index_cast %scan3A_26 : i32 to index
      %swap3A_68 = arith.constant 128 : index
      %swap3A_69 = tpu.vector_load %arg7[%swap3A_67, %swap3A_68] {strides = array<i32>} : memref<64x1024xf32, #tpu.memory_space<vmem>>, vector<1x16xf32>,
      %swap3A_70 = vector.shape_cast %swap3A_69 : vector<1x16xf32> to vector<16xf32>
      %swap3A_71 = vector.shape_cast %broadcast_in_dim3A_1 : vector<16xf32> to vector<1x16xf32>
      tpu.vector_store %arg7[%swap3A_67, %swap3A_68], %swap3A_71 {strides = array<i32>} : memref<64x1024xf32, #tpu.memory_space<vmem>>, vector<1x16xf32>,
      %swap3A_72 = arith.index_cast %scan3A_26 : i32 to index
      %swap3A_73 = arith.constant 144 : index
      %swap3A_74 = tpu.vector_load %arg7[%swap3A_72, %swap3A_73] {strides = array<i32>} : memref<64x1024xf32, #tpu.memory_space<vmem>>, vector<1x16xf32>,
      %swap3A_75 = vector.shape_cast %swap3A_74 : vector<1x16xf32> to vector<16xf32>
      %swap3A_76 = vector.shape_cast %broadcast_in_dim3A_1 : vector<16xf32> to vector<1x16xf32>
      tpu.vector_store %arg7[%swap3A_72, %swap3A_73], %swap3A_76 {strides = array<i32>} : memref<64x1024xf32, #tpu.memory_space<vmem>>, vector<1x16xf32>,
      %swap3A_77 = arith.index_cast %scan3A_26 : i32 to index
      %swap3A_78 = arith.constant 160 : index
      %swap3A_79 = tpu.vector_load %arg7[%swap3A_77, %swap3A_78] {strides = array<i32>} : memref<64x1024xf32, #tpu.memory_space<vmem>>, vector<1x16xf32>,
      %swap3A_80 = vector.shape_cast %swap3A_79 : vector<1x16xf32> to vector<16xf32>
      %swap3A_81 = vector.shape_cast %broadcast_in_dim3A_1 : vector<16xf32> to vector<1x16xf32>
      tpu.vector_store %arg7[%swap3A_77, %swap3A_78], %swap3A_81 {strides = array<i32>} : memref<64x1024xf32, #tpu.memory_space<vmem>>, vector<1x16xf32>,
      %swap3A_82 = arith.index_cast %scan3A_26 : i32 to index
      %swap3A_83 = arith.constant 176 : index
      %swap3A_84 = tpu.vector_load %arg7[%swap3A_82, %swap3A_83] {strides = array<i32>} : memref<64x1024xf32, #tpu.memory_space<vmem>>, vector<1x16xf32>,
      %swap3A_85 = vector.shape_cast %swap3A_84 : vector<1x16xf32> to vector<16xf32>
      %swap3A_86 = vector.shape_cast %broadcast_in_dim3A_1 : vector<16xf32> to vector<1x16xf32>
      tpu.vector_store %arg7[%swap3A_82, %swap3A_83], %swap3A_86 {strides = array<i32>} : memref<64x1024xf32, #tpu.memory_space<vmem>>, vector<1x16xf32>,
      %swap3A_87 = arith.index_cast %scan3A_26 : i32 to index
      %swap3A_88 = arith.constant 192 : index
      %swap3A_89 = tpu.vector_load %arg7[%swap3A_87, %swap3A_88] {strides = array<i32>} : memref<64x1024xf32, #tpu.memory_space<vmem>>, vector<1x16xf32>,
      %swap3A_90 = vector.shape_cast %swap3A_89 : vector<1x16xf32> to vector<16xf32>
      %swap3A_91 = vector.shape_cast %broadcast_in_dim3A_1 : vector<16xf32> to vector<1x16xf32>
      tpu.vector_store %arg7[%swap3A_87, %swap3A_88], %swap3A_91 {strides = array<i32>} : memref<64x1024xf32, #tpu.memory_space<vmem>>, vector<1x16xf32>,
      %swap3A_92 = arith.index_cast %scan3A_26 : i32 to index
      %swap3A_93 = arith.constant 208 : index
      %swap3A_94 = tpu.vector_load %arg7[%swap3A_92, %swap3A_93] {strides = array<i32>} : memref<64x1024xf32, #tpu.memory_space<vmem>>, vector<1x16xf32>,
      %swap3A_95 = vector.shape_cast %swap3A_94 : vector<1x16xf32> to vector<16xf32>
      %swap3A_96 = vector.shape_cast %broadcast_in_dim3A_1 : vector<16xf32> to vector<1x16xf32>
      tpu.vector_store %arg7[%swap3A_92, %swap3A_93], %swap3A_96 {strides = array<i32>} : memref<64x1024xf32, #tpu.memory_space<vmem>>, vector<1x16xf32>,
      %swap3A_97 = arith.index_cast %scan3A_26 : i32 to index
      %swap3A_98 = arith.constant 224 : index
      %swap3A_99 = tpu.vector_load %arg7[%swap3A_97, %swap3A_98] {strides = array<i32>} : memref<64x1024xf32, #tpu.memory_space<vmem>>, vector<1x16xf32>,
      %swap3A_100 = vector.shape_cast %swap3A_99 : vector<1x16xf32> to vector<16xf32>
      %swap3A_101 = vector.shape_cast %broadcast_in_dim3A_1 : vector<16xf32> to vector<1x16xf32>
      tpu.vector_store %arg7[%swap3A_97, %swap3A_98], %swap3A_101 {strides = array<i32>} : memref<64x1024xf32, #tpu.memory_space<vmem>>, vector<1x16xf32>,
      %swap3A_102 = arith.index_cast %scan3A_26 : i32 to index
      %swap3A_103 = arith.constant 240 : index
      %swap3A_104 = tpu.vector_load %arg7[%swap3A_102, %swap3A_103] {strides = array<i32>} : memref<64x1024xf32, #tpu.memory_space<vmem>>, vector<1x16xf32>,
      %swap3A_105 = vector.shape_cast %swap3A_104 : vector<1x16xf32> to vector<16xf32>
      %swap3A_106 = vector.shape_cast %broadcast_in_dim3A_1 : vector<16xf32> to vector<1x16xf32>
      tpu.vector_store %arg7[%swap3A_102, %swap3A_103], %swap3A_106 {strides = array<i32>} : memref<64x1024xf32, #tpu.memory_space<vmem>>, vector<1x16xf32>,
      %swap3A_107 = arith.index_cast %scan3A_26 : i32 to index
      %swap3A_108 = arith.constant 256 : index
      %swap3A_109 = tpu.vector_load %arg7[%swap3A_107, %swap3A_108] {strides = array<i32>} : memref<64x1024xf32, #tpu.memory_space<vmem>>, vector<1x16xf32>,
      %swap3A_110 = vector.shape_cast %swap3A_109 : vector<1x16xf32> to vector<16xf32>
      %swap3A_111 = vector.shape_cast %broadcast_in_dim3A_1 : vector<16xf32> to vector<1x16xf32>
      tpu.vector_store %arg7[%swap3A_107, %swap3A_108], %swap3A_111 {strides = array<i32>} : memref<64x1024xf32, #tpu.memory_space<vmem>>, vector<1x16xf32>,
      %swap3A_112 = arith.index_cast %scan3A_26 : i32 to index
      %swap3A_113 = arith.constant 272 : index
      %swap3A_114 = tpu.vector_load %arg7[%swap3A_112, %swap3A_113] {strides = array<i32>} : memref<64x1024xf32, #tpu.memory_space<vmem>>, vector<1x16xf32>,
      %swap3A_115 = vector.shape_cast %swap3A_114 : vector<1x16xf32> to vector<16xf32>
      %swap3A_116 = vector.shape_cast %broadcast_in_dim3A_1 : vector<16xf32> to vector<1x16xf32>
      tpu.vector_store %arg7[%swap3A_112, %swap3A_113], %swap3A_116 {strides = array<i32>} : memref<64x1024xf32, #tpu.memory_space<vmem>>, vector<1x16xf32>,
      %swap3A_117 = arith.index_cast %scan3A_26 : i32 to index
      %swap3A_118 = arith.constant 288 : index
      %swap3A_119 = tpu.vector_load %arg7[%swap3A_117, %swap3A_118] {strides = array<i32>} : memref<64x1024xf32, #tpu.memory_space<vmem>>, vector<1x16xf32>,
      %swap3A_120 = vector.shape_cast %swap3A_119 : vector<1x16xf32> to vector<16xf32>
      %swap3A_121 = vector.shape_cast %broadcast_in_dim3A_1 : vector<16xf32> to vector<1x16xf32>
      tpu.vector_store %arg7[%swap3A_117, %swap3A_118], %swap3A_121 {strides = array<i32>} : memref<64x1024xf32, #tpu.memory_space<vmem>>, vector<1x16xf32>,
      %swap3A_122 = arith.index_cast %scan3A_26 : i32 to index
      %swap3A_123 = arith.constant 304 : index
      %swap3A_124 = tpu.vector_load %arg7[%swap3A_122, %swap3A_123] {strides = array<i32>} : memref<64x1024xf32, #tpu.memory_space<vmem>>, vector<1x16xf32>,
      %swap3A_125 = vector.shape_cast %swap3A_124 : vector<1x16xf32> to vector<16xf32>
      %swap3A_126 = vector.shape_cast %broadcast_in_dim3A_1 : vector<16xf32> to vector<1x16xf32>
      tpu.vector_store %arg7[%swap3A_122, %swap3A_123], %swap3A_126 {strides = array<i32>} : memref<64x1024xf32, #tpu.memory_space<vmem>>, vector<1x16xf32>,
      %swap3A_127 = arith.index_cast %scan3A_26 : i32 to index
      %swap3A_128 = arith.constant 320 : index
      %swap3A_129 = tpu.vector_load %arg7[%swap3A_127, %swap3A_128] {strides = array<i32>} : memref<64x1024xf32, #tpu.memory_space<vmem>>, vector<1x16xf32>,
      %swap3A_130 = vector.shape_cast %swap3A_129 : vector<1x16xf32> to vector<16xf32>
      %swap3A_131 = vector.shape_cast %broadcast_in_dim3A_1 : vector<16xf32> to vector<1x16xf32>
      tpu.vector_store %arg7[%swap3A_127, %swap3A_128], %swap3A_131 {strides = array<i32>} : memref<64x1024xf32, #tpu.memory_space<vmem>>, vector<1x16xf32>,
      %swap3A_132 = arith.index_cast %scan3A_26 : i32 to index
      %swap3A_133 = arith.constant 336 : index
      %swap3A_134 = tpu.vector_load %arg7[%swap3A_132, %swap3A_133] {strides = array<i32>} : memref<64x1024xf32, #tpu.memory_space<vmem>>, vector<1x16xf32>,
      %swap3A_135 = vector.shape_cast %swap3A_134 : vector<1x16xf32> to vector<16xf32>
      %swap3A_136 = vector.shape_cast %broadcast_in_dim3A_1 : vector<16xf32> to vector<1x16xf32>
      tpu.vector_store %arg7[%swap3A_132, %swap3A_133], %swap3A_136 {strides = array<i32>} : memref<64x1024xf32, #tpu.memory_space<vmem>>, vector<1x16xf32>,
      %swap3A_137 = arith.index_cast %scan3A_26 : i32 to index
      %swap3A_138 = arith.constant 352 : index
      %swap3A_139 = tpu.vector_load %arg7[%swap3A_137, %swap3A_138] {strides = array<i32>} : memref<64x1024xf32, #tpu.memory_space<vmem>>, vector<1x16xf32>,
      %swap3A_140 = vector.shape_cast %swap3A_139 : vector<1x16xf32> to vector<16xf32>
      %swap3A_141 = vector.shape_cast %broadcast_in_dim3A_1 : vector<16xf32> to vector<1x16xf32>
      tpu.vector_store %arg7[%swap3A_137, %swap3A_138], %swap3A_141 {strides = array<i32>} : memref<64x1024xf32, #tpu.memory_space<vmem>>, vector<1x16xf32>,
      %swap3A_142 = arith.index_cast %scan3A_26 : i32 to index
      %swap3A_143 = arith.constant 368 : index
      %swap3A_144 = tpu.vector_load %arg7[%swap3A_142, %swap3A_143] {strides = array<i32>} : memref<64x1024xf32, #tpu.memory_space<vmem>>, vector<1x16xf32>,
      %swap3A_145 = vector.shape_cast %swap3A_144 : vector<1x16xf32> to vector<16xf32>
      %swap3A_146 = vector.shape_cast %broadcast_in_dim3A_1 : vector<16xf32> to vector<1x16xf32>
      tpu.vector_store %arg7[%swap3A_142, %swap3A_143], %swap3A_146 {strides = array<i32>} : memref<64x1024xf32, #tpu.memory_space<vmem>>, vector<1x16xf32>,
      %swap3A_147 = arith.index_cast %scan3A_26 : i32 to index
      %swap3A_148 = arith.constant 384 : index
      %swap3A_149 = tpu.vector_load %arg7[%swap3A_147, %swap3A_148] {strides = array<i32>} : memref<64x1024xf32, #tpu.memory_space<vmem>>, vector<1x16xf32>,
      %swap3A_150 = vector.shape_cast %swap3A_149 : vector<1x16xf32> to vector<16xf32>
      %swap3A_151 = vector.shape_cast %broadcast_in_dim3A_1 : vector<16xf32> to vector<1x16xf32>
      tpu.vector_store %arg7[%swap3A_147, %swap3A_148], %swap3A_151 {strides = array<i32>} : memref<64x1024xf32, #tpu.memory_space<vmem>>, vector<1x16xf32>,
      %swap3A_152 = arith.index_cast %scan3A_26 : i32 to index
      %swap3A_153 = arith.constant 400 : index
      %swap3A_154 = tpu.vector_load %arg7[%swap3A_152, %swap3A_153] {strides = array<i32>} : memref<64x1024xf32, #tpu.memory_space<vmem>>, vector<1x16xf32>,
      %swap3A_155 = vector.shape_cast %swap3A_154 : vector<1x16xf32> to vector<16xf32>
      %swap3A_156 = vector.shape_cast %broadcast_in_dim3A_1 : vector<16xf32> to vector<1x16xf32>
      tpu.vector_store %arg7[%swap3A_152, %swap3A_153], %swap3A_156 {strides = array<i32>} : memref<64x1024xf32, #tpu.memory_space<vmem>>, vector<1x16xf32>,
      %swap3A_157 = arith.index_cast %scan3A_26 : i32 to index
      %swap3A_158 = arith.constant 416 : index
      %swap3A_159 = tpu.vector_load %arg7[%swap3A_157, %swap3A_158] {strides = array<i32>} : memref<64x1024xf32, #tpu.memory_space<vmem>>, vector<1x16xf32>,
      %swap3A_160 = vector.shape_cast %swap3A_159 : vector<1x16xf32> to vector<16xf32>
      %swap3A_161 = vector.shape_cast %broadcast_in_dim3A_1 : vector<16xf32> to vector<1x16xf32>
      tpu.vector_store %arg7[%swap3A_157, %swap3A_158], %swap3A_161 {strides = array<i32>} : memref<64x1024xf32, #tpu.memory_space<vmem>>, vector<1x16xf32>,
      %swap3A_162 = arith.index_cast %scan3A_26 : i32 to index
      %swap3A_163 = arith.constant 432 : index
      %swap3A_164 = tpu.vector_load %arg7[%swap3A_162, %swap3A_163] {strides = array<i32>} : memref<64x1024xf32, #tpu.memory_space<vmem>>, vector<1x16xf32>,
      %swap3A_165 = vector.shape_cast %swap3A_164 : vector<1x16xf32> to vector<16xf32>
      %swap3A_166 = vector.shape_cast %broadcast_in_dim3A_1 : vector<16xf32> to vector<1x16xf32>
      tpu.vector_store %arg7[%swap3A_162, %swap3A_163], %swap3A_166 {strides = array<i32>} : memref<64x1024xf32, #tpu.memory_space<vmem>>, vector<1x16xf32>,
      %swap3A_167 = arith.index_cast %scan3A_26 : i32 to index
      %swap3A_168 = arith.constant 448 : index
      %swap3A_169 = tpu.vector_load %arg7[%swap3A_167, %swap3A_168] {strides = array<i32>} : memref<64x1024xf32, #tpu.memory_space<vmem>>, vector<1x16xf32>,
      %swap3A_170 = vector.shape_cast %swap3A_169 : vector<1x16xf32> to vector<16xf32>
      %swap3A_171 = vector.shape_cast %broadcast_in_dim3A_1 : vector<16xf32> to vector<1x16xf32>
      tpu.vector_store %arg7[%swap3A_167, %swap3A_168], %swap3A_171 {strides = array<i32>} : memref<64x1024xf32, #tpu.memory_space<vmem>>, vector<1x16xf32>,
      %swap3A_172 = arith.index_cast %scan3A_26 : i32 to index
      %swap3A_173 = arith.constant 464 : index
      %swap3A_174 = tpu.vector_load %arg7[%swap3A_172, %swap3A_173] {strides = array<i32>} : memref<64x1024xf32, #tpu.memory_space<vmem>>, vector<1x16xf32>,
      %swap3A_175 = vector.shape_cast %swap3A_174 : vector<1x16xf32> to vector<16xf32>
      %swap3A_176 = vector.shape_cast %broadcast_in_dim3A_1 : vector<16xf32> to vector<1x16xf32>
      tpu.vector_store %arg7[%swap3A_172, %swap3A_173], %swap3A_176 {strides = array<i32>} : memref<64x1024xf32, #tpu.memory_space<vmem>>, vector<1x16xf32>,
      %swap3A_177 = arith.index_cast %scan3A_26 : i32 to index
      %swap3A_178 = arith.constant 480 : index
      %swap3A_179 = tpu.vector_load %arg7[%swap3A_177, %swap3A_178] {strides = array<i32>} : memref<64x1024xf32, #tpu.memory_space<vmem>>, vector<1x16xf32>,
      %swap3A_180 = vector.shape_cast %swap3A_179 : vector<1x16xf32> to vector<16xf32>
      %swap3A_181 = vector.shape_cast %broadcast_in_dim3A_1 : vector<16xf32> to vector<1x16xf32>
      tpu.vector_store %arg7[%swap3A_177, %swap3A_178], %swap3A_181 {strides = array<i32>} : memref<64x1024xf32, #tpu.memory_space<vmem>>, vector<1x16xf32>,
      %swap3A_182 = arith.index_cast %scan3A_26 : i32 to index
      %swap3A_183 = arith.constant 496 : index
      %swap3A_184 = tpu.vector_load %arg7[%swap3A_182, %swap3A_183] {strides = array<i32>} : memref<64x1024xf32, #tpu.memory_space<vmem>>, vector<1x16xf32>,
      %swap3A_185 = vector.shape_cast %swap3A_184 : vector<1x16xf32> to vector<16xf32>
      %swap3A_186 = vector.shape_cast %broadcast_in_dim3A_1 : vector<16xf32> to vector<1x16xf32>
      tpu.vector_store %arg7[%swap3A_182, %swap3A_183], %swap3A_186 {strides = array<i32>} : memref<64x1024xf32, #tpu.memory_space<vmem>>, vector<1x16xf32>,
      %swap3A_187 = arith.index_cast %scan3A_26 : i32 to index
      %swap3A_188 = arith.constant 512 : index
      %swap3A_189 = tpu.vector_load %arg7[%swap3A_187, %swap3A_188] {strides = array<i32>} : memref<64x1024xf32, #tpu.memory_space<vmem>>, vector<1x16xf32>,
      %swap3A_190 = vector.shape_cast %swap3A_189 : vector<1x16xf32> to vector<16xf32>
      %swap3A_191 = vector.shape_cast %broadcast_in_dim3A_1 : vector<16xf32> to vector<1x16xf32>
      tpu.vector_store %arg7[%swap3A_187, %swap3A_188], %swap3A_191 {strides = array<i32>} : memref<64x1024xf32, #tpu.memory_space<vmem>>, vector<1x16xf32>,
      %swap3A_192 = arith.index_cast %scan3A_26 : i32 to index
      %swap3A_193 = arith.constant 528 : index
      %swap3A_194 = tpu.vector_load %arg7[%swap3A_192, %swap3A_193] {strides = array<i32>} : memref<64x1024xf32, #tpu.memory_space<vmem>>, vector<1x16xf32>,
      %swap3A_195 = vector.shape_cast %swap3A_194 : vector<1x16xf32> to vector<16xf32>
      %swap3A_196 = vector.shape_cast %broadcast_in_dim3A_1 : vector<16xf32> to vector<1x16xf32>
      tpu.vector_store %arg7[%swap3A_192, %swap3A_193], %swap3A_196 {strides = array<i32>} : memref<64x1024xf32, #tpu.memory_space<vmem>>, vector<1x16xf32>,
      %swap3A_197 = arith.index_cast %scan3A_26 : i32 to index
      %swap3A_198 = arith.constant 544 : index
      %swap3A_199 = tpu.vector_load %arg7[%swap3A_197, %swap3A_198] {strides = array<i32>} : memref<64x1024xf32, #tpu.memory_space<vmem>>, vector<1x16xf32>,
      %swap3A_200 = vector.shape_cast %swap3A_199 : vector<1x16xf32> to vector<16xf32>
      %swap3A_201 = vector.shape_cast %broadcast_in_dim3A_1 : vector<16xf32> to vector<1x16xf32>
      tpu.vector_store %arg7[%swap3A_197, %swap3A_198], %swap3A_201 {strides = array<i32>} : memref<64x1024xf32, #tpu.memory_space<vmem>>, vector<1x16xf32>,
      %swap3A_202 = arith.index_cast %scan3A_26 : i32 to index
      %swap3A_203 = arith.constant 560 : index
      %swap3A_204 = tpu.vector_load %arg7[%swap3A_202, %swap3A_203] {strides = array<i32>} : memref<64x1024xf32, #tpu.memory_space<vmem>>, vector<1x16xf32>,
      %swap3A_205 = vector.shape_cast %swap3A_204 : vector<1x16xf32> to vector<16xf32>
      %swap3A_206 = vector.shape_cast %broadcast_in_dim3A_1 : vector<16xf32> to vector<1x16xf32>
      tpu.vector_store %arg7[%swap3A_202, %swap3A_203], %swap3A_206 {strides = array<i32>} : memref<64x1024xf32, #tpu.memory_space<vmem>>, vector<1x16xf32>,
      %swap3A_207 = arith.index_cast %scan3A_26 : i32 to index
      %swap3A_208 = arith.constant 576 : index
      %swap3A_209 = tpu.vector_load %arg7[%swap3A_207, %swap3A_208] {strides = array<i32>} : memref<64x1024xf32, #tpu.memory_space<vmem>>, vector<1x16xf32>,
      %swap3A_210 = vector.shape_cast %swap3A_209 : vector<1x16xf32> to vector<16xf32>
      %swap3A_211 = vector.shape_cast %broadcast_in_dim3A_1 : vector<16xf32> to vector<1x16xf32>
      tpu.vector_store %arg7[%swap3A_207, %swap3A_208], %swap3A_211 {strides = array<i32>} : memref<64x1024xf32, #tpu.memory_space<vmem>>, vector<1x16xf32>,
      %swap3A_212 = arith.index_cast %scan3A_26 : i32 to index
      %swap3A_213 = arith.constant 592 : index
      %swap3A_214 = tpu.vector_load %arg7[%swap3A_212, %swap3A_213] {strides = array<i32>} : memref<64x1024xf32, #tpu.memory_space<vmem>>, vector<1x16xf32>,
      %swap3A_215 = vector.shape_cast %swap3A_214 : vector<1x16xf32> to vector<16xf32>
      %swap3A_216 = vector.shape_cast %broadcast_in_dim3A_1 : vector<16xf32> to vector<1x16xf32>
      tpu.vector_store %arg7[%swap3A_212, %swap3A_213], %swap3A_216 {strides = array<i32>} : memref<64x1024xf32, #tpu.memory_space<vmem>>, vector<1x16xf32>,
      %swap3A_217 = arith.index_cast %scan3A_26 : i32 to index
      %swap3A_218 = arith.constant 608 : index
      %swap3A_219 = tpu.vector_load %arg7[%swap3A_217, %swap3A_218] {strides = array<i32>} : memref<64x1024xf32, #tpu.memory_space<vmem>>, vector<1x16xf32>,
      %swap3A_220 = vector.shape_cast %swap3A_219 : vector<1x16xf32> to vector<16xf32>
      %swap3A_221 = vector.shape_cast %broadcast_in_dim3A_1 : vector<16xf32> to vector<1x16xf32>
      tpu.vector_store %arg7[%swap3A_217, %swap3A_218], %swap3A_221 {strides = array<i32>} : memref<64x1024xf32, #tpu.memory_space<vmem>>, vector<1x16xf32>,
      %swap3A_222 = arith.index_cast %scan3A_26 : i32 to index
      %swap3A_223 = arith.constant 624 : index
      %swap3A_224 = tpu.vector_load %arg7[%swap3A_222, %swap3A_223] {strides = array<i32>} : memref<64x1024xf32, #tpu.memory_space<vmem>>, vector<1x16xf32>,
      %swap3A_225 = vector.shape_cast %swap3A_224 : vector<1x16xf32> to vector<16xf32>
      %swap3A_226 = vector.shape_cast %broadcast_in_dim3A_1 : vector<16xf32> to vector<1x16xf32>
      tpu.vector_store %arg7[%swap3A_222, %swap3A_223], %swap3A_226 {strides = array<i32>} : memref<64x1024xf32, #tpu.memory_space<vmem>>, vector<1x16xf32>,
      %swap3A_227 = arith.index_cast %scan3A_26 : i32 to index
      %swap3A_228 = arith.constant 640 : index
      %swap3A_229 = tpu.vector_load %arg7[%swap3A_227, %swap3A_228] {strides = array<i32>} : memref<64x1024xf32, #tpu.memory_space<vmem>>, vector<1x16xf32>,
      %swap3A_230 = vector.shape_cast %swap3A_229 : vector<1x16xf32> to vector<16xf32>
      %swap3A_231 = vector.shape_cast %broadcast_in_dim3A_1 : vector<16xf32> to vector<1x16xf32>
      tpu.vector_store %arg7[%swap3A_227, %swap3A_228], %swap3A_231 {strides = array<i32>} : memref<64x1024xf32, #tpu.memory_space<vmem>>, vector<1x16xf32>,
      %swap3A_232 = arith.index_cast %scan3A_26 : i32 to index
      %swap3A_233 = arith.constant 656 : index
      %swap3A_234 = tpu.vector_load %arg7[%swap3A_232, %swap3A_233] {strides = array<i32>} : memref<64x1024xf32, #tpu.memory_space<vmem>>, vector<1x16xf32>,
      %swap3A_235 = vector.shape_cast %swap3A_234 : vector<1x16xf32> to vector<16xf32>
      %swap3A_236 = vector.shape_cast %broadcast_in_dim3A_1 : vector<16xf32> to vector<1x16xf32>
      tpu.vector_store %arg7[%swap3A_232, %swap3A_233], %swap3A_236 {strides = array<i32>} : memref<64x1024xf32, #tpu.memory_space<vmem>>, vector<1x16xf32>,
      %swap3A_237 = arith.index_cast %scan3A_26 : i32 to index
      %swap3A_238 = arith.constant 672 : index
      %swap3A_239 = tpu.vector_load %arg7[%swap3A_237, %swap3A_238] {strides = array<i32>} : memref<64x1024xf32, #tpu.memory_space<vmem>>, vector<1x16xf32>,
      %swap3A_240 = vector.shape_cast %swap3A_239 : vector<1x16xf32> to vector<16xf32>
      %swap3A_241 = vector.shape_cast %broadcast_in_dim3A_1 : vector<16xf32> to vector<1x16xf32>
      tpu.vector_store %arg7[%swap3A_237, %swap3A_238], %swap3A_241 {strides = array<i32>} : memref<64x1024xf32, #tpu.memory_space<vmem>>, vector<1x16xf32>,
      %swap3A_242 = arith.index_cast %scan3A_26 : i32 to index
      %swap3A_243 = arith.constant 688 : index
      %swap3A_244 = tpu.vector_load %arg7[%swap3A_242, %swap3A_243] {strides = array<i32>} : memref<64x1024xf32, #tpu.memory_space<vmem>>, vector<1x16xf32>,
      %swap3A_245 = vector.shape_cast %swap3A_244 : vector<1x16xf32> to vector<16xf32>
      %swap3A_246 = vector.shape_cast %broadcast_in_dim3A_1 : vector<16xf32> to vector<1x16xf32>
      tpu.vector_store %arg7[%swap3A_242, %swap3A_243], %swap3A_246 {strides = array<i32>} : memref<64x1024xf32, #tpu.memory_space<vmem>>, vector<1x16xf32>,
      %swap3A_247 = arith.index_cast %scan3A_26 : i32 to index
      %swap3A_248 = arith.constant 704 : index
      %swap3A_249 = tpu.vector_load %arg7[%swap3A_247, %swap3A_248] {strides = array<i32>} : memref<64x1024xf32, #tpu.memory_space<vmem>>, vector<1x16xf32>,
      %swap3A_250 = vector.shape_cast %swap3A_249 : vector<1x16xf32> to vector<16xf32>
      %swap3A_251 = vector.shape_cast %broadcast_in_dim3A_1 : vector<16xf32> to vector<1x16xf32>
      tpu.vector_store %arg7[%swap3A_247, %swap3A_248], %swap3A_251 {strides = array<i32>} : memref<64x1024xf32, #tpu.memory_space<vmem>>, vector<1x16xf32>,
      %swap3A_252 = arith.index_cast %scan3A_26 : i32 to index
      %swap3A_253 = arith.constant 720 : index
      %swap3A_254 = tpu.vector_load %arg7[%swap3A_252, %swap3A_253] {strides = array<i32>} : memref<64x1024xf32, #tpu.memory_space<vmem>>, vector<1x16xf32>,
      %swap3A_255 = vector.shape_cast %swap3A_254 : vector<1x16xf32> to vector<16xf32>
      %swap3A_256 = vector.shape_cast %broadcast_in_dim3A_1 : vector<16xf32> to vector<1x16xf32>
      tpu.vector_store %arg7[%swap3A_252, %swap3A_253], %swap3A_256 {strides = array<i32>} : memref<64x1024xf32, #tpu.memory_space<vmem>>, vector<1x16xf32>,
      %swap3A_257 = arith.index_cast %scan3A_26 : i32 to index
      %swap3A_258 = arith.constant 736 : index
      %swap3A_259 = tpu.vector_load %arg7[%swap3A_257, %swap3A_258] {strides = array<i32>} : memref<64x1024xf32, #tpu.memory_space<vmem>>, vector<1x16xf32>,
      %swap3A_260 = vector.shape_cast %swap3A_259 : vector<1x16xf32> to vector<16xf32>
      %swap3A_261 = vector.shape_cast %broadcast_in_dim3A_1 : vector<16xf32> to vector<1x16xf32>
      tpu.vector_store %arg7[%swap3A_257, %swap3A_258], %swap3A_261 {strides = array<i32>} : memref<64x1024xf32, #tpu.memory_space<vmem>>, vector<1x16xf32>,
      %swap3A_262 = arith.index_cast %scan3A_26 : i32 to index
      %swap3A_263 = arith.constant 752 : index
      %swap3A_264 = tpu.vector_load %arg7[%swap3A_262, %swap3A_263] {strides = array<i32>} : memref<64x1024xf32, #tpu.memory_space<vmem>>, vector<1x16xf32>,
      %swap3A_265 = vector.shape_cast %swap3A_264 : vector<1x16xf32> to vector<16xf32>
      %swap3A_266 = vector.shape_cast %broadcast_in_dim3A_1 : vector<16xf32> to vector<1x16xf32>
      tpu.vector_store %arg7[%swap3A_262, %swap3A_263], %swap3A_266 {strides = array<i32>} : memref<64x1024xf32, #tpu.memory_space<vmem>>, vector<1x16xf32>,
      %swap3A_267 = arith.index_cast %scan3A_26 : i32 to index
      %swap3A_268 = arith.constant 768 : index
      %swap3A_269 = tpu.vector_load %arg7[%swap3A_267, %swap3A_268] {strides = array<i32>} : memref<64x1024xf32, #tpu.memory_space<vmem>>, vector<1x16xf32>,
      %swap3A_270 = vector.shape_cast %swap3A_269 : vector<1x16xf32> to vector<16xf32>
      %swap3A_271 = vector.shape_cast %broadcast_in_dim3A_1 : vector<16xf32> to vector<1x16xf32>
      tpu.vector_store %arg7[%swap3A_267, %swap3A_268], %swap3A_271 {strides = array<i32>} : memref<64x1024xf32, #tpu.memory_space<vmem>>, vector<1x16xf32>,
      %swap3A_272 = arith.index_cast %scan3A_26 : i32 to index
      %swap3A_273 = arith.constant 784 : index
      %swap3A_274 = tpu.vector_load %arg7[%swap3A_272, %swap3A_273] {strides = array<i32>} : memref<64x1024xf32, #tpu.memory_space<vmem>>, vector<1x16xf32>,
      %swap3A_275 = vector.shape_cast %swap3A_274 : vector<1x16xf32> to vector<16xf32>
      %swap3A_276 = vector.shape_cast %broadcast_in_dim3A_1 : vector<16xf32> to vector<1x16xf32>
      tpu.vector_store %arg7[%swap3A_272, %swap3A_273], %swap3A_276 {strides = array<i32>} : memref<64x1024xf32, #tpu.memory_space<vmem>>, vector<1x16xf32>,
      %swap3A_277 = arith.index_cast %scan3A_26 : i32 to index
      %swap3A_278 = arith.constant 800 : index
      %swap3A_279 = tpu.vector_load %arg7[%swap3A_277, %swap3A_278] {strides = array<i32>} : memref<64x1024xf32, #tpu.memory_space<vmem>>, vector<1x16xf32>,
      %swap3A_280 = vector.shape_cast %swap3A_279 : vector<1x16xf32> to vector<16xf32>
      %swap3A_281 = vector.shape_cast %broadcast_in_dim3A_1 : vector<16xf32> to vector<1x16xf32>
      tpu.vector_store %arg7[%swap3A_277, %swap3A_278], %swap3A_281 {strides = array<i32>} : memref<64x1024xf32, #tpu.memory_space<vmem>>, vector<1x16xf32>,
      %swap3A_282 = arith.index_cast %scan3A_26 : i32 to index
      %swap3A_283 = arith.constant 816 : index
      %swap3A_284 = tpu.vector_load %arg7[%swap3A_282, %swap3A_283] {strides = array<i32>} : memref<64x1024xf32, #tpu.memory_space<vmem>>, vector<1x16xf32>,
      %swap3A_285 = vector.shape_cast %swap3A_284 : vector<1x16xf32> to vector<16xf32>
      %swap3A_286 = vector.shape_cast %broadcast_in_dim3A_1 : vector<16xf32> to vector<1x16xf32>
      tpu.vector_store %arg7[%swap3A_282, %swap3A_283], %swap3A_286 {strides = array<i32>} : memref<64x1024xf32, #tpu.memory_space<vmem>>, vector<1x16xf32>,
      %swap3A_287 = arith.index_cast %scan3A_26 : i32 to index
      %swap3A_288 = arith.constant 832 : index
      %swap3A_289 = tpu.vector_load %arg7[%swap3A_287, %swap3A_288] {strides = array<i32>} : memref<64x1024xf32, #tpu.memory_space<vmem>>, vector<1x16xf32>,
      %swap3A_290 = vector.shape_cast %swap3A_289 : vector<1x16xf32> to vector<16xf32>
      %swap3A_291 = vector.shape_cast %broadcast_in_dim3A_1 : vector<16xf32> to vector<1x16xf32>
      tpu.vector_store %arg7[%swap3A_287, %swap3A_288], %swap3A_291 {strides = array<i32>} : memref<64x1024xf32, #tpu.memory_space<vmem>>, vector<1x16xf32>,
      %swap3A_292 = arith.index_cast %scan3A_26 : i32 to index
      %swap3A_293 = arith.constant 848 : index
      %swap3A_294 = tpu.vector_load %arg7[%swap3A_292, %swap3A_293] {strides = array<i32>} : memref<64x1024xf32, #tpu.memory_space<vmem>>, vector<1x16xf32>,
      %swap3A_295 = vector.shape_cast %swap3A_294 : vector<1x16xf32> to vector<16xf32>
      %swap3A_296 = vector.shape_cast %broadcast_in_dim3A_1 : vector<16xf32> to vector<1x16xf32>
      tpu.vector_store %arg7[%swap3A_292, %swap3A_293], %swap3A_296 {strides = array<i32>} : memref<64x1024xf32, #tpu.memory_space<vmem>>, vector<1x16xf32>,
      %swap3A_297 = arith.index_cast %scan3A_26 : i32 to index
      %swap3A_298 = arith.constant 864 : index
      %swap3A_299 = tpu.vector_load %arg7[%swap3A_297, %swap3A_298] {strides = array<i32>} : memref<64x1024xf32, #tpu.memory_space<vmem>>, vector<1x16xf32>,
      %swap3A_300 = vector.shape_cast %swap3A_299 : vector<1x16xf32> to vector<16xf32>
      %swap3A_301 = vector.shape_cast %broadcast_in_dim3A_1 : vector<16xf32> to vector<1x16xf32>
      tpu.vector_store %arg7[%swap3A_297, %swap3A_298], %swap3A_301 {strides = array<i32>} : memref<64x1024xf32, #tpu.memory_space<vmem>>, vector<1x16xf32>,
      %swap3A_302 = arith.index_cast %scan3A_26 : i32 to index
      %swap3A_303 = arith.constant 880 : index
      %swap3A_304 = tpu.vector_load %arg7[%swap3A_302, %swap3A_303] {strides = array<i32>} : memref<64x1024xf32, #tpu.memory_space<vmem>>, vector<1x16xf32>,
      %swap3A_305 = vector.shape_cast %swap3A_304 : vector<1x16xf32> to vector<16xf32>
      %swap3A_306 = vector.shape_cast %broadcast_in_dim3A_1 : vector<16xf32> to vector<1x16xf32>
      tpu.vector_store %arg7[%swap3A_302, %swap3A_303], %swap3A_306 {strides = array<i32>} : memref<64x1024xf32, #tpu.memory_space<vmem>>, vector<1x16xf32>,
      %swap3A_307 = arith.index_cast %scan3A_26 : i32 to index
      %swap3A_308 = arith.constant 896 : index
      %swap3A_309 = tpu.vector_load %arg7[%swap3A_307, %swap3A_308] {strides = array<i32>} : memref<64x1024xf32, #tpu.memory_space<vmem>>, vector<1x16xf32>,
      %swap3A_310 = vector.shape_cast %swap3A_309 : vector<1x16xf32> to vector<16xf32>
      %swap3A_311 = vector.shape_cast %broadcast_in_dim3A_1 : vector<16xf32> to vector<1x16xf32>
      tpu.vector_store %arg7[%swap3A_307, %swap3A_308], %swap3A_311 {strides = array<i32>} : memref<64x1024xf32, #tpu.memory_space<vmem>>, vector<1x16xf32>,
      %swap3A_312 = arith.index_cast %scan3A_26 : i32 to index
      %swap3A_313 = arith.constant 912 : index
      %swap3A_314 = tpu.vector_load %arg7[%swap3A_312, %swap3A_313] {strides = array<i32>} : memref<64x1024xf32, #tpu.memory_space<vmem>>, vector<1x16xf32>,
      %swap3A_315 = vector.shape_cast %swap3A_314 : vector<1x16xf32> to vector<16xf32>
      %swap3A_316 = vector.shape_cast %broadcast_in_dim3A_1 : vector<16xf32> to vector<1x16xf32>
      tpu.vector_store %arg7[%swap3A_312, %swap3A_313], %swap3A_316 {strides = array<i32>} : memref<64x1024xf32, #tpu.memory_space<vmem>>, vector<1x16xf32>,
      %swap3A_317 = arith.index_cast %scan3A_26 : i32 to index
      %swap3A_318 = arith.constant 928 : index
      %swap3A_319 = tpu.vector_load %arg7[%swap3A_317, %swap3A_318] {strides = array<i32>} : memref<64x1024xf32, #tpu.memory_space<vmem>>, vector<1x16xf32>,
      %swap3A_320 = vector.shape_cast %swap3A_319 : vector<1x16xf32> to vector<16xf32>
      %swap3A_321 = vector.shape_cast %broadcast_in_dim3A_1 : vector<16xf32> to vector<1x16xf32>
      tpu.vector_store %arg7[%swap3A_317, %swap3A_318], %swap3A_321 {strides = array<i32>} : memref<64x1024xf32, #tpu.memory_space<vmem>>, vector<1x16xf32>,
      %swap3A_322 = arith.index_cast %scan3A_26 : i32 to index
      %swap3A_323 = arith.constant 944 : index
      %swap3A_324 = tpu.vector_load %arg7[%swap3A_322, %swap3A_323] {strides = array<i32>} : memref<64x1024xf32, #tpu.memory_space<vmem>>, vector<1x16xf32>,
      %swap3A_325 = vector.shape_cast %swap3A_324 : vector<1x16xf32> to vector<16xf32>
      %swap3A_326 = vector.shape_cast %broadcast_in_dim3A_1 : vector<16xf32> to vector<1x16xf32>
      tpu.vector_store %arg7[%swap3A_322, %swap3A_323], %swap3A_326 {strides = array<i32>} : memref<64x1024xf32, #tpu.memory_space<vmem>>, vector<1x16xf32>,
      %swap3A_327 = arith.index_cast %scan3A_26 : i32 to index
      %swap3A_328 = arith.constant 960 : index
      %swap3A_329 = tpu.vector_load %arg7[%swap3A_327, %swap3A_328] {strides = array<i32>} : memref<64x1024xf32, #tpu.memory_space<vmem>>, vector<1x16xf32>,
      %swap3A_330 = vector.shape_cast %swap3A_329 : vector<1x16xf32> to vector<16xf32>
      %swap3A_331 = vector.shape_cast %broadcast_in_dim3A_1 : vector<16xf32> to vector<1x16xf32>
      tpu.vector_store %arg7[%swap3A_327, %swap3A_328], %swap3A_331 {strides = array<i32>} : memref<64x1024xf32, #tpu.memory_space<vmem>>, vector<1x16xf32>,
      %swap3A_332 = arith.index_cast %scan3A_26 : i32 to index
      %swap3A_333 = arith.constant 976 : index
      %swap3A_334 = tpu.vector_load %arg7[%swap3A_332, %swap3A_333] {strides = array<i32>} : memref<64x1024xf32, #tpu.memory_space<vmem>>, vector<1x16xf32>,
      %swap3A_335 = vector.shape_cast %swap3A_334 : vector<1x16xf32> to vector<16xf32>
      %swap3A_336 = vector.shape_cast %broadcast_in_dim3A_1 : vector<16xf32> to vector<1x16xf32>
      tpu.vector_store %arg7[%swap3A_332, %swap3A_333], %swap3A_336 {strides = array<i32>} : memref<64x1024xf32, #tpu.memory_space<vmem>>, vector<1x16xf32>,
      %swap3A_337 = arith.index_cast %scan3A_26 : i32 to index
      %swap3A_338 = arith.constant 992 : index
      %swap3A_339 = tpu.vector_load %arg7[%swap3A_337, %swap3A_338] {strides = array<i32>} : memref<64x1024xf32, #tpu.memory_space<vmem>>, vector<1x16xf32>,
      %swap3A_340 = vector.shape_cast %swap3A_339 : vector<1x16xf32> to vector<16xf32>
      %swap3A_341 = vector.shape_cast %broadcast_in_dim3A_1 : vector<16xf32> to vector<1x16xf32>
      tpu.vector_store %arg7[%swap3A_337, %swap3A_338], %swap3A_341 {strides = array<i32>} : memref<64x1024xf32, #tpu.memory_space<vmem>>, vector<1x16xf32>,
      %swap3A_342 = arith.index_cast %scan3A_26 : i32 to index
      %swap3A_343 = arith.constant 1008 : index
      %swap3A_344 = tpu.vector_load %arg7[%swap3A_342, %swap3A_343] {strides = array<i32>} : memref<64x1024xf32, #tpu.memory_space<vmem>>, vector<1x16xf32>,
      %swap3A_345 = vector.shape_cast %swap3A_344 : vector<1x16xf32> to vector<16xf32>
      %swap3A_346 = vector.shape_cast %broadcast_in_dim3A_1 : vector<16xf32> to vector<1x16xf32>
      tpu.vector_store %arg7[%swap3A_342, %swap3A_343], %swap3A_346 {strides = array<i32>} : memref<64x1024xf32, #tpu.memory_space<vmem>>, vector<1x16xf32>,
      %scan3A_347 = arith.constant 0 : i32
      scf.yield %scan3A_347 : i32
    }
    %scan3A_7 = arith.constant 64 : i32
    %run_scoped3A = arith.constant 0 : i32
    "tpu.region"() ({
      %run_scoped3A_26 = tpu.sem_alloc : memref<!tpu.dma_semaphore, #tpu.memory_space<semaphore_mem>>
      %dma_start3A = arith.constant 0 : i32
      %dma_start3A_27 = tpu.memref_slice %arg2[%run_scoped3A, %dma_start3A] : memref<4x256xi32, #tpu.memory_space<hbm>> -> memref<1x16xi32, #tpu.memory_space<hbm>>
      %dma_start3A_28 = tpu.memref_squeeze %dma_start3A_27 : memref<1x16xi32, #tpu.memory_space<hbm>> -> memref<16xi32, #tpu.memory_space<hbm>>
      %dma_start3A_29 = arith.constant 0 : i32
      %dma_start3A_30 = tpu.memref_slice %arg2[%run_scoped3A, %dma_start3A_29] : memref<4x256xi32, #tpu.memory_space<hbm>> -> memref<1x16xi32, #tpu.memory_space<hbm>>
      %dma_start3A_31 = tpu.memref_squeeze %dma_start3A_30 : memref<1x16xi32, #tpu.memory_space<hbm>> -> memref<16xi32, #tpu.memory_space<hbm>>
      tpu.enqueue_dma source(%dma_start3A_31 : memref<16xi32, #tpu.memory_space<hbm>>) target(%arg6 : memref<16xi32, #tpu.memory_space<vmem>>) target_semaphore(%run_scoped3A_26 : memref<!tpu.dma_semaphore, #tpu.memory_space<semaphore_mem>>)
      %dma_wait3A = arith.constant 0 : i32
      %dma_wait3A_32 = tpu.memref_slice %arg2[%run_scoped3A, %dma_wait3A] : memref<4x256xi32, #tpu.memory_space<hbm>> -> memref<1x16xi32, #tpu.memory_space<hbm>>
      %dma_wait3A_33 = tpu.memref_squeeze %dma_wait3A_32 : memref<1x16xi32, #tpu.memory_space<hbm>> -> memref<16xi32, #tpu.memory_space<hbm>>
      %dma_wait3A_34 = arith.constant 0 : i32
      %dma_wait3A_35 = tpu.memref_slice %arg2[%run_scoped3A, %dma_wait3A_34] : memref<4x256xi32, #tpu.memory_space<hbm>> -> memref<1x16xi32, #tpu.memory_space<hbm>>
      %dma_wait3A_36 = tpu.memref_squeeze %dma_wait3A_35 : memref<1x16xi32, #tpu.memory_space<hbm>> -> memref<16xi32, #tpu.memory_space<hbm>>
      tpu.wait_dma2 semaphore(%run_scoped3A_26 : memref<!tpu.dma_semaphore, #tpu.memory_space<semaphore_mem>>) src(%dma_wait3A_36 : memref<16xi32, #tpu.memory_space<hbm>>) dst(%arg6 : memref<16xi32, #tpu.memory_space<vmem>>)
      tpu.yield
    }) : () -> ()
    %get3A = arith.constant 0 : index
    %get3A_8 = tpu.vector_load %arg6[%get3A] {strides = array<i32>} : memref<16xi32, #tpu.memory_space<vmem>>, vector<16xi32>,
    %get3A_9 = vector.shape_cast %get3A_8 : vector<16xi32> to vector<16xi32>
    %slice3A = vector.extract_strided_slice %get3A_9 {offsets = [0], sizes = [1], strides = [1]} : vector<16xi32> to vector<1xi32>
    %squeeze3A = vector.extract %slice3A[0] : i32 from vector<1xi32>
    %add3A_10 = arith.constant 0 : i32
    %add3A_11 = arith.addi %squeeze3A, %add3A_10 : i32
    %div3A = arith.constant 1 : i32
    %div3A_12 = arith.divsi %add3A_11, %div3A : i32
    %rem3A = arith.constant 32 : i32
    %rem3A_13 = arith.remsi %div3A_12, %rem3A : i32
    %mul3A_14 = arith.constant 256 : i32
    %mul3A_15 = arith.muli %rem3A_13, %mul3A_14 : i32
    %lt3A = arith.constant 16 : i32
    %lt3A_16 = arith.cmpi slt, %add3A, %lt3A : i32
    %rem3A_17 = arith.constant 16 : i32
    %rem3A_18 = arith.remsi %add3A, %rem3A_17 : i32
    %mul3A_19 = arith.constant 4 : i32
    %mul3A_20 = arith.muli %rem3A_18, %mul3A_19 : i32
    %convert_element_type3A = arith.extui %lt3A_16 : i1 to i32
    %cond3A = arith.constant 0 : i32
    %cond3A_21 = arith.cmpi ne, %convert_element_type3A, %cond3A : i32
    scf.if %cond3A_21 {
      %add3A_26 = arith.constant 0 : i32
      %add3A_27 = arith.addi %mul3A_20, %add3A_26 : i32
      %dma_start3A = arith.constant 0 : i32
      %dma_start3A_28 = arith.constant 0 : i32
      %dma_start3A_29 = tpu.memref_slice %arg4[%add3A_27, %dma_start3A, %dma_start3A_28] : memref<64x64x8448xf32, #tpu.memory_space<hbm>> -> memref<1x64x1024xf32, #tpu.memory_space<hbm>>
      %dma_start3A_30 = tpu.memref_squeeze %dma_start3A_29 : memref<1x64x1024xf32, #tpu.memory_space<hbm>> -> memref<64x1024xf32, #tpu.memory_space<hbm>>
      %dma_start3A_31 = arith.constant 0 : i32
      %dma_start3A_32 = arith.constant 0 : i32
      %dma_start3A_33 = tpu.memref_slice %arg4[%add3A_27, %dma_start3A_31, %dma_start3A_32] : memref<64x64x8448xf32, #tpu.memory_space<hbm>> -> memref<1x64x1024xf32, #tpu.memory_space<hbm>>
      %dma_start3A_34 = tpu.memref_squeeze %dma_start3A_33 : memref<1x64x1024xf32, #tpu.memory_space<hbm>> -> memref<64x1024xf32, #tpu.memory_space<hbm>>
      tpu.enqueue_dma source(%arg7 : memref<64x1024xf32, #tpu.memory_space<vmem>>) target(%dma_start3A_34 : memref<64x1024xf32, #tpu.memory_space<hbm>>) target_semaphore(%arg9 : memref<!tpu.dma_semaphore, #tpu.memory_space<semaphore_mem>>)
      %dma_start3A_35 = arith.constant 0 : i32
      %dma_start3A_36 = arith.constant 1024 : i32
      %dma_start3A_37 = tpu.memref_slice %arg4[%add3A_27, %dma_start3A_35, %dma_start3A_36] : memref<64x64x8448xf32, #tpu.memory_space<hbm>> -> memref<1x64x1024xf32, #tpu.memory_space<hbm>>
      %dma_start3A_38 = tpu.memref_squeeze %dma_start3A_37 : memref<1x64x1024xf32, #tpu.memory_space<hbm>> -> memref<64x1024xf32, #tpu.memory_space<hbm>>
      %dma_start3A_39 = arith.constant 0 : i32
      %dma_start3A_40 = arith.constant 1024 : i32
      %dma_start3A_41 = tpu.memref_slice %arg4[%add3A_27, %dma_start3A_39, %dma_start3A_40] : memref<64x64x8448xf32, #tpu.memory_space<hbm>> -> memref<1x64x1024xf32, #tpu.memory_space<hbm>>
      %dma_start3A_42 = tpu.memref_squeeze %dma_start3A_41 : memref<1x64x1024xf32, #tpu.memory_space<hbm>> -> memref<64x1024xf32, #tpu.memory_space<hbm>>
      tpu.enqueue_dma source(%arg7 : memref<64x1024xf32, #tpu.memory_space<vmem>>) target(%dma_start3A_42 : memref<64x1024xf32, #tpu.memory_space<hbm>>) target_semaphore(%arg9 : memref<!tpu.dma_semaphore, #tpu.memory_space<semaphore_mem>>)
      %dma_start3A_43 = arith.constant 0 : i32
      %dma_start3A_44 = arith.constant 2048 : i32
      %dma_start3A_45 = tpu.memref_slice %arg4[%add3A_27, %dma_start3A_43, %dma_start3A_44] : memref<64x64x8448xf32, #tpu.memory_space<hbm>> -> memref<1x64x1024xf32, #tpu.memory_space<hbm>>
      %dma_start3A_46 = tpu.memref_squeeze %dma_start3A_45 : memref<1x64x1024xf32, #tpu.memory_space<hbm>> -> memref<64x1024xf32, #tpu.memory_space<hbm>>
      %dma_start3A_47 = arith.constant 0 : i32
      %dma_start3A_48 = arith.constant 2048 : i32
      %dma_start3A_49 = tpu.memref_slice %arg4[%add3A_27, %dma_start3A_47, %dma_start3A_48] : memref<64x64x8448xf32, #tpu.memory_space<hbm>> -> memref<1x64x1024xf32, #tpu.memory_space<hbm>>
      %dma_start3A_50 = tpu.memref_squeeze %dma_start3A_49 : memref<1x64x1024xf32, #tpu.memory_space<hbm>> -> memref<64x1024xf32, #tpu.memory_space<hbm>>
      tpu.enqueue_dma source(%arg7 : memref<64x1024xf32, #tpu.memory_space<vmem>>) target(%dma_start3A_50 : memref<64x1024xf32, #tpu.memory_space<hbm>>) target_semaphore(%arg9 : memref<!tpu.dma_semaphore, #tpu.memory_space<semaphore_mem>>)
      %dma_start3A_51 = arith.constant 0 : i32
      %dma_start3A_52 = arith.constant 3072 : i32
      %dma_start3A_53 = tpu.memref_slice %arg4[%add3A_27, %dma_start3A_51, %dma_start3A_52] : memref<64x64x8448xf32, #tpu.memory_space<hbm>> -> memref<1x64x1024xf32, #tpu.memory_space<hbm>>
      %dma_start3A_54 = tpu.memref_squeeze %dma_start3A_53 : memref<1x64x1024xf32, #tpu.memory_space<hbm>> -> memref<64x1024xf32, #tpu.memory_space<hbm>>
      %dma_start3A_55 = arith.constant 0 : i32
      %dma_start3A_56 = arith.constant 3072 : i32
      %dma_start3A_57 = tpu.memref_slice %arg4[%add3A_27, %dma_start3A_55, %dma_start3A_56] : memref<64x64x8448xf32, #tpu.memory_space<hbm>> -> memref<1x64x1024xf32, #tpu.memory_space<hbm>>
      %dma_start3A_58 = tpu.memref_squeeze %dma_start3A_57 : memref<1x64x1024xf32, #tpu.memory_space<hbm>> -> memref<64x1024xf32, #tpu.memory_space<hbm>>
      tpu.enqueue_dma source(%arg7 : memref<64x1024xf32, #tpu.memory_space<vmem>>) target(%dma_start3A_58 : memref<64x1024xf32, #tpu.memory_space<hbm>>) target_semaphore(%arg9 : memref<!tpu.dma_semaphore, #tpu.memory_space<semaphore_mem>>)
      %dma_start3A_59 = arith.constant 0 : i32
      %dma_start3A_60 = arith.constant 4096 : i32
      %dma_start3A_61 = tpu.memref_slice %arg4[%add3A_27, %dma_start3A_59, %dma_start3A_60] : memref<64x64x8448xf32, #tpu.memory_space<hbm>> -> memref<1x64x1024xf32, #tpu.memory_space<hbm>>
      %dma_start3A_62 = tpu.memref_squeeze %dma_start3A_61 : memref<1x64x1024xf32, #tpu.memory_space<hbm>> -> memref<64x1024xf32, #tpu.memory_space<hbm>>
      %dma_start3A_63 = arith.constant 0 : i32
      %dma_start3A_64 = arith.constant 4096 : i32
      %dma_start3A_65 = tpu.memref_slice %arg4[%add3A_27, %dma_start3A_63, %dma_start3A_64] : memref<64x64x8448xf32, #tpu.memory_space<hbm>> -> memref<1x64x1024xf32, #tpu.memory_space<hbm>>
      %dma_start3A_66 = tpu.memref_squeeze %dma_start3A_65 : memref<1x64x1024xf32, #tpu.memory_space<hbm>> -> memref<64x1024xf32, #tpu.memory_space<hbm>>
      tpu.enqueue_dma source(%arg7 : memref<64x1024xf32, #tpu.memory_space<vmem>>) target(%dma_start3A_66 : memref<64x1024xf32, #tpu.memory_space<hbm>>) target_semaphore(%arg9 : memref<!tpu.dma_semaphore, #tpu.memory_space<semaphore_mem>>)
      %dma_start3A_67 = arith.constant 0 : i32
      %dma_start3A_68 = arith.constant 5120 : i32
      %dma_start3A_69 = tpu.memref_slice %arg4[%add3A_27, %dma_start3A_67, %dma_start3A_68] : memref<64x64x8448xf32, #tpu.memory_space<hbm>> -> memref<1x64x1024xf32, #tpu.memory_space<hbm>>
      %dma_start3A_70 = tpu.memref_squeeze %dma_start3A_69 : memref<1x64x1024xf32, #tpu.memory_space<hbm>> -> memref<64x1024xf32, #tpu.memory_space<hbm>>
      %dma_start3A_71 = arith.constant 0 : i32
      %dma_start3A_72 = arith.constant 5120 : i32
      %dma_start3A_73 = tpu.memref_slice %arg4[%add3A_27, %dma_start3A_71, %dma_start3A_72] : memref<64x64x8448xf32, #tpu.memory_space<hbm>> -> memref<1x64x1024xf32, #tpu.memory_space<hbm>>
      %dma_start3A_74 = tpu.memref_squeeze %dma_start3A_73 : memref<1x64x1024xf32, #tpu.memory_space<hbm>> -> memref<64x1024xf32, #tpu.memory_space<hbm>>
      tpu.enqueue_dma source(%arg7 : memref<64x1024xf32, #tpu.memory_space<vmem>>) target(%dma_start3A_74 : memref<64x1024xf32, #tpu.memory_space<hbm>>) target_semaphore(%arg9 : memref<!tpu.dma_semaphore, #tpu.memory_space<semaphore_mem>>)
      %dma_start3A_75 = arith.constant 0 : i32
      %dma_start3A_76 = arith.constant 6144 : i32
      %dma_start3A_77 = tpu.memref_slice %arg4[%add3A_27, %dma_start3A_75, %dma_start3A_76] : memref<64x64x8448xf32, #tpu.memory_space<hbm>> -> memref<1x64x1024xf32, #tpu.memory_space<hbm>>
      %dma_start3A_78 = tpu.memref_squeeze %dma_start3A_77 : memref<1x64x1024xf32, #tpu.memory_space<hbm>> -> memref<64x1024xf32, #tpu.memory_space<hbm>>
      %dma_start3A_79 = arith.constant 0 : i32
      %dma_start3A_80 = arith.constant 6144 : i32
      %dma_start3A_81 = tpu.memref_slice %arg4[%add3A_27, %dma_start3A_79, %dma_start3A_80] : memref<64x64x8448xf32, #tpu.memory_space<hbm>> -> memref<1x64x1024xf32, #tpu.memory_space<hbm>>
      %dma_start3A_82 = tpu.memref_squeeze %dma_start3A_81 : memref<1x64x1024xf32, #tpu.memory_space<hbm>> -> memref<64x1024xf32, #tpu.memory_space<hbm>>
      tpu.enqueue_dma source(%arg7 : memref<64x1024xf32, #tpu.memory_space<vmem>>) target(%dma_start3A_82 : memref<64x1024xf32, #tpu.memory_space<hbm>>) target_semaphore(%arg9 : memref<!tpu.dma_semaphore, #tpu.memory_space<semaphore_mem>>)
      %dma_start3A_83 = arith.constant 0 : i32
      %dma_start3A_84 = arith.constant 7168 : i32
      %dma_start3A_85 = tpu.memref_slice %arg4[%add3A_27, %dma_start3A_83, %dma_start3A_84] : memref<64x64x8448xf32, #tpu.memory_space<hbm>> -> memref<1x64x1024xf32, #tpu.memory_space<hbm>>
      %dma_start3A_86 = tpu.memref_squeeze %dma_start3A_85 : memref<1x64x1024xf32, #tpu.memory_space<hbm>> -> memref<64x1024xf32, #tpu.memory_space<hbm>>
      %dma_start3A_87 = arith.constant 0 : i32
      %dma_start3A_88 = arith.constant 7168 : i32
      %dma_start3A_89 = tpu.memref_slice %arg4[%add3A_27, %dma_start3A_87, %dma_start3A_88] : memref<64x64x8448xf32, #tpu.memory_space<hbm>> -> memref<1x64x1024xf32, #tpu.memory_space<hbm>>
      %dma_start3A_90 = tpu.memref_squeeze %dma_start3A_89 : memref<1x64x1024xf32, #tpu.memory_space<hbm>> -> memref<64x1024xf32, #tpu.memory_space<hbm>>
      tpu.enqueue_dma source(%arg7 : memref<64x1024xf32, #tpu.memory_space<vmem>>) target(%dma_start3A_90 : memref<64x1024xf32, #tpu.memory_space<hbm>>) target_semaphore(%arg9 : memref<!tpu.dma_semaphore, #tpu.memory_space<semaphore_mem>>)
      %add3A_91 = arith.constant 1 : i32
      %add3A_92 = arith.addi %mul3A_20, %add3A_91 : i32
      %dma_start3A_93 = arith.constant 0 : i32
      %dma_start3A_94 = arith.constant 0 : i32
      %dma_start3A_95 = tpu.memref_slice %arg4[%add3A_92, %dma_start3A_93, %dma_start3A_94] : memref<64x64x8448xf32, #tpu.memory_space<hbm>> -> memref<1x64x1024xf32, #tpu.memory_space<hbm>>
      %dma_start3A_96 = tpu.memref_squeeze %dma_start3A_95 : memref<1x64x1024xf32, #tpu.memory_space<hbm>> -> memref<64x1024xf32, #tpu.memory_space<hbm>>
      %dma_start3A_97 = arith.constant 0 : i32
      %dma_start3A_98 = arith.constant 0 : i32
      %dma_start3A_99 = tpu.memref_slice %arg4[%add3A_92, %dma_start3A_97, %dma_start3A_98] : memref<64x64x8448xf32, #tpu.memory_space<hbm>> -> memref<1x64x1024xf32, #tpu.memory_space<hbm>>
      %dma_start3A_100 = tpu.memref_squeeze %dma_start3A_99 : memref<1x64x1024xf32, #tpu.memory_space<hbm>> -> memref<64x1024xf32, #tpu.memory_space<hbm>>
      tpu.enqueue_dma source(%arg7 : memref<64x1024xf32, #tpu.memory_space<vmem>>) target(%dma_start3A_100 : memref<64x1024xf32, #tpu.memory_space<hbm>>) target_semaphore(%arg9 : memref<!tpu.dma_semaphore, #tpu.memory_space<semaphore_mem>>)
      %dma_start3A_101 = arith.constant 0 : i32
      %dma_start3A_102 = arith.constant 1024 : i32
      %dma_start3A_103 = tpu.memref_slice %arg4[%add3A_92, %dma_start3A_101, %dma_start3A_102] : memref<64x64x8448xf32, #tpu.memory_space<hbm>> -> memref<1x64x1024xf32, #tpu.memory_space<hbm>>
      %dma_start3A_104 = tpu.memref_squeeze %dma_start3A_103 : memref<1x64x1024xf32, #tpu.memory_space<hbm>> -> memref<64x1024xf32, #tpu.memory_space<hbm>>
      %dma_start3A_105 = arith.constant 0 : i32
      %dma_start3A_106 = arith.constant 1024 : i32
      %dma_start3A_107 = tpu.memref_slice %arg4[%add3A_92, %dma_start3A_105, %dma_start3A_106] : memref<64x64x8448xf32, #tpu.memory_space<hbm>> -> memref<1x64x1024xf32, #tpu.memory_space<hbm>>
      %dma_start3A_108 = tpu.memref_squeeze %dma_start3A_107 : memref<1x64x1024xf32, #tpu.memory_space<hbm>> -> memref<64x1024xf32, #tpu.memory_space<hbm>>
      tpu.enqueue_dma source(%arg7 : memref<64x1024xf32, #tpu.memory_space<vmem>>) target(%dma_start3A_108 : memref<64x1024xf32, #tpu.memory_space<hbm>>) target_semaphore(%arg9 : memref<!tpu.dma_semaphore, #tpu.memory_space<semaphore_mem>>)
      %dma_start3A_109 = arith.constant 0 : i32
      %dma_start3A_110 = arith.constant 2048 : i32
      %dma_start3A_111 = tpu.memref_slice %arg4[%add3A_92, %dma_start3A_109, %dma_start3A_110] : memref<64x64x8448xf32, #tpu.memory_space<hbm>> -> memref<1x64x1024xf32, #tpu.memory_space<hbm>>
      %dma_start3A_112 = tpu.memref_squeeze %dma_start3A_111 : memref<1x64x1024xf32, #tpu.memory_space<hbm>> -> memref<64x1024xf32, #tpu.memory_space<hbm>>
      %dma_start3A_113 = arith.constant 0 : i32
      %dma_start3A_114 = arith.constant 2048 : i32
      %dma_start3A_115 = tpu.memref_slice %arg4[%add3A_92, %dma_start3A_113, %dma_start3A_114] : memref<64x64x8448xf32, #tpu.memory_space<hbm>> -> memref<1x64x1024xf32, #tpu.memory_space<hbm>>
      %dma_start3A_116 = tpu.memref_squeeze %dma_start3A_115 : memref<1x64x1024xf32, #tpu.memory_space<hbm>> -> memref<64x1024xf32, #tpu.memory_space<hbm>>
      tpu.enqueue_dma source(%arg7 : memref<64x1024xf32, #tpu.memory_space<vmem>>) target(%dma_start3A_116 : memref<64x1024xf32, #tpu.memory_space<hbm>>) target_semaphore(%arg9 : memref<!tpu.dma_semaphore, #tpu.memory_space<semaphore_mem>>)
      %dma_start3A_117 = arith.constant 0 : i32
      %dma_start3A_118 = arith.constant 3072 : i32
      %dma_start3A_119 = tpu.memref_slice %arg4[%add3A_92, %dma_start3A_117, %dma_start3A_118] : memref<64x64x8448xf32, #tpu.memory_space<hbm>> -> memref<1x64x1024xf32, #tpu.memory_space<hbm>>
      %dma_start3A_120 = tpu.memref_squeeze %dma_start3A_119 : memref<1x64x1024xf32, #tpu.memory_space<hbm>> -> memref<64x1024xf32, #tpu.memory_space<hbm>>
      %dma_start3A_121 = arith.constant 0 : i32
      %dma_start3A_122 = arith.constant 3072 : i32
      %dma_start3A_123 = tpu.memref_slice %arg4[%add3A_92, %dma_start3A_121, %dma_start3A_122] : memref<64x64x8448xf32, #tpu.memory_space<hbm>> -> memref<1x64x1024xf32, #tpu.memory_space<hbm>>
      %dma_start3A_124 = tpu.memref_squeeze %dma_start3A_123 : memref<1x64x1024xf32, #tpu.memory_space<hbm>> -> memref<64x1024xf32, #tpu.memory_space<hbm>>
      tpu.enqueue_dma source(%arg7 : memref<64x1024xf32, #tpu.memory_space<vmem>>) target(%dma_start3A_124 : memref<64x1024xf32, #tpu.memory_space<hbm>>) target_semaphore(%arg9 : memref<!tpu.dma_semaphore, #tpu.memory_space<semaphore_mem>>)
      %dma_start3A_125 = arith.constant 0 : i32
      %dma_start3A_126 = arith.constant 4096 : i32
      %dma_start3A_127 = tpu.memref_slice %arg4[%add3A_92, %dma_start3A_125, %dma_start3A_126] : memref<64x64x8448xf32, #tpu.memory_space<hbm>> -> memref<1x64x1024xf32, #tpu.memory_space<hbm>>
      %dma_start3A_128 = tpu.memref_squeeze %dma_start3A_127 : memref<1x64x1024xf32, #tpu.memory_space<hbm>> -> memref<64x1024xf32, #tpu.memory_space<hbm>>
      %dma_start3A_129 = arith.constant 0 : i32
      %dma_start3A_130 = arith.constant 4096 : i32
      %dma_start3A_131 = tpu.memref_slice %arg4[%add3A_92, %dma_start3A_129, %dma_start3A_130] : memref<64x64x8448xf32, #tpu.memory_space<hbm>> -> memref<1x64x1024xf32, #tpu.memory_space<hbm>>
      %dma_start3A_132 = tpu.memref_squeeze %dma_start3A_131 : memref<1x64x1024xf32, #tpu.memory_space<hbm>> -> memref<64x1024xf32, #tpu.memory_space<hbm>>
      tpu.enqueue_dma source(%arg7 : memref<64x1024xf32, #tpu.memory_space<vmem>>) target(%dma_start3A_132 : memref<64x1024xf32, #tpu.memory_space<hbm>>) target_semaphore(%arg9 : memref<!tpu.dma_semaphore, #tpu.memory_space<semaphore_mem>>)
      %dma_start3A_133 = arith.constant 0 : i32
      %dma_start3A_134 = arith.constant 5120 : i32
      %dma_start3A_135 = tpu.memref_slice %arg4[%add3A_92, %dma_start3A_133, %dma_start3A_134] : memref<64x64x8448xf32, #tpu.memory_space<hbm>> -> memref<1x64x1024xf32, #tpu.memory_space<hbm>>
      %dma_start3A_136 = tpu.memref_squeeze %dma_start3A_135 : memref<1x64x1024xf32, #tpu.memory_space<hbm>> -> memref<64x1024xf32, #tpu.memory_space<hbm>>
      %dma_start3A_137 = arith.constant 0 : i32
      %dma_start3A_138 = arith.constant 5120 : i32
      %dma_start3A_139 = tpu.memref_slice %arg4[%add3A_92, %dma_start3A_137, %dma_start3A_138] : memref<64x64x8448xf32, #tpu.memory_space<hbm>> -> memref<1x64x1024xf32, #tpu.memory_space<hbm>>
      %dma_start3A_140 = tpu.memref_squeeze %dma_start3A_139 : memref<1x64x1024xf32, #tpu.memory_space<hbm>> -> memref<64x1024xf32, #tpu.memory_space<hbm>>
      tpu.enqueue_dma source(%arg7 : memref<64x1024xf32, #tpu.memory_space<vmem>>) target(%dma_start3A_140 : memref<64x1024xf32, #tpu.memory_space<hbm>>) target_semaphore(%arg9 : memref<!tpu.dma_semaphore, #tpu.memory_space<semaphore_mem>>)
      %dma_start3A_141 = arith.constant 0 : i32
      %dma_start3A_142 = arith.constant 6144 : i32
      %dma_start3A_143 = tpu.memref_slice %arg4[%add3A_92, %dma_start3A_141, %dma_start3A_142] : memref<64x64x8448xf32, #tpu.memory_space<hbm>> -> memref<1x64x1024xf32, #tpu.memory_space<hbm>>
      %dma_start3A_144 = tpu.memref_squeeze %dma_start3A_143 : memref<1x64x1024xf32, #tpu.memory_space<hbm>> -> memref<64x1024xf32, #tpu.memory_space<hbm>>
      %dma_start3A_145 = arith.constant 0 : i32
      %dma_start3A_146 = arith.constant 6144 : i32
      %dma_start3A_147 = tpu.memref_slice %arg4[%add3A_92, %dma_start3A_145, %dma_start3A_146] : memref<64x64x8448xf32, #tpu.memory_space<hbm>> -> memref<1x64x1024xf32, #tpu.memory_space<hbm>>
      %dma_start3A_148 = tpu.memref_squeeze %dma_start3A_147 : memref<1x64x1024xf32, #tpu.memory_space<hbm>> -> memref<64x1024xf32, #tpu.memory_space<hbm>>
      tpu.enqueue_dma source(%arg7 : memref<64x1024xf32, #tpu.memory_space<vmem>>) target(%dma_start3A_148 : memref<64x1024xf32, #tpu.memory_space<hbm>>) target_semaphore(%arg9 : memref<!tpu.dma_semaphore, #tpu.memory_space<semaphore_mem>>)
      %dma_start3A_149 = arith.constant 0 : i32
      %dma_start3A_150 = arith.constant 7168 : i32
      %dma_start3A_151 = tpu.memref_slice %arg4[%add3A_92, %dma_start3A_149, %dma_start3A_150] : memref<64x64x8448xf32, #tpu.memory_space<hbm>> -> memref<1x64x1024xf32, #tpu.memory_space<hbm>>
      %dma_start3A_152 = tpu.memref_squeeze %dma_start3A_151 : memref<1x64x1024xf32, #tpu.memory_space<hbm>> -> memref<64x1024xf32, #tpu.memory_space<hbm>>
      %dma_start3A_153 = arith.constant 0 : i32
      %dma_start3A_154 = arith.constant 7168 : i32
      %dma_start3A_155 = tpu.memref_slice %arg4[%add3A_92, %dma_start3A_153, %dma_start3A_154] : memref<64x64x8448xf32, #tpu.memory_space<hbm>> -> memref<1x64x1024xf32, #tpu.memory_space<hbm>>
      %dma_start3A_156 = tpu.memref_squeeze %dma_start3A_155 : memref<1x64x1024xf32, #tpu.memory_space<hbm>> -> memref<64x1024xf32, #tpu.memory_space<hbm>>
      tpu.enqueue_dma source(%arg7 : memref<64x1024xf32, #tpu.memory_space<vmem>>) target(%dma_start3A_156 : memref<64x1024xf32, #tpu.memory_space<hbm>>) target_semaphore(%arg9 : memref<!tpu.dma_semaphore, #tpu.memory_space<semaphore_mem>>)
      %add3A_157 = arith.constant 2 : i32
      %add3A_158 = arith.addi %mul3A_20, %add3A_157 : i32
      %dma_start3A_159 = arith.constant 0 : i32
      %dma_start3A_160 = arith.constant 0 : i32
      %dma_start3A_161 = tpu.memref_slice %arg4[%add3A_158, %dma_start3A_159, %dma_start3A_160] : memref<64x64x8448xf32, #tpu.memory_space<hbm>> -> memref<1x64x1024xf32, #tpu.memory_space<hbm>>
      %dma_start3A_162 = tpu.memref_squeeze %dma_start3A_161 : memref<1x64x1024xf32, #tpu.memory_space<hbm>> -> memref<64x1024xf32, #tpu.memory_space<hbm>>
      %dma_start3A_163 = arith.constant 0 : i32
      %dma_start3A_164 = arith.constant 0 : i32
      %dma_start3A_165 = tpu.memref_slice %arg4[%add3A_158, %dma_start3A_163, %dma_start3A_164] : memref<64x64x8448xf32, #tpu.memory_space<hbm>> -> memref<1x64x1024xf32, #tpu.memory_space<hbm>>
      %dma_start3A_166 = tpu.memref_squeeze %dma_start3A_165 : memref<1x64x1024xf32, #tpu.memory_space<hbm>> -> memref<64x1024xf32, #tpu.memory_space<hbm>>
      tpu.enqueue_dma source(%arg7 : memref<64x1024xf32, #tpu.memory_space<vmem>>) target(%dma_start3A_166 : memref<64x1024xf32, #tpu.memory_space<hbm>>) target_semaphore(%arg9 : memref<!tpu.dma_semaphore, #tpu.memory_space<semaphore_mem>>)
      %dma_start3A_167 = arith.constant 0 : i32
      %dma_start3A_168 = arith.constant 1024 : i32
      %dma_start3A_169 = tpu.memref_slice %arg4[%add3A_158, %dma_start3A_167, %dma_start3A_168] : memref<64x64x8448xf32, #tpu.memory_space<hbm>> -> memref<1x64x1024xf32, #tpu.memory_space<hbm>>
      %dma_start3A_170 = tpu.memref_squeeze %dma_start3A_169 : memref<1x64x1024xf32, #tpu.memory_space<hbm>> -> memref<64x1024xf32, #tpu.memory_space<hbm>>
      %dma_start3A_171 = arith.constant 0 : i32
      %dma_start3A_172 = arith.constant 1024 : i32
      %dma_start3A_173 = tpu.memref_slice %arg4[%add3A_158, %dma_start3A_171, %dma_start3A_172] : memref<64x64x8448xf32, #tpu.memory_space<hbm>> -> memref<1x64x1024xf32, #tpu.memory_space<hbm>>
      %dma_start3A_174 = tpu.memref_squeeze %dma_start3A_173 : memref<1x64x1024xf32, #tpu.memory_space<hbm>> -> memref<64x1024xf32, #tpu.memory_space<hbm>>
      tpu.enqueue_dma source(%arg7 : memref<64x1024xf32, #tpu.memory_space<vmem>>) target(%dma_start3A_174 : memref<64x1024xf32, #tpu.memory_space<hbm>>) target_semaphore(%arg9 : memref<!tpu.dma_semaphore, #tpu.memory_space<semaphore_mem>>)
      %dma_start3A_175 = arith.constant 0 : i32
      %dma_start3A_176 = arith.constant 2048 : i32
      %dma_start3A_177 = tpu.memref_slice %arg4[%add3A_158, %dma_start3A_175, %dma_start3A_176] : memref<64x64x8448xf32, #tpu.memory_space<hbm>> -> memref<1x64x1024xf32, #tpu.memory_space<hbm>>
      %dma_start3A_178 = tpu.memref_squeeze %dma_start3A_177 : memref<1x64x1024xf32, #tpu.memory_space<hbm>> -> memref<64x1024xf32, #tpu.memory_space<hbm>>
      %dma_start3A_179 = arith.constant 0 : i32
      %dma_start3A_180 = arith.constant 2048 : i32
      %dma_start3A_181 = tpu.memref_slice %arg4[%add3A_158, %dma_start3A_179, %dma_start3A_180] : memref<64x64x8448xf32, #tpu.memory_space<hbm>> -> memref<1x64x1024xf32, #tpu.memory_space<hbm>>
      %dma_start3A_182 = tpu.memref_squeeze %dma_start3A_181 : memref<1x64x1024xf32, #tpu.memory_space<hbm>> -> memref<64x1024xf32, #tpu.memory_space<hbm>>
      tpu.enqueue_dma source(%arg7 : memref<64x1024xf32, #tpu.memory_space<vmem>>) target(%dma_start3A_182 : memref<64x1024xf32, #tpu.memory_space<hbm>>) target_semaphore(%arg9 : memref<!tpu.dma_semaphore, #tpu.memory_space<semaphore_mem>>)
      %dma_start3A_183 = arith.constant 0 : i32
      %dma_start3A_184 = arith.constant 3072 : i32
      %dma_start3A_185 = tpu.memref_slice %arg4[%add3A_158, %dma_start3A_183, %dma_start3A_184] : memref<64x64x8448xf32, #tpu.memory_space<hbm>> -> memref<1x64x1024xf32, #tpu.memory_space<hbm>>
      %dma_start3A_186 = tpu.memref_squeeze %dma_start3A_185 : memref<1x64x1024xf32, #tpu.memory_space<hbm>> -> memref<64x1024xf32, #tpu.memory_space<hbm>>
      %dma_start3A_187 = arith.constant 0 : i32
      %dma_start3A_188 = arith.constant 3072 : i32
      %dma_start3A_189 = tpu.memref_slice %arg4[%add3A_158, %dma_start3A_187, %dma_start3A_188] : memref<64x64x8448xf32, #tpu.memory_space<hbm>> -> memref<1x64x1024xf32, #tpu.memory_space<hbm>>
      %dma_start3A_190 = tpu.memref_squeeze %dma_start3A_189 : memref<1x64x1024xf32, #tpu.memory_space<hbm>> -> memref<64x1024xf32, #tpu.memory_space<hbm>>
      tpu.enqueue_dma source(%arg7 : memref<64x1024xf32, #tpu.memory_space<vmem>>) target(%dma_start3A_190 : memref<64x1024xf32, #tpu.memory_space<hbm>>) target_semaphore(%arg9 : memref<!tpu.dma_semaphore, #tpu.memory_space<semaphore_mem>>)
      %dma_start3A_191 = arith.constant 0 : i32
      %dma_start3A_192 = arith.constant 4096 : i32
      %dma_start3A_193 = tpu.memref_slice %arg4[%add3A_158, %dma_start3A_191, %dma_start3A_192] : memref<64x64x8448xf32, #tpu.memory_space<hbm>> -> memref<1x64x1024xf32, #tpu.memory_space<hbm>>
      %dma_start3A_194 = tpu.memref_squeeze %dma_start3A_193 : memref<1x64x1024xf32, #tpu.memory_space<hbm>> -> memref<64x1024xf32, #tpu.memory_space<hbm>>
      %dma_start3A_195 = arith.constant 0 : i32
      %dma_start3A_196 = arith.constant 4096 : i32
      %dma_start3A_197 = tpu.memref_slice %arg4[%add3A_158, %dma_start3A_195, %dma_start3A_196] : memref<64x64x8448xf32, #tpu.memory_space<hbm>> -> memref<1x64x1024xf32, #tpu.memory_space<hbm>>
      %dma_start3A_198 = tpu.memref_squeeze %dma_start3A_197 : memref<1x64x1024xf32, #tpu.memory_space<hbm>> -> memref<64x1024xf32, #tpu.memory_space<hbm>>
      tpu.enqueue_dma source(%arg7 : memref<64x1024xf32, #tpu.memory_space<vmem>>) target(%dma_start3A_198 : memref<64x1024xf32, #tpu.memory_space<hbm>>) target_semaphore(%arg9 : memref<!tpu.dma_semaphore, #tpu.memory_space<semaphore_mem>>)
      %dma_start3A_199 = arith.constant 0 : i32
      %dma_start3A_200 = arith.constant 5120 : i32
      %dma_start3A_201 = tpu.memref_slice %arg4[%add3A_158, %dma_start3A_199, %dma_start3A_200] : memref<64x64x8448xf32, #tpu.memory_space<hbm>> -> memref<1x64x1024xf32, #tpu.memory_space<hbm>>
      %dma_start3A_202 = tpu.memref_squeeze %dma_start3A_201 : memref<1x64x1024xf32, #tpu.memory_space<hbm>> -> memref<64x1024xf32, #tpu.memory_space<hbm>>
      %dma_start3A_203 = arith.constant 0 : i32
      %dma_start3A_204 = arith.constant 5120 : i32
      %dma_start3A_205 = tpu.memref_slice %arg4[%add3A_158, %dma_start3A_203, %dma_start3A_204] : memref<64x64x8448xf32, #tpu.memory_space<hbm>> -> memref<1x64x1024xf32, #tpu.memory_space<hbm>>
      %dma_start3A_206 = tpu.memref_squeeze %dma_start3A_205 : memref<1x64x1024xf32, #tpu.memory_space<hbm>> -> memref<64x1024xf32, #tpu.memory_space<hbm>>
      tpu.enqueue_dma source(%arg7 : memref<64x1024xf32, #tpu.memory_space<vmem>>) target(%dma_start3A_206 : memref<64x1024xf32, #tpu.memory_space<hbm>>) target_semaphore(%arg9 : memref<!tpu.dma_semaphore, #tpu.memory_space<semaphore_mem>>)
      %dma_start3A_207 = arith.constant 0 : i32
      %dma_start3A_208 = arith.constant 6144 : i32
      %dma_start3A_209 = tpu.memref_slice %arg4[%add3A_158, %dma_start3A_207, %dma_start3A_208] : memref<64x64x8448xf32, #tpu.memory_space<hbm>> -> memref<1x64x1024xf32, #tpu.memory_space<hbm>>
      %dma_start3A_210 = tpu.memref_squeeze %dma_start3A_209 : memref<1x64x1024xf32, #tpu.memory_space<hbm>> -> memref<64x1024xf32, #tpu.memory_space<hbm>>
      %dma_start3A_211 = arith.constant 0 : i32
      %dma_start3A_212 = arith.constant 6144 : i32
      %dma_start3A_213 = tpu.memref_slice %arg4[%add3A_158, %dma_start3A_211, %dma_start3A_212] : memref<64x64x8448xf32, #tpu.memory_space<hbm>> -> memref<1x64x1024xf32, #tpu.memory_space<hbm>>
      %dma_start3A_214 = tpu.memref_squeeze %dma_start3A_213 : memref<1x64x1024xf32, #tpu.memory_space<hbm>> -> memref<64x1024xf32, #tpu.memory_space<hbm>>
      tpu.enqueue_dma source(%arg7 : memref<64x1024xf32, #tpu.memory_space<vmem>>) target(%dma_start3A_214 : memref<64x1024xf32, #tpu.memory_space<hbm>>) target_semaphore(%arg9 : memref<!tpu.dma_semaphore, #tpu.memory_space<semaphore_mem>>)
      %dma_start3A_215 = arith.constant 0 : i32
      %dma_start3A_216 = arith.constant 7168 : i32
      %dma_start3A_217 = tpu.memref_slice %arg4[%add3A_158, %dma_start3A_215, %dma_start3A_216] : memref<64x64x8448xf32, #tpu.memory_space<hbm>> -> memref<1x64x1024xf32, #tpu.memory_space<hbm>>
      %dma_start3A_218 = tpu.memref_squeeze %dma_start3A_217 : memref<1x64x1024xf32, #tpu.memory_space<hbm>> -> memref<64x1024xf32, #tpu.memory_space<hbm>>
      %dma_start3A_219 = arith.constant 0 : i32
      %dma_start3A_220 = arith.constant 7168 : i32
      %dma_start3A_221 = tpu.memref_slice %arg4[%add3A_158, %dma_start3A_219, %dma_start3A_220] : memref<64x64x8448xf32, #tpu.memory_space<hbm>> -> memref<1x64x1024xf32, #tpu.memory_space<hbm>>
      %dma_start3A_222 = tpu.memref_squeeze %dma_start3A_221 : memref<1x64x1024xf32, #tpu.memory_space<hbm>> -> memref<64x1024xf32, #tpu.memory_space<hbm>>
      tpu.enqueue_dma source(%arg7 : memref<64x1024xf32, #tpu.memory_space<vmem>>) target(%dma_start3A_222 : memref<64x1024xf32, #tpu.memory_space<hbm>>) target_semaphore(%arg9 : memref<!tpu.dma_semaphore, #tpu.memory_space<semaphore_mem>>)
      %add3A_223 = arith.constant 3 : i32
      %add3A_224 = arith.addi %mul3A_20, %add3A_223 : i32
      %dma_start3A_225 = arith.constant 0 : i32
      %dma_start3A_226 = arith.constant 0 : i32
      %dma_start3A_227 = tpu.memref_slice %arg4[%add3A_224, %dma_start3A_225, %dma_start3A_226] : memref<64x64x8448xf32, #tpu.memory_space<hbm>> -> memref<1x64x1024xf32, #tpu.memory_space<hbm>>
      %dma_start3A_228 = tpu.memref_squeeze %dma_start3A_227 : memref<1x64x1024xf32, #tpu.memory_space<hbm>> -> memref<64x1024xf32, #tpu.memory_space<hbm>>
      %dma_start3A_229 = arith.constant 0 : i32
      %dma_start3A_230 = arith.constant 0 : i32
      %dma_start3A_231 = tpu.memref_slice %arg4[%add3A_224, %dma_start3A_229, %dma_start3A_230] : memref<64x64x8448xf32, #tpu.memory_space<hbm>> -> memref<1x64x1024xf32, #tpu.memory_space<hbm>>
      %dma_start3A_232 = tpu.memref_squeeze %dma_start3A_231 : memref<1x64x1024xf32, #tpu.memory_space<hbm>> -> memref<64x1024xf32, #tpu.memory_space<hbm>>
      tpu.enqueue_dma source(%arg7 : memref<64x1024xf32, #tpu.memory_space<vmem>>) target(%dma_start3A_232 : memref<64x1024xf32, #tpu.memory_space<hbm>>) target_semaphore(%arg9 : memref<!tpu.dma_semaphore, #tpu.memory_space<semaphore_mem>>)
      %dma_start3A_233 = arith.constant 0 : i32
      %dma_start3A_234 = arith.constant 1024 : i32
      %dma_start3A_235 = tpu.memref_slice %arg4[%add3A_224, %dma_start3A_233, %dma_start3A_234] : memref<64x64x8448xf32, #tpu.memory_space<hbm>> -> memref<1x64x1024xf32, #tpu.memory_space<hbm>>
      %dma_start3A_236 = tpu.memref_squeeze %dma_start3A_235 : memref<1x64x1024xf32, #tpu.memory_space<hbm>> -> memref<64x1024xf32, #tpu.memory_space<hbm>>
      %dma_start3A_237 = arith.constant 0 : i32
      %dma_start3A_238 = arith.constant 1024 : i32
      %dma_start3A_239 = tpu.memref_slice %arg4[%add3A_224, %dma_start3A_237, %dma_start3A_238] : memref<64x64x8448xf32, #tpu.memory_space<hbm>> -> memref<1x64x1024xf32, #tpu.memory_space<hbm>>
      %dma_start3A_240 = tpu.memref_squeeze %dma_start3A_239 : memref<1x64x1024xf32, #tpu.memory_space<hbm>> -> memref<64x1024xf32, #tpu.memory_space<hbm>>
      tpu.enqueue_dma source(%arg7 : memref<64x1024xf32, #tpu.memory_space<vmem>>) target(%dma_start3A_240 : memref<64x1024xf32, #tpu.memory_space<hbm>>) target_semaphore(%arg9 : memref<!tpu.dma_semaphore, #tpu.memory_space<semaphore_mem>>)
      %dma_start3A_241 = arith.constant 0 : i32
      %dma_start3A_242 = arith.constant 2048 : i32
      %dma_start3A_243 = tpu.memref_slice %arg4[%add3A_224, %dma_start3A_241, %dma_start3A_242] : memref<64x64x8448xf32, #tpu.memory_space<hbm>> -> memref<1x64x1024xf32, #tpu.memory_space<hbm>>
      %dma_start3A_244 = tpu.memref_squeeze %dma_start3A_243 : memref<1x64x1024xf32, #tpu.memory_space<hbm>> -> memref<64x1024xf32, #tpu.memory_space<hbm>>
      %dma_start3A_245 = arith.constant 0 : i32
      %dma_start3A_246 = arith.constant 2048 : i32
      %dma_start3A_247 = tpu.memref_slice %arg4[%add3A_224, %dma_start3A_245, %dma_start3A_246] : memref<64x64x8448xf32, #tpu.memory_space<hbm>> -> memref<1x64x1024xf32, #tpu.memory_space<hbm>>
      %dma_start3A_248 = tpu.memref_squeeze %dma_start3A_247 : memref<1x64x1024xf32, #tpu.memory_space<hbm>> -> memref<64x1024xf32, #tpu.memory_space<hbm>>
      tpu.enqueue_dma source(%arg7 : memref<64x1024xf32, #tpu.memory_space<vmem>>) target(%dma_start3A_248 : memref<64x1024xf32, #tpu.memory_space<hbm>>) target_semaphore(%arg9 : memref<!tpu.dma_semaphore, #tpu.memory_space<semaphore_mem>>)
      %dma_start3A_249 = arith.constant 0 : i32
      %dma_start3A_250 = arith.constant 3072 : i32
      %dma_start3A_251 = tpu.memref_slice %arg4[%add3A_224, %dma_start3A_249, %dma_start3A_250] : memref<64x64x8448xf32, #tpu.memory_space<hbm>> -> memref<1x64x1024xf32, #tpu.memory_space<hbm>>
      %dma_start3A_252 = tpu.memref_squeeze %dma_start3A_251 : memref<1x64x1024xf32, #tpu.memory_space<hbm>> -> memref<64x1024xf32, #tpu.memory_space<hbm>>
      %dma_start3A_253 = arith.constant 0 : i32
      %dma_start3A_254 = arith.constant 3072 : i32
      %dma_start3A_255 = tpu.memref_slice %arg4[%add3A_224, %dma_start3A_253, %dma_start3A_254] : memref<64x64x8448xf32, #tpu.memory_space<hbm>> -> memref<1x64x1024xf32, #tpu.memory_space<hbm>>
      %dma_start3A_256 = tpu.memref_squeeze %dma_start3A_255 : memref<1x64x1024xf32, #tpu.memory_space<hbm>> -> memref<64x1024xf32, #tpu.memory_space<hbm>>
      tpu.enqueue_dma source(%arg7 : memref<64x1024xf32, #tpu.memory_space<vmem>>) target(%dma_start3A_256 : memref<64x1024xf32, #tpu.memory_space<hbm>>) target_semaphore(%arg9 : memref<!tpu.dma_semaphore, #tpu.memory_space<semaphore_mem>>)
      %dma_start3A_257 = arith.constant 0 : i32
      %dma_start3A_258 = arith.constant 4096 : i32
      %dma_start3A_259 = tpu.memref_slice %arg4[%add3A_224, %dma_start3A_257, %dma_start3A_258] : memref<64x64x8448xf32, #tpu.memory_space<hbm>> -> memref<1x64x1024xf32, #tpu.memory_space<hbm>>
      %dma_start3A_260 = tpu.memref_squeeze %dma_start3A_259 : memref<1x64x1024xf32, #tpu.memory_space<hbm>> -> memref<64x1024xf32, #tpu.memory_space<hbm>>
      %dma_start3A_261 = arith.constant 0 : i32
      %dma_start3A_262 = arith.constant 4096 : i32
      %dma_start3A_263 = tpu.memref_slice %arg4[%add3A_224, %dma_start3A_261, %dma_start3A_262] : memref<64x64x8448xf32, #tpu.memory_space<hbm>> -> memref<1x64x1024xf32, #tpu.memory_space<hbm>>
      %dma_start3A_264 = tpu.memref_squeeze %dma_start3A_263 : memref<1x64x1024xf32, #tpu.memory_space<hbm>> -> memref<64x1024xf32, #tpu.memory_space<hbm>>
      tpu.enqueue_dma source(%arg7 : memref<64x1024xf32, #tpu.memory_space<vmem>>) target(%dma_start3A_264 : memref<64x1024xf32, #tpu.memory_space<hbm>>) target_semaphore(%arg9 : memref<!tpu.dma_semaphore, #tpu.memory_space<semaphore_mem>>)
      %dma_start3A_265 = arith.constant 0 : i32
      %dma_start3A_266 = arith.constant 5120 : i32
      %dma_start3A_267 = tpu.memref_slice %arg4[%add3A_224, %dma_start3A_265, %dma_start3A_266] : memref<64x64x8448xf32, #tpu.memory_space<hbm>> -> memref<1x64x1024xf32, #tpu.memory_space<hbm>>
      %dma_start3A_268 = tpu.memref_squeeze %dma_start3A_267 : memref<1x64x1024xf32, #tpu.memory_space<hbm>> -> memref<64x1024xf32, #tpu.memory_space<hbm>>
      %dma_start3A_269 = arith.constant 0 : i32
      %dma_start3A_270 = arith.constant 5120 : i32
      %dma_start3A_271 = tpu.memref_slice %arg4[%add3A_224, %dma_start3A_269, %dma_start3A_270] : memref<64x64x8448xf32, #tpu.memory_space<hbm>> -> memref<1x64x1024xf32, #tpu.memory_space<hbm>>
      %dma_start3A_272 = tpu.memref_squeeze %dma_start3A_271 : memref<1x64x1024xf32, #tpu.memory_space<hbm>> -> memref<64x1024xf32, #tpu.memory_space<hbm>>
      tpu.enqueue_dma source(%arg7 : memref<64x1024xf32, #tpu.memory_space<vmem>>) target(%dma_start3A_272 : memref<64x1024xf32, #tpu.memory_space<hbm>>) target_semaphore(%arg9 : memref<!tpu.dma_semaphore, #tpu.memory_space<semaphore_mem>>)
      %dma_start3A_273 = arith.constant 0 : i32
      %dma_start3A_274 = arith.constant 6144 : i32
      %dma_start3A_275 = tpu.memref_slice %arg4[%add3A_224, %dma_start3A_273, %dma_start3A_274] : memref<64x64x8448xf32, #tpu.memory_space<hbm>> -> memref<1x64x1024xf32, #tpu.memory_space<hbm>>
      %dma_start3A_276 = tpu.memref_squeeze %dma_start3A_275 : memref<1x64x1024xf32, #tpu.memory_space<hbm>> -> memref<64x1024xf32, #tpu.memory_space<hbm>>
      %dma_start3A_277 = arith.constant 0 : i32
      %dma_start3A_278 = arith.constant 6144 : i32
      %dma_start3A_279 = tpu.memref_slice %arg4[%add3A_224, %dma_start3A_277, %dma_start3A_278] : memref<64x64x8448xf32, #tpu.memory_space<hbm>> -> memref<1x64x1024xf32, #tpu.memory_space<hbm>>
      %dma_start3A_280 = tpu.memref_squeeze %dma_start3A_279 : memref<1x64x1024xf32, #tpu.memory_space<hbm>> -> memref<64x1024xf32, #tpu.memory_space<hbm>>
      tpu.enqueue_dma source(%arg7 : memref<64x1024xf32, #tpu.memory_space<vmem>>) target(%dma_start3A_280 : memref<64x1024xf32, #tpu.memory_space<hbm>>) target_semaphore(%arg9 : memref<!tpu.dma_semaphore, #tpu.memory_space<semaphore_mem>>)
      %dma_start3A_281 = arith.constant 0 : i32
      %dma_start3A_282 = arith.constant 7168 : i32
      %dma_start3A_283 = tpu.memref_slice %arg4[%add3A_224, %dma_start3A_281, %dma_start3A_282] : memref<64x64x8448xf32, #tpu.memory_space<hbm>> -> memref<1x64x1024xf32, #tpu.memory_space<hbm>>
      %dma_start3A_284 = tpu.memref_squeeze %dma_start3A_283 : memref<1x64x1024xf32, #tpu.memory_space<hbm>> -> memref<64x1024xf32, #tpu.memory_space<hbm>>
      %dma_start3A_285 = arith.constant 0 : i32
      %dma_start3A_286 = arith.constant 7168 : i32
      %dma_start3A_287 = tpu.memref_slice %arg4[%add3A_224, %dma_start3A_285, %dma_start3A_286] : memref<64x64x8448xf32, #tpu.memory_space<hbm>> -> memref<1x64x1024xf32, #tpu.memory_space<hbm>>
      %dma_start3A_288 = tpu.memref_squeeze %dma_start3A_287 : memref<1x64x1024xf32, #tpu.memory_space<hbm>> -> memref<64x1024xf32, #tpu.memory_space<hbm>>
      tpu.enqueue_dma source(%arg7 : memref<64x1024xf32, #tpu.memory_space<vmem>>) target(%dma_start3A_288 : memref<64x1024xf32, #tpu.memory_space<hbm>>) target_semaphore(%arg9 : memref<!tpu.dma_semaphore, #tpu.memory_space<semaphore_mem>>)
      %dma_wait3A = arith.constant 0 : i32
      %dma_wait3A_289 = arith.constant 0 : i32
      %dma_wait3A_290 = tpu.memref_slice %arg4[%add3A_27, %dma_wait3A, %dma_wait3A_289] : memref<64x64x8448xf32, #tpu.memory_space<hbm>> -> memref<1x64x1024xf32, #tpu.memory_space<hbm>>
      %dma_wait3A_291 = tpu.memref_squeeze %dma_wait3A_290 : memref<1x64x1024xf32, #tpu.memory_space<hbm>> -> memref<64x1024xf32, #tpu.memory_space<hbm>>
      %dma_wait3A_292 = arith.constant 0 : i32
      %dma_wait3A_293 = arith.constant 0 : i32
      %dma_wait3A_294 = tpu.memref_slice %arg4[%add3A_27, %dma_wait3A_292, %dma_wait3A_293] : memref<64x64x8448xf32, #tpu.memory_space<hbm>> -> memref<1x64x1024xf32, #tpu.memory_space<hbm>>
      %dma_wait3A_295 = tpu.memref_squeeze %dma_wait3A_294 : memref<1x64x1024xf32, #tpu.memory_space<hbm>> -> memref<64x1024xf32, #tpu.memory_space<hbm>>
      tpu.wait_dma2 semaphore(%arg9 : memref<!tpu.dma_semaphore, #tpu.memory_space<semaphore_mem>>) src(%arg7 : memref<64x1024xf32, #tpu.memory_space<vmem>>) dst(%dma_wait3A_295 : memref<64x1024xf32, #tpu.memory_space<hbm>>)
      %dma_wait3A_296 = arith.constant 0 : i32
      %dma_wait3A_297 = arith.constant 1024 : i32
      %dma_wait3A_298 = tpu.memref_slice %arg4[%add3A_27, %dma_wait3A_296, %dma_wait3A_297] : memref<64x64x8448xf32, #tpu.memory_space<hbm>> -> memref<1x64x1024xf32, #tpu.memory_space<hbm>>
      %dma_wait3A_299 = tpu.memref_squeeze %dma_wait3A_298 : memref<1x64x1024xf32, #tpu.memory_space<hbm>> -> memref<64x1024xf32, #tpu.memory_space<hbm>>
      %dma_wait3A_300 = arith.constant 0 : i32
      %dma_wait3A_301 = arith.constant 1024 : i32
      %dma_wait3A_302 = tpu.memref_slice %arg4[%add3A_27, %dma_wait3A_300, %dma_wait3A_301] : memref<64x64x8448xf32, #tpu.memory_space<hbm>> -> memref<1x64x1024xf32, #tpu.memory_space<hbm>>
      %dma_wait3A_303 = tpu.memref_squeeze %dma_wait3A_302 : memref<1x64x1024xf32, #tpu.memory_space<hbm>> -> memref<64x1024xf32, #tpu.memory_space<hbm>>
      tpu.wait_dma2 semaphore(%arg9 : memref<!tpu.dma_semaphore, #tpu.memory_space<semaphore_mem>>) src(%arg7 : memref<64x1024xf32, #tpu.memory_space<vmem>>) dst(%dma_wait3A_303 : memref<64x1024xf32, #tpu.memory_space<hbm>>)
      %dma_wait3A_304 = arith.constant 0 : i32
      %dma_wait3A_305 = arith.constant 2048 : i32
      %dma_wait3A_306 = tpu.memref_slice %arg4[%add3A_27, %dma_wait3A_304, %dma_wait3A_305] : memref<64x64x8448xf32, #tpu.memory_space<hbm>> -> memref<1x64x1024xf32, #tpu.memory_space<hbm>>
      %dma_wait3A_307 = tpu.memref_squeeze %dma_wait3A_306 : memref<1x64x1024xf32, #tpu.memory_space<hbm>> -> memref<64x1024xf32, #tpu.memory_space<hbm>>
      %dma_wait3A_308 = arith.constant 0 : i32
      %dma_wait3A_309 = arith.constant 2048 : i32
      %dma_wait3A_310 = tpu.memref_slice %arg4[%add3A_27, %dma_wait3A_308, %dma_wait3A_309] : memref<64x64x8448xf32, #tpu.memory_space<hbm>> -> memref<1x64x1024xf32, #tpu.memory_space<hbm>>
      %dma_wait3A_311 = tpu.memref_squeeze %dma_wait3A_310 : memref<1x64x1024xf32, #tpu.memory_space<hbm>> -> memref<64x1024xf32, #tpu.memory_space<hbm>>
      tpu.wait_dma2 semaphore(%arg9 : memref<!tpu.dma_semaphore, #tpu.memory_space<semaphore_mem>>) src(%arg7 : memref<64x1024xf32, #tpu.memory_space<vmem>>) dst(%dma_wait3A_311 : memref<64x1024xf32, #tpu.memory_space<hbm>>)
      %dma_wait3A_312 = arith.constant 0 : i32
      %dma_wait3A_313 = arith.constant 3072 : i32
      %dma_wait3A_314 = tpu.memref_slice %arg4[%add3A_27, %dma_wait3A_312, %dma_wait3A_313] : memref<64x64x8448xf32, #tpu.memory_space<hbm>> -> memref<1x64x1024xf32, #tpu.memory_space<hbm>>
      %dma_wait3A_315 = tpu.memref_squeeze %dma_wait3A_314 : memref<1x64x1024xf32, #tpu.memory_space<hbm>> -> memref<64x1024xf32, #tpu.memory_space<hbm>>
      %dma_wait3A_316 = arith.constant 0 : i32
      %dma_wait3A_317 = arith.constant 3072 : i32
      %dma_wait3A_318 = tpu.memref_slice %arg4[%add3A_27, %dma_wait3A_316, %dma_wait3A_317] : memref<64x64x8448xf32, #tpu.memory_space<hbm>> -> memref<1x64x1024xf32, #tpu.memory_space<hbm>>
      %dma_wait3A_319 = tpu.memref_squeeze %dma_wait3A_318 : memref<1x64x1024xf32, #tpu.memory_space<hbm>> -> memref<64x1024xf32, #tpu.memory_space<hbm>>
      tpu.wait_dma2 semaphore(%arg9 : memref<!tpu.dma_semaphore, #tpu.memory_space<semaphore_mem>>) src(%arg7 : memref<64x1024xf32, #tpu.memory_space<vmem>>) dst(%dma_wait3A_319 : memref<64x1024xf32, #tpu.memory_space<hbm>>)
      %dma_wait3A_320 = arith.constant 0 : i32
      %dma_wait3A_321 = arith.constant 4096 : i32
      %dma_wait3A_322 = tpu.memref_slice %arg4[%add3A_27, %dma_wait3A_320, %dma_wait3A_321] : memref<64x64x8448xf32, #tpu.memory_space<hbm>> -> memref<1x64x1024xf32, #tpu.memory_space<hbm>>
      %dma_wait3A_323 = tpu.memref_squeeze %dma_wait3A_322 : memref<1x64x1024xf32, #tpu.memory_space<hbm>> -> memref<64x1024xf32, #tpu.memory_space<hbm>>
      %dma_wait3A_324 = arith.constant 0 : i32
      %dma_wait3A_325 = arith.constant 4096 : i32
      %dma_wait3A_326 = tpu.memref_slice %arg4[%add3A_27, %dma_wait3A_324, %dma_wait3A_325] : memref<64x64x8448xf32, #tpu.memory_space<hbm>> -> memref<1x64x1024xf32, #tpu.memory_space<hbm>>
      %dma_wait3A_327 = tpu.memref_squeeze %dma_wait3A_326 : memref<1x64x1024xf32, #tpu.memory_space<hbm>> -> memref<64x1024xf32, #tpu.memory_space<hbm>>
      tpu.wait_dma2 semaphore(%arg9 : memref<!tpu.dma_semaphore, #tpu.memory_space<semaphore_mem>>) src(%arg7 : memref<64x1024xf32, #tpu.memory_space<vmem>>) dst(%dma_wait3A_327 : memref<64x1024xf32, #tpu.memory_space<hbm>>)
      %dma_wait3A_328 = arith.constant 0 : i32
      %dma_wait3A_329 = arith.constant 5120 : i32
      %dma_wait3A_330 = tpu.memref_slice %arg4[%add3A_27, %dma_wait3A_328, %dma_wait3A_329] : memref<64x64x8448xf32, #tpu.memory_space<hbm>> -> memref<1x64x1024xf32, #tpu.memory_space<hbm>>
      %dma_wait3A_331 = tpu.memref_squeeze %dma_wait3A_330 : memref<1x64x1024xf32, #tpu.memory_space<hbm>> -> memref<64x1024xf32, #tpu.memory_space<hbm>>
      %dma_wait3A_332 = arith.constant 0 : i32
      %dma_wait3A_333 = arith.constant 5120 : i32
      %dma_wait3A_334 = tpu.memref_slice %arg4[%add3A_27, %dma_wait3A_332, %dma_wait3A_333] : memref<64x64x8448xf32, #tpu.memory_space<hbm>> -> memref<1x64x1024xf32, #tpu.memory_space<hbm>>
      %dma_wait3A_335 = tpu.memref_squeeze %dma_wait3A_334 : memref<1x64x1024xf32, #tpu.memory_space<hbm>> -> memref<64x1024xf32, #tpu.memory_space<hbm>>
      tpu.wait_dma2 semaphore(%arg9 : memref<!tpu.dma_semaphore, #tpu.memory_space<semaphore_mem>>) src(%arg7 : memref<64x1024xf32, #tpu.memory_space<vmem>>) dst(%dma_wait3A_335 : memref<64x1024xf32, #tpu.memory_space<hbm>>)
      %dma_wait3A_336 = arith.constant 0 : i32
      %dma_wait3A_337 = arith.constant 6144 : i32
      %dma_wait3A_338 = tpu.memref_slice %arg4[%add3A_27, %dma_wait3A_336, %dma_wait3A_337] : memref<64x64x8448xf32, #tpu.memory_space<hbm>> -> memref<1x64x1024xf32, #tpu.memory_space<hbm>>
      %dma_wait3A_339 = tpu.memref_squeeze %dma_wait3A_338 : memref<1x64x1024xf32, #tpu.memory_space<hbm>> -> memref<64x1024xf32, #tpu.memory_space<hbm>>
      %dma_wait3A_340 = arith.constant 0 : i32
      %dma_wait3A_341 = arith.constant 6144 : i32
      %dma_wait3A_342 = tpu.memref_slice %arg4[%add3A_27, %dma_wait3A_340, %dma_wait3A_341] : memref<64x64x8448xf32, #tpu.memory_space<hbm>> -> memref<1x64x1024xf32, #tpu.memory_space<hbm>>
      %dma_wait3A_343 = tpu.memref_squeeze %dma_wait3A_342 : memref<1x64x1024xf32, #tpu.memory_space<hbm>> -> memref<64x1024xf32, #tpu.memory_space<hbm>>
      tpu.wait_dma2 semaphore(%arg9 : memref<!tpu.dma_semaphore, #tpu.memory_space<semaphore_mem>>) src(%arg7 : memref<64x1024xf32, #tpu.memory_space<vmem>>) dst(%dma_wait3A_343 : memref<64x1024xf32, #tpu.memory_space<hbm>>)
      %dma_wait3A_344 = arith.constant 0 : i32
      %dma_wait3A_345 = arith.constant 7168 : i32
      %dma_wait3A_346 = tpu.memref_slice %arg4[%add3A_27, %dma_wait3A_344, %dma_wait3A_345] : memref<64x64x8448xf32, #tpu.memory_space<hbm>> -> memref<1x64x1024xf32, #tpu.memory_space<hbm>>
      %dma_wait3A_347 = tpu.memref_squeeze %dma_wait3A_346 : memref<1x64x1024xf32, #tpu.memory_space<hbm>> -> memref<64x1024xf32, #tpu.memory_space<hbm>>
      %dma_wait3A_348 = arith.constant 0 : i32
      %dma_wait3A_349 = arith.constant 7168 : i32
      %dma_wait3A_350 = tpu.memref_slice %arg4[%add3A_27, %dma_wait3A_348, %dma_wait3A_349] : memref<64x64x8448xf32, #tpu.memory_space<hbm>> -> memref<1x64x1024xf32, #tpu.memory_space<hbm>>
      %dma_wait3A_351 = tpu.memref_squeeze %dma_wait3A_350 : memref<1x64x1024xf32, #tpu.memory_space<hbm>> -> memref<64x1024xf32, #tpu.memory_space<hbm>>
      tpu.wait_dma2 semaphore(%arg9 : memref<!tpu.dma_semaphore, #tpu.memory_space<semaphore_mem>>) src(%arg7 : memref<64x1024xf32, #tpu.memory_space<vmem>>) dst(%dma_wait3A_351 : memref<64x1024xf32, #tpu.memory_space<hbm>>)
      %dma_wait3A_352 = arith.constant 0 : i32
      %dma_wait3A_353 = arith.constant 0 : i32
      %dma_wait3A_354 = tpu.memref_slice %arg4[%add3A_92, %dma_wait3A_352, %dma_wait3A_353] : memref<64x64x8448xf32, #tpu.memory_space<hbm>> -> memref<1x64x1024xf32, #tpu.memory_space<hbm>>
      %dma_wait3A_355 = tpu.memref_squeeze %dma_wait3A_354 : memref<1x64x1024xf32, #tpu.memory_space<hbm>> -> memref<64x1024xf32, #tpu.memory_space<hbm>>
      %dma_wait3A_356 = arith.constant 0 : i32
      %dma_wait3A_357 = arith.constant 0 : i32
      %dma_wait3A_358 = tpu.memref_slice %arg4[%add3A_92, %dma_wait3A_356, %dma_wait3A_357] : memref<64x64x8448xf32, #tpu.memory_space<hbm>> -> memref<1x64x1024xf32, #tpu.memory_space<hbm>>
      %dma_wait3A_359 = tpu.memref_squeeze %dma_wait3A_358 : memref<1x64x1024xf32, #tpu.memory_space<hbm>> -> memref<64x1024xf32, #tpu.memory_space<hbm>>
      tpu.wait_dma2 semaphore(%arg9 : memref<!tpu.dma_semaphore, #tpu.memory_space<semaphore_mem>>) src(%arg7 : memref<64x1024xf32, #tpu.memory_space<vmem>>) dst(%dma_wait3A_359 : memref<64x1024xf32, #tpu.memory_space<hbm>>)
      %dma_wait3A_360 = arith.constant 0 : i32
      %dma_wait3A_361 = arith.constant 1024 : i32
      %dma_wait3A_362 = tpu.memref_slice %arg4[%add3A_92, %dma_wait3A_360, %dma_wait3A_361] : memref<64x64x8448xf32, #tpu.memory_space<hbm>> -> memref<1x64x1024xf32, #tpu.memory_space<hbm>>
      %dma_wait3A_363 = tpu.memref_squeeze %dma_wait3A_362 : memref<1x64x1024xf32, #tpu.memory_space<hbm>> -> memref<64x1024xf32, #tpu.memory_space<hbm>>
      %dma_wait3A_364 = arith.constant 0 : i32
      %dma_wait3A_365 = arith.constant 1024 : i32
      %dma_wait3A_366 = tpu.memref_slice %arg4[%add3A_92, %dma_wait3A_364, %dma_wait3A_365] : memref<64x64x8448xf32, #tpu.memory_space<hbm>> -> memref<1x64x1024xf32, #tpu.memory_space<hbm>>
      %dma_wait3A_367 = tpu.memref_squeeze %dma_wait3A_366 : memref<1x64x1024xf32, #tpu.memory_space<hbm>> -> memref<64x1024xf32, #tpu.memory_space<hbm>>
      tpu.wait_dma2 semaphore(%arg9 : memref<!tpu.dma_semaphore, #tpu.memory_space<semaphore_mem>>) src(%arg7 : memref<64x1024xf32, #tpu.memory_space<vmem>>) dst(%dma_wait3A_367 : memref<64x1024xf32, #tpu.memory_space<hbm>>)
      %dma_wait3A_368 = arith.constant 0 : i32
      %dma_wait3A_369 = arith.constant 2048 : i32
      %dma_wait3A_370 = tpu.memref_slice %arg4[%add3A_92, %dma_wait3A_368, %dma_wait3A_369] : memref<64x64x8448xf32, #tpu.memory_space<hbm>> -> memref<1x64x1024xf32, #tpu.memory_space<hbm>>
      %dma_wait3A_371 = tpu.memref_squeeze %dma_wait3A_370 : memref<1x64x1024xf32, #tpu.memory_space<hbm>> -> memref<64x1024xf32, #tpu.memory_space<hbm>>
      %dma_wait3A_372 = arith.constant 0 : i32
      %dma_wait3A_373 = arith.constant 2048 : i32
      %dma_wait3A_374 = tpu.memref_slice %arg4[%add3A_92, %dma_wait3A_372, %dma_wait3A_373] : memref<64x64x8448xf32, #tpu.memory_space<hbm>> -> memref<1x64x1024xf32, #tpu.memory_space<hbm>>
      %dma_wait3A_375 = tpu.memref_squeeze %dma_wait3A_374 : memref<1x64x1024xf32, #tpu.memory_space<hbm>> -> memref<64x1024xf32, #tpu.memory_space<hbm>>
      tpu.wait_dma2 semaphore(%arg9 : memref<!tpu.dma_semaphore, #tpu.memory_space<semaphore_mem>>) src(%arg7 : memref<64x1024xf32, #tpu.memory_space<vmem>>) dst(%dma_wait3A_375 : memref<64x1024xf32, #tpu.memory_space<hbm>>)
      %dma_wait3A_376 = arith.constant 0 : i32
      %dma_wait3A_377 = arith.constant 3072 : i32
      %dma_wait3A_378 = tpu.memref_slice %arg4[%add3A_92, %dma_wait3A_376, %dma_wait3A_377] : memref<64x64x8448xf32, #tpu.memory_space<hbm>> -> memref<1x64x1024xf32, #tpu.memory_space<hbm>>
      %dma_wait3A_379 = tpu.memref_squeeze %dma_wait3A_378 : memref<1x64x1024xf32, #tpu.memory_space<hbm>> -> memref<64x1024xf32, #tpu.memory_space<hbm>>
      %dma_wait3A_380 = arith.constant 0 : i32
      %dma_wait3A_381 = arith.constant 3072 : i32
      %dma_wait3A_382 = tpu.memref_slice %arg4[%add3A_92, %dma_wait3A_380, %dma_wait3A_381] : memref<64x64x8448xf32, #tpu.memory_space<hbm>> -> memref<1x64x1024xf32, #tpu.memory_space<hbm>>
      %dma_wait3A_383 = tpu.memref_squeeze %dma_wait3A_382 : memref<1x64x1024xf32, #tpu.memory_space<hbm>> -> memref<64x1024xf32, #tpu.memory_space<hbm>>
      tpu.wait_dma2 semaphore(%arg9 : memref<!tpu.dma_semaphore, #tpu.memory_space<semaphore_mem>>) src(%arg7 : memref<64x1024xf32, #tpu.memory_space<vmem>>) dst(%dma_wait3A_383 : memref<64x1024xf32, #tpu.memory_space<hbm>>)
      %dma_wait3A_384 = arith.constant 0 : i32
      %dma_wait3A_385 = arith.constant 4096 : i32
      %dma_wait3A_386 = tpu.memref_slice %arg4[%add3A_92, %dma_wait3A_384, %dma_wait3A_385] : memref<64x64x8448xf32, #tpu.memory_space<hbm>> -> memref<1x64x1024xf32, #tpu.memory_space<hbm>>
      %dma_wait3A_387 = tpu.memref_squeeze %dma_wait3A_386 : memref<1x64x1024xf32, #tpu.memory_space<hbm>> -> memref<64x1024xf32, #tpu.memory_space<hbm>>
      %dma_wait3A_388 = arith.constant 0 : i32
      %dma_wait3A_389 = arith.constant 4096 : i32
      %dma_wait3A_390 = tpu.memref_slice %arg4[%add3A_92, %dma_wait3A_388, %dma_wait3A_389] : memref<64x64x8448xf32, #tpu.memory_space<hbm>> -> memref<1x64x1024xf32, #tpu.memory_space<hbm>>
      %dma_wait3A_391 = tpu.memref_squeeze %dma_wait3A_390 : memref<1x64x1024xf32, #tpu.memory_space<hbm>> -> memref<64x1024xf32, #tpu.memory_space<hbm>>
      tpu.wait_dma2 semaphore(%arg9 : memref<!tpu.dma_semaphore, #tpu.memory_space<semaphore_mem>>) src(%arg7 : memref<64x1024xf32, #tpu.memory_space<vmem>>) dst(%dma_wait3A_391 : memref<64x1024xf32, #tpu.memory_space<hbm>>)
      %dma_wait3A_392 = arith.constant 0 : i32
      %dma_wait3A_393 = arith.constant 5120 : i32
      %dma_wait3A_394 = tpu.memref_slice %arg4[%add3A_92, %dma_wait3A_392, %dma_wait3A_393] : memref<64x64x8448xf32, #tpu.memory_space<hbm>> -> memref<1x64x1024xf32, #tpu.memory_space<hbm>>
      %dma_wait3A_395 = tpu.memref_squeeze %dma_wait3A_394 : memref<1x64x1024xf32, #tpu.memory_space<hbm>> -> memref<64x1024xf32, #tpu.memory_space<hbm>>
      %dma_wait3A_396 = arith.constant 0 : i32
      %dma_wait3A_397 = arith.constant 5120 : i32
      %dma_wait3A_398 = tpu.memref_slice %arg4[%add3A_92, %dma_wait3A_396, %dma_wait3A_397] : memref<64x64x8448xf32, #tpu.memory_space<hbm>> -> memref<1x64x1024xf32, #tpu.memory_space<hbm>>
      %dma_wait3A_399 = tpu.memref_squeeze %dma_wait3A_398 : memref<1x64x1024xf32, #tpu.memory_space<hbm>> -> memref<64x1024xf32, #tpu.memory_space<hbm>>
      tpu.wait_dma2 semaphore(%arg9 : memref<!tpu.dma_semaphore, #tpu.memory_space<semaphore_mem>>) src(%arg7 : memref<64x1024xf32, #tpu.memory_space<vmem>>) dst(%dma_wait3A_399 : memref<64x1024xf32, #tpu.memory_space<hbm>>)
      %dma_wait3A_400 = arith.constant 0 : i32
      %dma_wait3A_401 = arith.constant 6144 : i32
      %dma_wait3A_402 = tpu.memref_slice %arg4[%add3A_92, %dma_wait3A_400, %dma_wait3A_401] : memref<64x64x8448xf32, #tpu.memory_space<hbm>> -> memref<1x64x1024xf32, #tpu.memory_space<hbm>>
      %dma_wait3A_403 = tpu.memref_squeeze %dma_wait3A_402 : memref<1x64x1024xf32, #tpu.memory_space<hbm>> -> memref<64x1024xf32, #tpu.memory_space<hbm>>
      %dma_wait3A_404 = arith.constant 0 : i32
      %dma_wait3A_405 = arith.constant 6144 : i32
      %dma_wait3A_406 = tpu.memref_slice %arg4[%add3A_92, %dma_wait3A_404, %dma_wait3A_405] : memref<64x64x8448xf32, #tpu.memory_space<hbm>> -> memref<1x64x1024xf32, #tpu.memory_space<hbm>>
      %dma_wait3A_407 = tpu.memref_squeeze %dma_wait3A_406 : memref<1x64x1024xf32, #tpu.memory_space<hbm>> -> memref<64x1024xf32, #tpu.memory_space<hbm>>
      tpu.wait_dma2 semaphore(%arg9 : memref<!tpu.dma_semaphore, #tpu.memory_space<semaphore_mem>>) src(%arg7 : memref<64x1024xf32, #tpu.memory_space<vmem>>) dst(%dma_wait3A_407 : memref<64x1024xf32, #tpu.memory_space<hbm>>)
      %dma_wait3A_408 = arith.constant 0 : i32
      %dma_wait3A_409 = arith.constant 7168 : i32
      %dma_wait3A_410 = tpu.memref_slice %arg4[%add3A_92, %dma_wait3A_408, %dma_wait3A_409] : memref<64x64x8448xf32, #tpu.memory_space<hbm>> -> memref<1x64x1024xf32, #tpu.memory_space<hbm>>
      %dma_wait3A_411 = tpu.memref_squeeze %dma_wait3A_410 : memref<1x64x1024xf32, #tpu.memory_space<hbm>> -> memref<64x1024xf32, #tpu.memory_space<hbm>>
      %dma_wait3A_412 = arith.constant 0 : i32
      %dma_wait3A_413 = arith.constant 7168 : i32
      %dma_wait3A_414 = tpu.memref_slice %arg4[%add3A_92, %dma_wait3A_412, %dma_wait3A_413] : memref<64x64x8448xf32, #tpu.memory_space<hbm>> -> memref<1x64x1024xf32, #tpu.memory_space<hbm>>
      %dma_wait3A_415 = tpu.memref_squeeze %dma_wait3A_414 : memref<1x64x1024xf32, #tpu.memory_space<hbm>> -> memref<64x1024xf32, #tpu.memory_space<hbm>>
      tpu.wait_dma2 semaphore(%arg9 : memref<!tpu.dma_semaphore, #tpu.memory_space<semaphore_mem>>) src(%arg7 : memref<64x1024xf32, #tpu.memory_space<vmem>>) dst(%dma_wait3A_415 : memref<64x1024xf32, #tpu.memory_space<hbm>>)
      %dma_wait3A_416 = arith.constant 0 : i32
      %dma_wait3A_417 = arith.constant 0 : i32
      %dma_wait3A_418 = tpu.memref_slice %arg4[%add3A_158, %dma_wait3A_416, %dma_wait3A_417] : memref<64x64x8448xf32, #tpu.memory_space<hbm>> -> memref<1x64x1024xf32, #tpu.memory_space<hbm>>
      %dma_wait3A_419 = tpu.memref_squeeze %dma_wait3A_418 : memref<1x64x1024xf32, #tpu.memory_space<hbm>> -> memref<64x1024xf32, #tpu.memory_space<hbm>>
      %dma_wait3A_420 = arith.constant 0 : i32
      %dma_wait3A_421 = arith.constant 0 : i32
      %dma_wait3A_422 = tpu.memref_slice %arg4[%add3A_158, %dma_wait3A_420, %dma_wait3A_421] : memref<64x64x8448xf32, #tpu.memory_space<hbm>> -> memref<1x64x1024xf32, #tpu.memory_space<hbm>>
      %dma_wait3A_423 = tpu.memref_squeeze %dma_wait3A_422 : memref<1x64x1024xf32, #tpu.memory_space<hbm>> -> memref<64x1024xf32, #tpu.memory_space<hbm>>
      tpu.wait_dma2 semaphore(%arg9 : memref<!tpu.dma_semaphore, #tpu.memory_space<semaphore_mem>>) src(%arg7 : memref<64x1024xf32, #tpu.memory_space<vmem>>) dst(%dma_wait3A_423 : memref<64x1024xf32, #tpu.memory_space<hbm>>)
      %dma_wait3A_424 = arith.constant 0 : i32
      %dma_wait3A_425 = arith.constant 1024 : i32
      %dma_wait3A_426 = tpu.memref_slice %arg4[%add3A_158, %dma_wait3A_424, %dma_wait3A_425] : memref<64x64x8448xf32, #tpu.memory_space<hbm>> -> memref<1x64x1024xf32, #tpu.memory_space<hbm>>
      %dma_wait3A_427 = tpu.memref_squeeze %dma_wait3A_426 : memref<1x64x1024xf32, #tpu.memory_space<hbm>> -> memref<64x1024xf32, #tpu.memory_space<hbm>>
      %dma_wait3A_428 = arith.constant 0 : i32
      %dma_wait3A_429 = arith.constant 1024 : i32
      %dma_wait3A_430 = tpu.memref_slice %arg4[%add3A_158, %dma_wait3A_428, %dma_wait3A_429] : memref<64x64x8448xf32, #tpu.memory_space<hbm>> -> memref<1x64x1024xf32, #tpu.memory_space<hbm>>
      %dma_wait3A_431 = tpu.memref_squeeze %dma_wait3A_430 : memref<1x64x1024xf32, #tpu.memory_space<hbm>> -> memref<64x1024xf32, #tpu.memory_space<hbm>>
      tpu.wait_dma2 semaphore(%arg9 : memref<!tpu.dma_semaphore, #tpu.memory_space<semaphore_mem>>) src(%arg7 : memref<64x1024xf32, #tpu.memory_space<vmem>>) dst(%dma_wait3A_431 : memref<64x1024xf32, #tpu.memory_space<hbm>>)
      %dma_wait3A_432 = arith.constant 0 : i32
      %dma_wait3A_433 = arith.constant 2048 : i32
      %dma_wait3A_434 = tpu.memref_slice %arg4[%add3A_158, %dma_wait3A_432, %dma_wait3A_433] : memref<64x64x8448xf32, #tpu.memory_space<hbm>> -> memref<1x64x1024xf32, #tpu.memory_space<hbm>>
      %dma_wait3A_435 = tpu.memref_squeeze %dma_wait3A_434 : memref<1x64x1024xf32, #tpu.memory_space<hbm>> -> memref<64x1024xf32, #tpu.memory_space<hbm>>
      %dma_wait3A_436 = arith.constant 0 : i32
      %dma_wait3A_437 = arith.constant 2048 : i32
      %dma_wait3A_438 = tpu.memref_slice %arg4[%add3A_158, %dma_wait3A_436, %dma_wait3A_437] : memref<64x64x8448xf32, #tpu.memory_space<hbm>> -> memref<1x64x1024xf32, #tpu.memory_space<hbm>>
      %dma_wait3A_439 = tpu.memref_squeeze %dma_wait3A_438 : memref<1x64x1024xf32, #tpu.memory_space<hbm>> -> memref<64x1024xf32, #tpu.memory_space<hbm>>
      tpu.wait_dma2 semaphore(%arg9 : memref<!tpu.dma_semaphore, #tpu.memory_space<semaphore_mem>>) src(%arg7 : memref<64x1024xf32, #tpu.memory_space<vmem>>) dst(%dma_wait3A_439 : memref<64x1024xf32, #tpu.memory_space<hbm>>)
      %dma_wait3A_440 = arith.constant 0 : i32
      %dma_wait3A_441 = arith.constant 3072 : i32
      %dma_wait3A_442 = tpu.memref_slice %arg4[%add3A_158, %dma_wait3A_440, %dma_wait3A_441] : memref<64x64x8448xf32, #tpu.memory_space<hbm>> -> memref<1x64x1024xf32, #tpu.memory_space<hbm>>
      %dma_wait3A_443 = tpu.memref_squeeze %dma_wait3A_442 : memref<1x64x1024xf32, #tpu.memory_space<hbm>> -> memref<64x1024xf32, #tpu.memory_space<hbm>>
      %dma_wait3A_444 = arith.constant 0 : i32
      %dma_wait3A_445 = arith.constant 3072 : i32
      %dma_wait3A_446 = tpu.memref_slice %arg4[%add3A_158, %dma_wait3A_444, %dma_wait3A_445] : memref<64x64x8448xf32, #tpu.memory_space<hbm>> -> memref<1x64x1024xf32, #tpu.memory_space<hbm>>
      %dma_wait3A_447 = tpu.memref_squeeze %dma_wait3A_446 : memref<1x64x1024xf32, #tpu.memory_space<hbm>> -> memref<64x1024xf32, #tpu.memory_space<hbm>>
      tpu.wait_dma2 semaphore(%arg9 : memref<!tpu.dma_semaphore, #tpu.memory_space<semaphore_mem>>) src(%arg7 : memref<64x1024xf32, #tpu.memory_space<vmem>>) dst(%dma_wait3A_447 : memref<64x1024xf32, #tpu.memory_space<hbm>>)
      %dma_wait3A_448 = arith.constant 0 : i32
      %dma_wait3A_449 = arith.constant 4096 : i32
      %dma_wait3A_450 = tpu.memref_slice %arg4[%add3A_158, %dma_wait3A_448, %dma_wait3A_449] : memref<64x64x8448xf32, #tpu.memory_space<hbm>> -> memref<1x64x1024xf32, #tpu.memory_space<hbm>>
      %dma_wait3A_451 = tpu.memref_squeeze %dma_wait3A_450 : memref<1x64x1024xf32, #tpu.memory_space<hbm>> -> memref<64x1024xf32, #tpu.memory_space<hbm>>
      %dma_wait3A_452 = arith.constant 0 : i32
      %dma_wait3A_453 = arith.constant 4096 : i32
      %dma_wait3A_454 = tpu.memref_slice %arg4[%add3A_158, %dma_wait3A_452, %dma_wait3A_453] : memref<64x64x8448xf32, #tpu.memory_space<hbm>> -> memref<1x64x1024xf32, #tpu.memory_space<hbm>>
      %dma_wait3A_455 = tpu.memref_squeeze %dma_wait3A_454 : memref<1x64x1024xf32, #tpu.memory_space<hbm>> -> memref<64x1024xf32, #tpu.memory_space<hbm>>
      tpu.wait_dma2 semaphore(%arg9 : memref<!tpu.dma_semaphore, #tpu.memory_space<semaphore_mem>>) src(%arg7 : memref<64x1024xf32, #tpu.memory_space<vmem>>) dst(%dma_wait3A_455 : memref<64x1024xf32, #tpu.memory_space<hbm>>)
      %dma_wait3A_456 = arith.constant 0 : i32
      %dma_wait3A_457 = arith.constant 5120 : i32
      %dma_wait3A_458 = tpu.memref_slice %arg4[%add3A_158, %dma_wait3A_456, %dma_wait3A_457] : memref<64x64x8448xf32, #tpu.memory_space<hbm>> -> memref<1x64x1024xf32, #tpu.memory_space<hbm>>
      %dma_wait3A_459 = tpu.memref_squeeze %dma_wait3A_458 : memref<1x64x1024xf32, #tpu.memory_space<hbm>> -> memref<64x1024xf32, #tpu.memory_space<hbm>>
      %dma_wait3A_460 = arith.constant 0 : i32
      %dma_wait3A_461 = arith.constant 5120 : i32
      %dma_wait3A_462 = tpu.memref_slice %arg4[%add3A_158, %dma_wait3A_460, %dma_wait3A_461] : memref<64x64x8448xf32, #tpu.memory_space<hbm>> -> memref<1x64x1024xf32, #tpu.memory_space<hbm>>
      %dma_wait3A_463 = tpu.memref_squeeze %dma_wait3A_462 : memref<1x64x1024xf32, #tpu.memory_space<hbm>> -> memref<64x1024xf32, #tpu.memory_space<hbm>>
      tpu.wait_dma2 semaphore(%arg9 : memref<!tpu.dma_semaphore, #tpu.memory_space<semaphore_mem>>) src(%arg7 : memref<64x1024xf32, #tpu.memory_space<vmem>>) dst(%dma_wait3A_463 : memref<64x1024xf32, #tpu.memory_space<hbm>>)
      %dma_wait3A_464 = arith.constant 0 : i32
      %dma_wait3A_465 = arith.constant 6144 : i32
      %dma_wait3A_466 = tpu.memref_slice %arg4[%add3A_158, %dma_wait3A_464, %dma_wait3A_465] : memref<64x64x8448xf32, #tpu.memory_space<hbm>> -> memref<1x64x1024xf32, #tpu.memory_space<hbm>>
      %dma_wait3A_467 = tpu.memref_squeeze %dma_wait3A_466 : memref<1x64x1024xf32, #tpu.memory_space<hbm>> -> memref<64x1024xf32, #tpu.memory_space<hbm>>
      %dma_wait3A_468 = arith.constant 0 : i32
      %dma_wait3A_469 = arith.constant 6144 : i32
      %dma_wait3A_470 = tpu.memref_slice %arg4[%add3A_158, %dma_wait3A_468, %dma_wait3A_469] : memref<64x64x8448xf32, #tpu.memory_space<hbm>> -> memref<1x64x1024xf32, #tpu.memory_space<hbm>>
      %dma_wait3A_471 = tpu.memref_squeeze %dma_wait3A_470 : memref<1x64x1024xf32, #tpu.memory_space<hbm>> -> memref<64x1024xf32, #tpu.memory_space<hbm>>
      tpu.wait_dma2 semaphore(%arg9 : memref<!tpu.dma_semaphore, #tpu.memory_space<semaphore_mem>>) src(%arg7 : memref<64x1024xf32, #tpu.memory_space<vmem>>) dst(%dma_wait3A_471 : memref<64x1024xf32, #tpu.memory_space<hbm>>)
      %dma_wait3A_472 = arith.constant 0 : i32
      %dma_wait3A_473 = arith.constant 7168 : i32
      %dma_wait3A_474 = tpu.memref_slice %arg4[%add3A_158, %dma_wait3A_472, %dma_wait3A_473] : memref<64x64x8448xf32, #tpu.memory_space<hbm>> -> memref<1x64x1024xf32, #tpu.memory_space<hbm>>
      %dma_wait3A_475 = tpu.memref_squeeze %dma_wait3A_474 : memref<1x64x1024xf32, #tpu.memory_space<hbm>> -> memref<64x1024xf32, #tpu.memory_space<hbm>>
      %dma_wait3A_476 = arith.constant 0 : i32
      %dma_wait3A_477 = arith.constant 7168 : i32
      %dma_wait3A_478 = tpu.memref_slice %arg4[%add3A_158, %dma_wait3A_476, %dma_wait3A_477] : memref<64x64x8448xf32, #tpu.memory_space<hbm>> -> memref<1x64x1024xf32, #tpu.memory_space<hbm>>
      %dma_wait3A_479 = tpu.memref_squeeze %dma_wait3A_478 : memref<1x64x1024xf32, #tpu.memory_space<hbm>> -> memref<64x1024xf32, #tpu.memory_space<hbm>>
      tpu.wait_dma2 semaphore(%arg9 : memref<!tpu.dma_semaphore, #tpu.memory_space<semaphore_mem>>) src(%arg7 : memref<64x1024xf32, #tpu.memory_space<vmem>>) dst(%dma_wait3A_479 : memref<64x1024xf32, #tpu.memory_space<hbm>>)
      %dma_wait3A_480 = arith.constant 0 : i32
      %dma_wait3A_481 = arith.constant 0 : i32
      %dma_wait3A_482 = tpu.memref_slice %arg4[%add3A_224, %dma_wait3A_480, %dma_wait3A_481] : memref<64x64x8448xf32, #tpu.memory_space<hbm>> -> memref<1x64x1024xf32, #tpu.memory_space<hbm>>
      %dma_wait3A_483 = tpu.memref_squeeze %dma_wait3A_482 : memref<1x64x1024xf32, #tpu.memory_space<hbm>> -> memref<64x1024xf32, #tpu.memory_space<hbm>>
      %dma_wait3A_484 = arith.constant 0 : i32
      %dma_wait3A_485 = arith.constant 0 : i32
      %dma_wait3A_486 = tpu.memref_slice %arg4[%add3A_224, %dma_wait3A_484, %dma_wait3A_485] : memref<64x64x8448xf32, #tpu.memory_space<hbm>> -> memref<1x64x1024xf32, #tpu.memory_space<hbm>>
      %dma_wait3A_487 = tpu.memref_squeeze %dma_wait3A_486 : memref<1x64x1024xf32, #tpu.memory_space<hbm>> -> memref<64x1024xf32, #tpu.memory_space<hbm>>
      tpu.wait_dma2 semaphore(%arg9 : memref<!tpu.dma_semaphore, #tpu.memory_space<semaphore_mem>>) src(%arg7 : memref<64x1024xf32, #tpu.memory_space<vmem>>) dst(%dma_wait3A_487 : memref<64x1024xf32, #tpu.memory_space<hbm>>)
      %dma_wait3A_488 = arith.constant 0 : i32
      %dma_wait3A_489 = arith.constant 1024 : i32
      %dma_wait3A_490 = tpu.memref_slice %arg4[%add3A_224, %dma_wait3A_488, %dma_wait3A_489] : memref<64x64x8448xf32, #tpu.memory_space<hbm>> -> memref<1x64x1024xf32, #tpu.memory_space<hbm>>
      %dma_wait3A_491 = tpu.memref_squeeze %dma_wait3A_490 : memref<1x64x1024xf32, #tpu.memory_space<hbm>> -> memref<64x1024xf32, #tpu.memory_space<hbm>>
      %dma_wait3A_492 = arith.constant 0 : i32
      %dma_wait3A_493 = arith.constant 1024 : i32
      %dma_wait3A_494 = tpu.memref_slice %arg4[%add3A_224, %dma_wait3A_492, %dma_wait3A_493] : memref<64x64x8448xf32, #tpu.memory_space<hbm>> -> memref<1x64x1024xf32, #tpu.memory_space<hbm>>
      %dma_wait3A_495 = tpu.memref_squeeze %dma_wait3A_494 : memref<1x64x1024xf32, #tpu.memory_space<hbm>> -> memref<64x1024xf32, #tpu.memory_space<hbm>>
      tpu.wait_dma2 semaphore(%arg9 : memref<!tpu.dma_semaphore, #tpu.memory_space<semaphore_mem>>) src(%arg7 : memref<64x1024xf32, #tpu.memory_space<vmem>>) dst(%dma_wait3A_495 : memref<64x1024xf32, #tpu.memory_space<hbm>>)
      %dma_wait3A_496 = arith.constant 0 : i32
      %dma_wait3A_497 = arith.constant 2048 : i32
      %dma_wait3A_498 = tpu.memref_slice %arg4[%add3A_224, %dma_wait3A_496, %dma_wait3A_497] : memref<64x64x8448xf32, #tpu.memory_space<hbm>> -> memref<1x64x1024xf32, #tpu.memory_space<hbm>>
      %dma_wait3A_499 = tpu.memref_squeeze %dma_wait3A_498 : memref<1x64x1024xf32, #tpu.memory_space<hbm>> -> memref<64x1024xf32, #tpu.memory_space<hbm>>
      %dma_wait3A_500 = arith.constant 0 : i32
      %dma_wait3A_501 = arith.constant 2048 : i32
      %dma_wait3A_502 = tpu.memref_slice %arg4[%add3A_224, %dma_wait3A_500, %dma_wait3A_501] : memref<64x64x8448xf32, #tpu.memory_space<hbm>> -> memref<1x64x1024xf32, #tpu.memory_space<hbm>>
      %dma_wait3A_503 = tpu.memref_squeeze %dma_wait3A_502 : memref<1x64x1024xf32, #tpu.memory_space<hbm>> -> memref<64x1024xf32, #tpu.memory_space<hbm>>
      tpu.wait_dma2 semaphore(%arg9 : memref<!tpu.dma_semaphore, #tpu.memory_space<semaphore_mem>>) src(%arg7 : memref<64x1024xf32, #tpu.memory_space<vmem>>) dst(%dma_wait3A_503 : memref<64x1024xf32, #tpu.memory_space<hbm>>)
      %dma_wait3A_504 = arith.constant 0 : i32
      %dma_wait3A_505 = arith.constant 3072 : i32
      %dma_wait3A_506 = tpu.memref_slice %arg4[%add3A_224, %dma_wait3A_504, %dma_wait3A_505] : memref<64x64x8448xf32, #tpu.memory_space<hbm>> -> memref<1x64x1024xf32, #tpu.memory_space<hbm>>
      %dma_wait3A_507 = tpu.memref_squeeze %dma_wait3A_506 : memref<1x64x1024xf32, #tpu.memory_space<hbm>> -> memref<64x1024xf32, #tpu.memory_space<hbm>>
      %dma_wait3A_508 = arith.constant 0 : i32
      %dma_wait3A_509 = arith.constant 3072 : i32
      %dma_wait3A_510 = tpu.memref_slice %arg4[%add3A_224, %dma_wait3A_508, %dma_wait3A_509] : memref<64x64x8448xf32, #tpu.memory_space<hbm>> -> memref<1x64x1024xf32, #tpu.memory_space<hbm>>
      %dma_wait3A_511 = tpu.memref_squeeze %dma_wait3A_510 : memref<1x64x1024xf32, #tpu.memory_space<hbm>> -> memref<64x1024xf32, #tpu.memory_space<hbm>>
      tpu.wait_dma2 semaphore(%arg9 : memref<!tpu.dma_semaphore, #tpu.memory_space<semaphore_mem>>) src(%arg7 : memref<64x1024xf32, #tpu.memory_space<vmem>>) dst(%dma_wait3A_511 : memref<64x1024xf32, #tpu.memory_space<hbm>>)
      %dma_wait3A_512 = arith.constant 0 : i32
      %dma_wait3A_513 = arith.constant 4096 : i32
      %dma_wait3A_514 = tpu.memref_slice %arg4[%add3A_224, %dma_wait3A_512, %dma_wait3A_513] : memref<64x64x8448xf32, #tpu.memory_space<hbm>> -> memref<1x64x1024xf32, #tpu.memory_space<hbm>>
      %dma_wait3A_515 = tpu.memref_squeeze %dma_wait3A_514 : memref<1x64x1024xf32, #tpu.memory_space<hbm>> -> memref<64x1024xf32, #tpu.memory_space<hbm>>
      %dma_wait3A_516 = arith.constant 0 : i32
      %dma_wait3A_517 = arith.constant 4096 : i32
      %dma_wait3A_518 = tpu.memref_slice %arg4[%add3A_224, %dma_wait3A_516, %dma_wait3A_517] : memref<64x64x8448xf32, #tpu.memory_space<hbm>> -> memref<1x64x1024xf32, #tpu.memory_space<hbm>>
      %dma_wait3A_519 = tpu.memref_squeeze %dma_wait3A_518 : memref<1x64x1024xf32, #tpu.memory_space<hbm>> -> memref<64x1024xf32, #tpu.memory_space<hbm>>
      tpu.wait_dma2 semaphore(%arg9 : memref<!tpu.dma_semaphore, #tpu.memory_space<semaphore_mem>>) src(%arg7 : memref<64x1024xf32, #tpu.memory_space<vmem>>) dst(%dma_wait3A_519 : memref<64x1024xf32, #tpu.memory_space<hbm>>)
      %dma_wait3A_520 = arith.constant 0 : i32
      %dma_wait3A_521 = arith.constant 5120 : i32
      %dma_wait3A_522 = tpu.memref_slice %arg4[%add3A_224, %dma_wait3A_520, %dma_wait3A_521] : memref<64x64x8448xf32, #tpu.memory_space<hbm>> -> memref<1x64x1024xf32, #tpu.memory_space<hbm>>
      %dma_wait3A_523 = tpu.memref_squeeze %dma_wait3A_522 : memref<1x64x1024xf32, #tpu.memory_space<hbm>> -> memref<64x1024xf32, #tpu.memory_space<hbm>>
      %dma_wait3A_524 = arith.constant 0 : i32
      %dma_wait3A_525 = arith.constant 5120 : i32
      %dma_wait3A_526 = tpu.memref_slice %arg4[%add3A_224, %dma_wait3A_524, %dma_wait3A_525] : memref<64x64x8448xf32, #tpu.memory_space<hbm>> -> memref<1x64x1024xf32, #tpu.memory_space<hbm>>
      %dma_wait3A_527 = tpu.memref_squeeze %dma_wait3A_526 : memref<1x64x1024xf32, #tpu.memory_space<hbm>> -> memref<64x1024xf32, #tpu.memory_space<hbm>>
      tpu.wait_dma2 semaphore(%arg9 : memref<!tpu.dma_semaphore, #tpu.memory_space<semaphore_mem>>) src(%arg7 : memref<64x1024xf32, #tpu.memory_space<vmem>>) dst(%dma_wait3A_527 : memref<64x1024xf32, #tpu.memory_space<hbm>>)
      %dma_wait3A_528 = arith.constant 0 : i32
      %dma_wait3A_529 = arith.constant 6144 : i32
      %dma_wait3A_530 = tpu.memref_slice %arg4[%add3A_224, %dma_wait3A_528, %dma_wait3A_529] : memref<64x64x8448xf32, #tpu.memory_space<hbm>> -> memref<1x64x1024xf32, #tpu.memory_space<hbm>>
      %dma_wait3A_531 = tpu.memref_squeeze %dma_wait3A_530 : memref<1x64x1024xf32, #tpu.memory_space<hbm>> -> memref<64x1024xf32, #tpu.memory_space<hbm>>
      %dma_wait3A_532 = arith.constant 0 : i32
      %dma_wait3A_533 = arith.constant 6144 : i32
      %dma_wait3A_534 = tpu.memref_slice %arg4[%add3A_224, %dma_wait3A_532, %dma_wait3A_533] : memref<64x64x8448xf32, #tpu.memory_space<hbm>> -> memref<1x64x1024xf32, #tpu.memory_space<hbm>>
      %dma_wait3A_535 = tpu.memref_squeeze %dma_wait3A_534 : memref<1x64x1024xf32, #tpu.memory_space<hbm>> -> memref<64x1024xf32, #tpu.memory_space<hbm>>
      tpu.wait_dma2 semaphore(%arg9 : memref<!tpu.dma_semaphore, #tpu.memory_space<semaphore_mem>>) src(%arg7 : memref<64x1024xf32, #tpu.memory_space<vmem>>) dst(%dma_wait3A_535 : memref<64x1024xf32, #tpu.memory_space<hbm>>)
      %dma_wait3A_536 = arith.constant 0 : i32
      %dma_wait3A_537 = arith.constant 7168 : i32
      %dma_wait3A_538 = tpu.memref_slice %arg4[%add3A_224, %dma_wait3A_536, %dma_wait3A_537] : memref<64x64x8448xf32, #tpu.memory_space<hbm>> -> memref<1x64x1024xf32, #tpu.memory_space<hbm>>
      %dma_wait3A_539 = tpu.memref_squeeze %dma_wait3A_538 : memref<1x64x1024xf32, #tpu.memory_space<hbm>> -> memref<64x1024xf32, #tpu.memory_space<hbm>>
      %dma_wait3A_540 = arith.constant 0 : i32
      %dma_wait3A_541 = arith.constant 7168 : i32
      %dma_wait3A_542 = tpu.memref_slice %arg4[%add3A_224, %dma_wait3A_540, %dma_wait3A_541] : memref<64x64x8448xf32, #tpu.memory_space<hbm>> -> memref<1x64x1024xf32, #tpu.memory_space<hbm>>
      %dma_wait3A_543 = tpu.memref_squeeze %dma_wait3A_542 : memref<1x64x1024xf32, #tpu.memory_space<hbm>> -> memref<64x1024xf32, #tpu.memory_space<hbm>>
      tpu.wait_dma2 semaphore(%arg9 : memref<!tpu.dma_semaphore, #tpu.memory_space<semaphore_mem>>) src(%arg7 : memref<64x1024xf32, #tpu.memory_space<vmem>>) dst(%dma_wait3A_543 : memref<64x1024xf32, #tpu.memory_space<hbm>>)
      %add3A_544 = arith.constant 0 : i32
      %add3A_545 = arith.addi %mul3A_20, %add3A_544 : i32
      %add3A_546 = arith.constant 0 : i32
      %add3A_547 = arith.addi %add3A_546, %add3A_545 : i32
      "tpu.region"() ({
        %run_scoped3A_672 = tpu.sem_alloc : memref<!tpu.dma_semaphore, #tpu.memory_space<semaphore_mem>>
        %dma_start3A_673 = arith.constant 0 : i32
        %dma_start3A_674 = arith.constant 0 : i32
        %dma_start3A_675 = tpu.memref_slice %arg3[%add3A_547, %dma_start3A_673, %dma_start3A_674] : memref<128x64x256xf32, #tpu.memory_space<hbm>> -> memref<1x64x256xf32, #tpu.memory_space<hbm>>
        %dma_start3A_676 = tpu.memref_squeeze %dma_start3A_675 : memref<1x64x256xf32, #tpu.memory_space<hbm>> -> memref<64x256xf32, #tpu.memory_space<hbm>>
        %dma_start3A_677 = arith.constant 0 : i32
        %dma_start3A_678 = arith.constant 0 : i32
        %dma_start3A_679 = tpu.memref_slice %arg3[%add3A_547, %dma_start3A_677, %dma_start3A_678] : memref<128x64x256xf32, #tpu.memory_space<hbm>> -> memref<1x64x256xf32, #tpu.memory_space<hbm>>
        %dma_start3A_680 = tpu.memref_squeeze %dma_start3A_679 : memref<1x64x256xf32, #tpu.memory_space<hbm>> -> memref<64x256xf32, #tpu.memory_space<hbm>>
        tpu.enqueue_dma source(%dma_start3A_680 : memref<64x256xf32, #tpu.memory_space<hbm>>) target(%arg8 : memref<64x256xf32, #tpu.memory_space<vmem>>) target_semaphore(%run_scoped3A_672 : memref<!tpu.dma_semaphore, #tpu.memory_space<semaphore_mem>>)
        %dma_wait3A_681 = arith.constant 0 : i32
        %dma_wait3A_682 = arith.constant 0 : i32
        %dma_wait3A_683 = tpu.memref_slice %arg3[%add3A_547, %dma_wait3A_681, %dma_wait3A_682] : memref<128x64x256xf32, #tpu.memory_space<hbm>> -> memref<1x64x256xf32, #tpu.memory_space<hbm>>
        %dma_wait3A_684 = tpu.memref_squeeze %dma_wait3A_683 : memref<1x64x256xf32, #tpu.memory_space<hbm>> -> memref<64x256xf32, #tpu.memory_space<hbm>>
        %dma_wait3A_685 = arith.constant 0 : i32
        %dma_wait3A_686 = arith.constant 0 : i32
        %dma_wait3A_687 = tpu.memref_slice %arg3[%add3A_547, %dma_wait3A_685, %dma_wait3A_686] : memref<128x64x256xf32, #tpu.memory_space<hbm>> -> memref<1x64x256xf32, #tpu.memory_space<hbm>>
        %dma_wait3A_688 = tpu.memref_squeeze %dma_wait3A_687 : memref<1x64x256xf32, #tpu.memory_space<hbm>> -> memref<64x256xf32, #tpu.memory_space<hbm>>
        tpu.wait_dma2 semaphore(%run_scoped3A_672 : memref<!tpu.dma_semaphore, #tpu.memory_space<semaphore_mem>>) src(%dma_wait3A_688 : memref<64x256xf32, #tpu.memory_space<hbm>>) dst(%arg8 : memref<64x256xf32, #tpu.memory_space<vmem>>)
        tpu.yield
      }) : () -> ()
      %dma_start3A_548 = arith.constant 0 : i32
      %dma_start3A_549 = arith.constant 8192 : i32
      %dma_start3A_550 = tpu.memref_slice %arg4[%add3A_545, %dma_start3A_548, %dma_start3A_549] : memref<64x64x8448xf32, #tpu.memory_space<hbm>> -> memref<1x64x256xf32, #tpu.memory_space<hbm>>
      %dma_start3A_551 = tpu.memref_squeeze %dma_start3A_550 : memref<1x64x256xf32, #tpu.memory_space<hbm>> -> memref<64x256xf32, #tpu.memory_space<hbm>>
      %dma_start3A_552 = arith.constant 0 : i32
      %dma_start3A_553 = arith.constant 8192 : i32
      %dma_start3A_554 = tpu.memref_slice %arg4[%add3A_545, %dma_start3A_552, %dma_start3A_553] : memref<64x64x8448xf32, #tpu.memory_space<hbm>> -> memref<1x64x256xf32, #tpu.memory_space<hbm>>
      %dma_start3A_555 = tpu.memref_squeeze %dma_start3A_554 : memref<1x64x256xf32, #tpu.memory_space<hbm>> -> memref<64x256xf32, #tpu.memory_space<hbm>>
      tpu.enqueue_dma source(%arg8 : memref<64x256xf32, #tpu.memory_space<vmem>>) target(%dma_start3A_555 : memref<64x256xf32, #tpu.memory_space<hbm>>) target_semaphore(%arg10 : memref<!tpu.dma_semaphore, #tpu.memory_space<semaphore_mem>>)
      %dma_start3A_556 = arith.constant 0 : i32
      %dma_start3A_557 = tpu.memref_slice %arg4[%add3A_545, %dma_start3A_556, %mul3A_15] : memref<64x64x8448xf32, #tpu.memory_space<hbm>> -> memref<1x64x256xf32, #tpu.memory_space<hbm>>
      %dma_start3A_558 = tpu.memref_squeeze %dma_start3A_557 : memref<1x64x256xf32, #tpu.memory_space<hbm>> -> memref<64x256xf32, #tpu.memory_space<hbm>>
      %dma_start3A_559 = arith.constant 0 : i32
      %dma_start3A_560 = tpu.memref_slice %arg4[%add3A_545, %dma_start3A_559, %mul3A_15] : memref<64x64x8448xf32, #tpu.memory_space<hbm>> -> memref<1x64x256xf32, #tpu.memory_space<hbm>>
      %dma_start3A_561 = tpu.memref_squeeze %dma_start3A_560 : memref<1x64x256xf32, #tpu.memory_space<hbm>> -> memref<64x256xf32, #tpu.memory_space<hbm>>
      tpu.enqueue_dma source(%arg8 : memref<64x256xf32, #tpu.memory_space<vmem>>) target(%dma_start3A_561 : memref<64x256xf32, #tpu.memory_space<hbm>>) target_semaphore(%arg10 : memref<!tpu.dma_semaphore, #tpu.memory_space<semaphore_mem>>)
      %dma_wait3A_562 = arith.constant 0 : i32
      %dma_wait3A_563 = arith.constant 8192 : i32
      %dma_wait3A_564 = tpu.memref_slice %arg4[%add3A_545, %dma_wait3A_562, %dma_wait3A_563] : memref<64x64x8448xf32, #tpu.memory_space<hbm>> -> memref<1x64x256xf32, #tpu.memory_space<hbm>>
      %dma_wait3A_565 = tpu.memref_squeeze %dma_wait3A_564 : memref<1x64x256xf32, #tpu.memory_space<hbm>> -> memref<64x256xf32, #tpu.memory_space<hbm>>
      %dma_wait3A_566 = arith.constant 0 : i32
      %dma_wait3A_567 = arith.constant 8192 : i32
      %dma_wait3A_568 = tpu.memref_slice %arg4[%add3A_545, %dma_wait3A_566, %dma_wait3A_567] : memref<64x64x8448xf32, #tpu.memory_space<hbm>> -> memref<1x64x256xf32, #tpu.memory_space<hbm>>
      %dma_wait3A_569 = tpu.memref_squeeze %dma_wait3A_568 : memref<1x64x256xf32, #tpu.memory_space<hbm>> -> memref<64x256xf32, #tpu.memory_space<hbm>>
      tpu.wait_dma2 semaphore(%arg10 : memref<!tpu.dma_semaphore, #tpu.memory_space<semaphore_mem>>) src(%arg8 : memref<64x256xf32, #tpu.memory_space<vmem>>) dst(%dma_wait3A_569 : memref<64x256xf32, #tpu.memory_space<hbm>>)
      %dma_wait3A_570 = arith.constant 0 : i32
      %dma_wait3A_571 = tpu.memref_slice %arg4[%add3A_545, %dma_wait3A_570, %mul3A_15] : memref<64x64x8448xf32, #tpu.memory_space<hbm>> -> memref<1x64x256xf32, #tpu.memory_space<hbm>>
      %dma_wait3A_572 = tpu.memref_squeeze %dma_wait3A_571 : memref<1x64x256xf32, #tpu.memory_space<hbm>> -> memref<64x256xf32, #tpu.memory_space<hbm>>
      %dma_wait3A_573 = arith.constant 0 : i32
      %dma_wait3A_574 = tpu.memref_slice %arg4[%add3A_545, %dma_wait3A_573, %mul3A_15] : memref<64x64x8448xf32, #tpu.memory_space<hbm>> -> memref<1x64x256xf32, #tpu.memory_space<hbm>>
      %dma_wait3A_575 = tpu.memref_squeeze %dma_wait3A_574 : memref<1x64x256xf32, #tpu.memory_space<hbm>> -> memref<64x256xf32, #tpu.memory_space<hbm>>
      tpu.wait_dma2 semaphore(%arg10 : memref<!tpu.dma_semaphore, #tpu.memory_space<semaphore_mem>>) src(%arg8 : memref<64x256xf32, #tpu.memory_space<vmem>>) dst(%dma_wait3A_575 : memref<64x256xf32, #tpu.memory_space<hbm>>)
      %add3A_576 = arith.constant 1 : i32
      %add3A_577 = arith.addi %mul3A_20, %add3A_576 : i32
      %add3A_578 = arith.constant 0 : i32
      %add3A_579 = arith.addi %add3A_578, %add3A_577 : i32
      "tpu.region"() ({
        %run_scoped3A_672 = tpu.sem_alloc : memref<!tpu.dma_semaphore, #tpu.memory_space<semaphore_mem>>
        %dma_start3A_673 = arith.constant 0 : i32
        %dma_start3A_674 = arith.constant 0 : i32
        %dma_start3A_675 = tpu.memref_slice %arg3[%add3A_579, %dma_start3A_673, %dma_start3A_674] : memref<128x64x256xf32, #tpu.memory_space<hbm>> -> memref<1x64x256xf32, #tpu.memory_space<hbm>>
        %dma_start3A_676 = tpu.memref_squeeze %dma_start3A_675 : memref<1x64x256xf32, #tpu.memory_space<hbm>> -> memref<64x256xf32, #tpu.memory_space<hbm>>
        %dma_start3A_677 = arith.constant 0 : i32
        %dma_start3A_678 = arith.constant 0 : i32
        %dma_start3A_679 = tpu.memref_slice %arg3[%add3A_579, %dma_start3A_677, %dma_start3A_678] : memref<128x64x256xf32, #tpu.memory_space<hbm>> -> memref<1x64x256xf32, #tpu.memory_space<hbm>>
        %dma_start3A_680 = tpu.memref_squeeze %dma_start3A_679 : memref<1x64x256xf32, #tpu.memory_space<hbm>> -> memref<64x256xf32, #tpu.memory_space<hbm>>
        tpu.enqueue_dma source(%dma_start3A_680 : memref<64x256xf32, #tpu.memory_space<hbm>>) target(%arg8 : memref<64x256xf32, #tpu.memory_space<vmem>>) target_semaphore(%run_scoped3A_672 : memref<!tpu.dma_semaphore, #tpu.memory_space<semaphore_mem>>)
        %dma_wait3A_681 = arith.constant 0 : i32
        %dma_wait3A_682 = arith.constant 0 : i32
        %dma_wait3A_683 = tpu.memref_slice %arg3[%add3A_579, %dma_wait3A_681, %dma_wait3A_682] : memref<128x64x256xf32, #tpu.memory_space<hbm>> -> memref<1x64x256xf32, #tpu.memory_space<hbm>>
        %dma_wait3A_684 = tpu.memref_squeeze %dma_wait3A_683 : memref<1x64x256xf32, #tpu.memory_space<hbm>> -> memref<64x256xf32, #tpu.memory_space<hbm>>
        %dma_wait3A_685 = arith.constant 0 : i32
        %dma_wait3A_686 = arith.constant 0 : i32
        %dma_wait3A_687 = tpu.memref_slice %arg3[%add3A_579, %dma_wait3A_685, %dma_wait3A_686] : memref<128x64x256xf32, #tpu.memory_space<hbm>> -> memref<1x64x256xf32, #tpu.memory_space<hbm>>
        %dma_wait3A_688 = tpu.memref_squeeze %dma_wait3A_687 : memref<1x64x256xf32, #tpu.memory_space<hbm>> -> memref<64x256xf32, #tpu.memory_space<hbm>>
        tpu.wait_dma2 semaphore(%run_scoped3A_672 : memref<!tpu.dma_semaphore, #tpu.memory_space<semaphore_mem>>) src(%dma_wait3A_688 : memref<64x256xf32, #tpu.memory_space<hbm>>) dst(%arg8 : memref<64x256xf32, #tpu.memory_space<vmem>>)
        tpu.yield
      }) : () -> ()
      %dma_start3A_580 = arith.constant 0 : i32
      %dma_start3A_581 = arith.constant 8192 : i32
      %dma_start3A_582 = tpu.memref_slice %arg4[%add3A_577, %dma_start3A_580, %dma_start3A_581] : memref<64x64x8448xf32, #tpu.memory_space<hbm>> -> memref<1x64x256xf32, #tpu.memory_space<hbm>>
      %dma_start3A_583 = tpu.memref_squeeze %dma_start3A_582 : memref<1x64x256xf32, #tpu.memory_space<hbm>> -> memref<64x256xf32, #tpu.memory_space<hbm>>
      %dma_start3A_584 = arith.constant 0 : i32
      %dma_start3A_585 = arith.constant 8192 : i32
      %dma_start3A_586 = tpu.memref_slice %arg4[%add3A_577, %dma_start3A_584, %dma_start3A_585] : memref<64x64x8448xf32, #tpu.memory_space<hbm>> -> memref<1x64x256xf32, #tpu.memory_space<hbm>>
      %dma_start3A_587 = tpu.memref_squeeze %dma_start3A_586 : memref<1x64x256xf32, #tpu.memory_space<hbm>> -> memref<64x256xf32, #tpu.memory_space<hbm>>
      tpu.enqueue_dma source(%arg8 : memref<64x256xf32, #tpu.memory_space<vmem>>) target(%dma_start3A_587 : memref<64x256xf32, #tpu.memory_space<hbm>>) target_semaphore(%arg10 : memref<!tpu.dma_semaphore, #tpu.memory_space<semaphore_mem>>)
      %dma_start3A_588 = arith.constant 0 : i32
      %dma_start3A_589 = tpu.memref_slice %arg4[%add3A_577, %dma_start3A_588, %mul3A_15] : memref<64x64x8448xf32, #tpu.memory_space<hbm>> -> memref<1x64x256xf32, #tpu.memory_space<hbm>>
      %dma_start3A_590 = tpu.memref_squeeze %dma_start3A_589 : memref<1x64x256xf32, #tpu.memory_space<hbm>> -> memref<64x256xf32, #tpu.memory_space<hbm>>
      %dma_start3A_591 = arith.constant 0 : i32
      %dma_start3A_592 = tpu.memref_slice %arg4[%add3A_577, %dma_start3A_591, %mul3A_15] : memref<64x64x8448xf32, #tpu.memory_space<hbm>> -> memref<1x64x256xf32, #tpu.memory_space<hbm>>
      %dma_start3A_593 = tpu.memref_squeeze %dma_start3A_592 : memref<1x64x256xf32, #tpu.memory_space<hbm>> -> memref<64x256xf32, #tpu.memory_space<hbm>>
      tpu.enqueue_dma source(%arg8 : memref<64x256xf32, #tpu.memory_space<vmem>>) target(%dma_start3A_593 : memref<64x256xf32, #tpu.memory_space<hbm>>) target_semaphore(%arg10 : memref<!tpu.dma_semaphore, #tpu.memory_space<semaphore_mem>>)
      %dma_wait3A_594 = arith.constant 0 : i32
      %dma_wait3A_595 = arith.constant 8192 : i32
      %dma_wait3A_596 = tpu.memref_slice %arg4[%add3A_577, %dma_wait3A_594, %dma_wait3A_595] : memref<64x64x8448xf32, #tpu.memory_space<hbm>> -> memref<1x64x256xf32, #tpu.memory_space<hbm>>
      %dma_wait3A_597 = tpu.memref_squeeze %dma_wait3A_596 : memref<1x64x256xf32, #tpu.memory_space<hbm>> -> memref<64x256xf32, #tpu.memory_space<hbm>>
      %dma_wait3A_598 = arith.constant 0 : i32
      %dma_wait3A_599 = arith.constant 8192 : i32
      %dma_wait3A_600 = tpu.memref_slice %arg4[%add3A_577, %dma_wait3A_598, %dma_wait3A_599] : memref<64x64x8448xf32, #tpu.memory_space<hbm>> -> memref<1x64x256xf32, #tpu.memory_space<hbm>>
      %dma_wait3A_601 = tpu.memref_squeeze %dma_wait3A_600 : memref<1x64x256xf32, #tpu.memory_space<hbm>> -> memref<64x256xf32, #tpu.memory_space<hbm>>
      tpu.wait_dma2 semaphore(%arg10 : memref<!tpu.dma_semaphore, #tpu.memory_space<semaphore_mem>>) src(%arg8 : memref<64x256xf32, #tpu.memory_space<vmem>>) dst(%dma_wait3A_601 : memref<64x256xf32, #tpu.memory_space<hbm>>)
      %dma_wait3A_602 = arith.constant 0 : i32
      %dma_wait3A_603 = tpu.memref_slice %arg4[%add3A_577, %dma_wait3A_602, %mul3A_15] : memref<64x64x8448xf32, #tpu.memory_space<hbm>> -> memref<1x64x256xf32, #tpu.memory_space<hbm>>
      %dma_wait3A_604 = tpu.memref_squeeze %dma_wait3A_603 : memref<1x64x256xf32, #tpu.memory_space<hbm>> -> memref<64x256xf32, #tpu.memory_space<hbm>>
      %dma_wait3A_605 = arith.constant 0 : i32
      %dma_wait3A_606 = tpu.memref_slice %arg4[%add3A_577, %dma_wait3A_605, %mul3A_15] : memref<64x64x8448xf32, #tpu.memory_space<hbm>> -> memref<1x64x256xf32, #tpu.memory_space<hbm>>
      %dma_wait3A_607 = tpu.memref_squeeze %dma_wait3A_606 : memref<1x64x256xf32, #tpu.memory_space<hbm>> -> memref<64x256xf32, #tpu.memory_space<hbm>>
      tpu.wait_dma2 semaphore(%arg10 : memref<!tpu.dma_semaphore, #tpu.memory_space<semaphore_mem>>) src(%arg8 : memref<64x256xf32, #tpu.memory_space<vmem>>) dst(%dma_wait3A_607 : memref<64x256xf32, #tpu.memory_space<hbm>>)
      %add3A_608 = arith.constant 2 : i32
      %add3A_609 = arith.addi %mul3A_20, %add3A_608 : i32
      %add3A_610 = arith.constant 0 : i32
      %add3A_611 = arith.addi %add3A_610, %add3A_609 : i32
      "tpu.region"() ({
        %run_scoped3A_672 = tpu.sem_alloc : memref<!tpu.dma_semaphore, #tpu.memory_space<semaphore_mem>>
        %dma_start3A_673 = arith.constant 0 : i32
        %dma_start3A_674 = arith.constant 0 : i32
        %dma_start3A_675 = tpu.memref_slice %arg3[%add3A_611, %dma_start3A_673, %dma_start3A_674] : memref<128x64x256xf32, #tpu.memory_space<hbm>> -> memref<1x64x256xf32, #tpu.memory_space<hbm>>
        %dma_start3A_676 = tpu.memref_squeeze %dma_start3A_675 : memref<1x64x256xf32, #tpu.memory_space<hbm>> -> memref<64x256xf32, #tpu.memory_space<hbm>>
        %dma_start3A_677 = arith.constant 0 : i32
        %dma_start3A_678 = arith.constant 0 : i32
        %dma_start3A_679 = tpu.memref_slice %arg3[%add3A_611, %dma_start3A_677, %dma_start3A_678] : memref<128x64x256xf32, #tpu.memory_space<hbm>> -> memref<1x64x256xf32, #tpu.memory_space<hbm>>
        %dma_start3A_680 = tpu.memref_squeeze %dma_start3A_679 : memref<1x64x256xf32, #tpu.memory_space<hbm>> -> memref<64x256xf32, #tpu.memory_space<hbm>>
        tpu.enqueue_dma source(%dma_start3A_680 : memref<64x256xf32, #tpu.memory_space<hbm>>) target(%arg8 : memref<64x256xf32, #tpu.memory_space<vmem>>) target_semaphore(%run_scoped3A_672 : memref<!tpu.dma_semaphore, #tpu.memory_space<semaphore_mem>>)
        %dma_wait3A_681 = arith.constant 0 : i32
        %dma_wait3A_682 = arith.constant 0 : i32
        %dma_wait3A_683 = tpu.memref_slice %arg3[%add3A_611, %dma_wait3A_681, %dma_wait3A_682] : memref<128x64x256xf32, #tpu.memory_space<hbm>> -> memref<1x64x256xf32, #tpu.memory_space<hbm>>
        %dma_wait3A_684 = tpu.memref_squeeze %dma_wait3A_683 : memref<1x64x256xf32, #tpu.memory_space<hbm>> -> memref<64x256xf32, #tpu.memory_space<hbm>>
        %dma_wait3A_685 = arith.constant 0 : i32
        %dma_wait3A_686 = arith.constant 0 : i32
        %dma_wait3A_687 = tpu.memref_slice %arg3[%add3A_611, %dma_wait3A_685, %dma_wait3A_686] : memref<128x64x256xf32, #tpu.memory_space<hbm>> -> memref<1x64x256xf32, #tpu.memory_space<hbm>>
        %dma_wait3A_688 = tpu.memref_squeeze %dma_wait3A_687 : memref<1x64x256xf32, #tpu.memory_space<hbm>> -> memref<64x256xf32, #tpu.memory_space<hbm>>
        tpu.wait_dma2 semaphore(%run_scoped3A_672 : memref<!tpu.dma_semaphore, #tpu.memory_space<semaphore_mem>>) src(%dma_wait3A_688 : memref<64x256xf32, #tpu.memory_space<hbm>>) dst(%arg8 : memref<64x256xf32, #tpu.memory_space<vmem>>)
        tpu.yield
      }) : () -> ()
      %dma_start3A_612 = arith.constant 0 : i32
      %dma_start3A_613 = arith.constant 8192 : i32
      %dma_start3A_614 = tpu.memref_slice %arg4[%add3A_609, %dma_start3A_612, %dma_start3A_613] : memref<64x64x8448xf32, #tpu.memory_space<hbm>> -> memref<1x64x256xf32, #tpu.memory_space<hbm>>
      %dma_start3A_615 = tpu.memref_squeeze %dma_start3A_614 : memref<1x64x256xf32, #tpu.memory_space<hbm>> -> memref<64x256xf32, #tpu.memory_space<hbm>>
      %dma_start3A_616 = arith.constant 0 : i32
      %dma_start3A_617 = arith.constant 8192 : i32
      %dma_start3A_618 = tpu.memref_slice %arg4[%add3A_609, %dma_start3A_616, %dma_start3A_617] : memref<64x64x8448xf32, #tpu.memory_space<hbm>> -> memref<1x64x256xf32, #tpu.memory_space<hbm>>
      %dma_start3A_619 = tpu.memref_squeeze %dma_start3A_618 : memref<1x64x256xf32, #tpu.memory_space<hbm>> -> memref<64x256xf32, #tpu.memory_space<hbm>>
      tpu.enqueue_dma source(%arg8 : memref<64x256xf32, #tpu.memory_space<vmem>>) target(%dma_start3A_619 : memref<64x256xf32, #tpu.memory_space<hbm>>) target_semaphore(%arg10 : memref<!tpu.dma_semaphore, #tpu.memory_space<semaphore_mem>>)
      %dma_start3A_620 = arith.constant 0 : i32
      %dma_start3A_621 = tpu.memref_slice %arg4[%add3A_609, %dma_start3A_620, %mul3A_15] : memref<64x64x8448xf32, #tpu.memory_space<hbm>> -> memref<1x64x256xf32, #tpu.memory_space<hbm>>
      %dma_start3A_622 = tpu.memref_squeeze %dma_start3A_621 : memref<1x64x256xf32, #tpu.memory_space<hbm>> -> memref<64x256xf32, #tpu.memory_space<hbm>>
      %dma_start3A_623 = arith.constant 0 : i32
      %dma_start3A_624 = tpu.memref_slice %arg4[%add3A_609, %dma_start3A_623, %mul3A_15] : memref<64x64x8448xf32, #tpu.memory_space<hbm>> -> memref<1x64x256xf32, #tpu.memory_space<hbm>>
      %dma_start3A_625 = tpu.memref_squeeze %dma_start3A_624 : memref<1x64x256xf32, #tpu.memory_space<hbm>> -> memref<64x256xf32, #tpu.memory_space<hbm>>
      tpu.enqueue_dma source(%arg8 : memref<64x256xf32, #tpu.memory_space<vmem>>) target(%dma_start3A_625 : memref<64x256xf32, #tpu.memory_space<hbm>>) target_semaphore(%arg10 : memref<!tpu.dma_semaphore, #tpu.memory_space<semaphore_mem>>)
      %dma_wait3A_626 = arith.constant 0 : i32
      %dma_wait3A_627 = arith.constant 8192 : i32
      %dma_wait3A_628 = tpu.memref_slice %arg4[%add3A_609, %dma_wait3A_626, %dma_wait3A_627] : memref<64x64x8448xf32, #tpu.memory_space<hbm>> -> memref<1x64x256xf32, #tpu.memory_space<hbm>>
      %dma_wait3A_629 = tpu.memref_squeeze %dma_wait3A_628 : memref<1x64x256xf32, #tpu.memory_space<hbm>> -> memref<64x256xf32, #tpu.memory_space<hbm>>
      %dma_wait3A_630 = arith.constant 0 : i32
      %dma_wait3A_631 = arith.constant 8192 : i32
      %dma_wait3A_632 = tpu.memref_slice %arg4[%add3A_609, %dma_wait3A_630, %dma_wait3A_631] : memref<64x64x8448xf32, #tpu.memory_space<hbm>> -> memref<1x64x256xf32, #tpu.memory_space<hbm>>
      %dma_wait3A_633 = tpu.memref_squeeze %dma_wait3A_632 : memref<1x64x256xf32, #tpu.memory_space<hbm>> -> memref<64x256xf32, #tpu.memory_space<hbm>>
      tpu.wait_dma2 semaphore(%arg10 : memref<!tpu.dma_semaphore, #tpu.memory_space<semaphore_mem>>) src(%arg8 : memref<64x256xf32, #tpu.memory_space<vmem>>) dst(%dma_wait3A_633 : memref<64x256xf32, #tpu.memory_space<hbm>>)
      %dma_wait3A_634 = arith.constant 0 : i32
      %dma_wait3A_635 = tpu.memref_slice %arg4[%add3A_609, %dma_wait3A_634, %mul3A_15] : memref<64x64x8448xf32, #tpu.memory_space<hbm>> -> memref<1x64x256xf32, #tpu.memory_space<hbm>>
      %dma_wait3A_636 = tpu.memref_squeeze %dma_wait3A_635 : memref<1x64x256xf32, #tpu.memory_space<hbm>> -> memref<64x256xf32, #tpu.memory_space<hbm>>
      %dma_wait3A_637 = arith.constant 0 : i32
      %dma_wait3A_638 = tpu.memref_slice %arg4[%add3A_609, %dma_wait3A_637, %mul3A_15] : memref<64x64x8448xf32, #tpu.memory_space<hbm>> -> memref<1x64x256xf32, #tpu.memory_space<hbm>>
      %dma_wait3A_639 = tpu.memref_squeeze %dma_wait3A_638 : memref<1x64x256xf32, #tpu.memory_space<hbm>> -> memref<64x256xf32, #tpu.memory_space<hbm>>
      tpu.wait_dma2 semaphore(%arg10 : memref<!tpu.dma_semaphore, #tpu.memory_space<semaphore_mem>>) src(%arg8 : memref<64x256xf32, #tpu.memory_space<vmem>>) dst(%dma_wait3A_639 : memref<64x256xf32, #tpu.memory_space<hbm>>)
      %add3A_640 = arith.constant 3 : i32
      %add3A_641 = arith.addi %mul3A_20, %add3A_640 : i32
      %add3A_642 = arith.constant 0 : i32
      %add3A_643 = arith.addi %add3A_642, %add3A_641 : i32
      "tpu.region"() ({
        %run_scoped3A_672 = tpu.sem_alloc : memref<!tpu.dma_semaphore, #tpu.memory_space<semaphore_mem>>
        %dma_start3A_673 = arith.constant 0 : i32
        %dma_start3A_674 = arith.constant 0 : i32
        %dma_start3A_675 = tpu.memref_slice %arg3[%add3A_643, %dma_start3A_673, %dma_start3A_674] : memref<128x64x256xf32, #tpu.memory_space<hbm>> -> memref<1x64x256xf32, #tpu.memory_space<hbm>>
        %dma_start3A_676 = tpu.memref_squeeze %dma_start3A_675 : memref<1x64x256xf32, #tpu.memory_space<hbm>> -> memref<64x256xf32, #tpu.memory_space<hbm>>
        %dma_start3A_677 = arith.constant 0 : i32
        %dma_start3A_678 = arith.constant 0 : i32
        %dma_start3A_679 = tpu.memref_slice %arg3[%add3A_643, %dma_start3A_677, %dma_start3A_678] : memref<128x64x256xf32, #tpu.memory_space<hbm>> -> memref<1x64x256xf32, #tpu.memory_space<hbm>>
        %dma_start3A_680 = tpu.memref_squeeze %dma_start3A_679 : memref<1x64x256xf32, #tpu.memory_space<hbm>> -> memref<64x256xf32, #tpu.memory_space<hbm>>
        tpu.enqueue_dma source(%dma_start3A_680 : memref<64x256xf32, #tpu.memory_space<hbm>>) target(%arg8 : memref<64x256xf32, #tpu.memory_space<vmem>>) target_semaphore(%run_scoped3A_672 : memref<!tpu.dma_semaphore, #tpu.memory_space<semaphore_mem>>)
        %dma_wait3A_681 = arith.constant 0 : i32
        %dma_wait3A_682 = arith.constant 0 : i32
        %dma_wait3A_683 = tpu.memref_slice %arg3[%add3A_643, %dma_wait3A_681, %dma_wait3A_682] : memref<128x64x256xf32, #tpu.memory_space<hbm>> -> memref<1x64x256xf32, #tpu.memory_space<hbm>>
        %dma_wait3A_684 = tpu.memref_squeeze %dma_wait3A_683 : memref<1x64x256xf32, #tpu.memory_space<hbm>> -> memref<64x256xf32, #tpu.memory_space<hbm>>
        %dma_wait3A_685 = arith.constant 0 : i32
        %dma_wait3A_686 = arith.constant 0 : i32
        %dma_wait3A_687 = tpu.memref_slice %arg3[%add3A_643, %dma_wait3A_685, %dma_wait3A_686] : memref<128x64x256xf32, #tpu.memory_space<hbm>> -> memref<1x64x256xf32, #tpu.memory_space<hbm>>
        %dma_wait3A_688 = tpu.memref_squeeze %dma_wait3A_687 : memref<1x64x256xf32, #tpu.memory_space<hbm>> -> memref<64x256xf32, #tpu.memory_space<hbm>>
        tpu.wait_dma2 semaphore(%run_scoped3A_672 : memref<!tpu.dma_semaphore, #tpu.memory_space<semaphore_mem>>) src(%dma_wait3A_688 : memref<64x256xf32, #tpu.memory_space<hbm>>) dst(%arg8 : memref<64x256xf32, #tpu.memory_space<vmem>>)
        tpu.yield
      }) : () -> ()
      %dma_start3A_644 = arith.constant 0 : i32
      %dma_start3A_645 = arith.constant 8192 : i32
      %dma_start3A_646 = tpu.memref_slice %arg4[%add3A_641, %dma_start3A_644, %dma_start3A_645] : memref<64x64x8448xf32, #tpu.memory_space<hbm>> -> memref<1x64x256xf32, #tpu.memory_space<hbm>>
      %dma_start3A_647 = tpu.memref_squeeze %dma_start3A_646 : memref<1x64x256xf32, #tpu.memory_space<hbm>> -> memref<64x256xf32, #tpu.memory_space<hbm>>
      %dma_start3A_648 = arith.constant 0 : i32
      %dma_start3A_649 = arith.constant 8192 : i32
      %dma_start3A_650 = tpu.memref_slice %arg4[%add3A_641, %dma_start3A_648, %dma_start3A_649] : memref<64x64x8448xf32, #tpu.memory_space<hbm>> -> memref<1x64x256xf32, #tpu.memory_space<hbm>>
      %dma_start3A_651 = tpu.memref_squeeze %dma_start3A_650 : memref<1x64x256xf32, #tpu.memory_space<hbm>> -> memref<64x256xf32, #tpu.memory_space<hbm>>
      tpu.enqueue_dma source(%arg8 : memref<64x256xf32, #tpu.memory_space<vmem>>) target(%dma_start3A_651 : memref<64x256xf32, #tpu.memory_space<hbm>>) target_semaphore(%arg10 : memref<!tpu.dma_semaphore, #tpu.memory_space<semaphore_mem>>)
      %dma_start3A_652 = arith.constant 0 : i32
      %dma_start3A_653 = tpu.memref_slice %arg4[%add3A_641, %dma_start3A_652, %mul3A_15] : memref<64x64x8448xf32, #tpu.memory_space<hbm>> -> memref<1x64x256xf32, #tpu.memory_space<hbm>>
      %dma_start3A_654 = tpu.memref_squeeze %dma_start3A_653 : memref<1x64x256xf32, #tpu.memory_space<hbm>> -> memref<64x256xf32, #tpu.memory_space<hbm>>
      %dma_start3A_655 = arith.constant 0 : i32
      %dma_start3A_656 = tpu.memref_slice %arg4[%add3A_641, %dma_start3A_655, %mul3A_15] : memref<64x64x8448xf32, #tpu.memory_space<hbm>> -> memref<1x64x256xf32, #tpu.memory_space<hbm>>
      %dma_start3A_657 = tpu.memref_squeeze %dma_start3A_656 : memref<1x64x256xf32, #tpu.memory_space<hbm>> -> memref<64x256xf32, #tpu.memory_space<hbm>>
      tpu.enqueue_dma source(%arg8 : memref<64x256xf32, #tpu.memory_space<vmem>>) target(%dma_start3A_657 : memref<64x256xf32, #tpu.memory_space<hbm>>) target_semaphore(%arg10 : memref<!tpu.dma_semaphore, #tpu.memory_space<semaphore_mem>>)
      %dma_wait3A_658 = arith.constant 0 : i32
      %dma_wait3A_659 = arith.constant 8192 : i32
      %dma_wait3A_660 = tpu.memref_slice %arg4[%add3A_641, %dma_wait3A_658, %dma_wait3A_659] : memref<64x64x8448xf32, #tpu.memory_space<hbm>> -> memref<1x64x256xf32, #tpu.memory_space<hbm>>
      %dma_wait3A_661 = tpu.memref_squeeze %dma_wait3A_660 : memref<1x64x256xf32, #tpu.memory_space<hbm>> -> memref<64x256xf32, #tpu.memory_space<hbm>>
      %dma_wait3A_662 = arith.constant 0 : i32
      %dma_wait3A_663 = arith.constant 8192 : i32
      %dma_wait3A_664 = tpu.memref_slice %arg4[%add3A_641, %dma_wait3A_662, %dma_wait3A_663] : memref<64x64x8448xf32, #tpu.memory_space<hbm>> -> memref<1x64x256xf32, #tpu.memory_space<hbm>>
      %dma_wait3A_665 = tpu.memref_squeeze %dma_wait3A_664 : memref<1x64x256xf32, #tpu.memory_space<hbm>> -> memref<64x256xf32, #tpu.memory_space<hbm>>
      tpu.wait_dma2 semaphore(%arg10 : memref<!tpu.dma_semaphore, #tpu.memory_space<semaphore_mem>>) src(%arg8 : memref<64x256xf32, #tpu.memory_space<vmem>>) dst(%dma_wait3A_665 : memref<64x256xf32, #tpu.memory_space<hbm>>)
      %dma_wait3A_666 = arith.constant 0 : i32
      %dma_wait3A_667 = tpu.memref_slice %arg4[%add3A_641, %dma_wait3A_666, %mul3A_15] : memref<64x64x8448xf32, #tpu.memory_space<hbm>> -> memref<1x64x256xf32, #tpu.memory_space<hbm>>
      %dma_wait3A_668 = tpu.memref_squeeze %dma_wait3A_667 : memref<1x64x256xf32, #tpu.memory_space<hbm>> -> memref<64x256xf32, #tpu.memory_space<hbm>>
      %dma_wait3A_669 = arith.constant 0 : i32
      %dma_wait3A_670 = tpu.memref_slice %arg4[%add3A_641, %dma_wait3A_669, %mul3A_15] : memref<64x64x8448xf32, #tpu.memory_space<hbm>> -> memref<1x64x256xf32, #tpu.memory_space<hbm>>
      %dma_wait3A_671 = tpu.memref_squeeze %dma_wait3A_670 : memref<1x64x256xf32, #tpu.memory_space<hbm>> -> memref<64x256xf32, #tpu.memory_space<hbm>>
      tpu.wait_dma2 semaphore(%arg10 : memref<!tpu.dma_semaphore, #tpu.memory_space<semaphore_mem>>) src(%arg8 : memref<64x256xf32, #tpu.memory_space<vmem>>) dst(%dma_wait3A_671 : memref<64x256xf32, #tpu.memory_space<hbm>>)
    } else {
    }
    %not3A = arith.constant true
    %not3A_22 = arith.xori %lt3A_16, %not3A : i1
    %convert_element_type3A_23 = arith.extui %not3A_22 : i1 to i32
    %cond3A_24 = arith.constant 0 : i32
    %cond3A_25 = arith.cmpi ne, %convert_element_type3A_23, %cond3A_24 : i32
    scf.if %cond3A_25 {
      %add3A_26 = arith.constant 0 : i32
      %add3A_27 = arith.addi %mul3A_20, %add3A_26 : i32
      %dma_start3A = arith.constant 0 : i32
      %dma_start3A_28 = arith.constant 0 : i32
      %dma_start3A_29 = tpu.memref_slice %arg5[%add3A_27, %dma_start3A, %dma_start3A_28] : memref<64x64x8448xf32, #tpu.memory_space<hbm>> -> memref<1x64x1024xf32, #tpu.memory_space<hbm>>
      %dma_start3A_30 = tpu.memref_squeeze %dma_start3A_29 : memref<1x64x1024xf32, #tpu.memory_space<hbm>> -> memref<64x1024xf32, #tpu.memory_space<hbm>>
      %dma_start3A_31 = arith.constant 0 : i32
      %dma_start3A_32 = arith.constant 0 : i32
      %dma_start3A_33 = tpu.memref_slice %arg5[%add3A_27, %dma_start3A_31, %dma_start3A_32] : memref<64x64x8448xf32, #tpu.memory_space<hbm>> -> memref<1x64x1024xf32, #tpu.memory_space<hbm>>
      %dma_start3A_34 = tpu.memref_squeeze %dma_start3A_33 : memref<1x64x1024xf32, #tpu.memory_space<hbm>> -> memref<64x1024xf32, #tpu.memory_space<hbm>>
      tpu.enqueue_dma source(%arg7 : memref<64x1024xf32, #tpu.memory_space<vmem>>) target(%dma_start3A_34 : memref<64x1024xf32, #tpu.memory_space<hbm>>) target_semaphore(%arg9 : memref<!tpu.dma_semaphore, #tpu.memory_space<semaphore_mem>>)
      %dma_start3A_35 = arith.constant 0 : i32
      %dma_start3A_36 = arith.constant 1024 : i32
      %dma_start3A_37 = tpu.memref_slice %arg5[%add3A_27, %dma_start3A_35, %dma_start3A_36] : memref<64x64x8448xf32, #tpu.memory_space<hbm>> -> memref<1x64x1024xf32, #tpu.memory_space<hbm>>
      %dma_start3A_38 = tpu.memref_squeeze %dma_start3A_37 : memref<1x64x1024xf32, #tpu.memory_space<hbm>> -> memref<64x1024xf32, #tpu.memory_space<hbm>>
      %dma_start3A_39 = arith.constant 0 : i32
      %dma_start3A_40 = arith.constant 1024 : i32
      %dma_start3A_41 = tpu.memref_slice %arg5[%add3A_27, %dma_start3A_39, %dma_start3A_40] : memref<64x64x8448xf32, #tpu.memory_space<hbm>> -> memref<1x64x1024xf32, #tpu.memory_space<hbm>>
      %dma_start3A_42 = tpu.memref_squeeze %dma_start3A_41 : memref<1x64x1024xf32, #tpu.memory_space<hbm>> -> memref<64x1024xf32, #tpu.memory_space<hbm>>
      tpu.enqueue_dma source(%arg7 : memref<64x1024xf32, #tpu.memory_space<vmem>>) target(%dma_start3A_42 : memref<64x1024xf32, #tpu.memory_space<hbm>>) target_semaphore(%arg9 : memref<!tpu.dma_semaphore, #tpu.memory_space<semaphore_mem>>)
      %dma_start3A_43 = arith.constant 0 : i32
      %dma_start3A_44 = arith.constant 2048 : i32
      %dma_start3A_45 = tpu.memref_slice %arg5[%add3A_27, %dma_start3A_43, %dma_start3A_44] : memref<64x64x8448xf32, #tpu.memory_space<hbm>> -> memref<1x64x1024xf32, #tpu.memory_space<hbm>>
      %dma_start3A_46 = tpu.memref_squeeze %dma_start3A_45 : memref<1x64x1024xf32, #tpu.memory_space<hbm>> -> memref<64x1024xf32, #tpu.memory_space<hbm>>
      %dma_start3A_47 = arith.constant 0 : i32
      %dma_start3A_48 = arith.constant 2048 : i32
      %dma_start3A_49 = tpu.memref_slice %arg5[%add3A_27, %dma_start3A_47, %dma_start3A_48] : memref<64x64x8448xf32, #tpu.memory_space<hbm>> -> memref<1x64x1024xf32, #tpu.memory_space<hbm>>
      %dma_start3A_50 = tpu.memref_squeeze %dma_start3A_49 : memref<1x64x1024xf32, #tpu.memory_space<hbm>> -> memref<64x1024xf32, #tpu.memory_space<hbm>>
      tpu.enqueue_dma source(%arg7 : memref<64x1024xf32, #tpu.memory_space<vmem>>) target(%dma_start3A_50 : memref<64x1024xf32, #tpu.memory_space<hbm>>) target_semaphore(%arg9 : memref<!tpu.dma_semaphore, #tpu.memory_space<semaphore_mem>>)
      %dma_start3A_51 = arith.constant 0 : i32
      %dma_start3A_52 = arith.constant 3072 : i32
      %dma_start3A_53 = tpu.memref_slice %arg5[%add3A_27, %dma_start3A_51, %dma_start3A_52] : memref<64x64x8448xf32, #tpu.memory_space<hbm>> -> memref<1x64x1024xf32, #tpu.memory_space<hbm>>
      %dma_start3A_54 = tpu.memref_squeeze %dma_start3A_53 : memref<1x64x1024xf32, #tpu.memory_space<hbm>> -> memref<64x1024xf32, #tpu.memory_space<hbm>>
      %dma_start3A_55 = arith.constant 0 : i32
      %dma_start3A_56 = arith.constant 3072 : i32
      %dma_start3A_57 = tpu.memref_slice %arg5[%add3A_27, %dma_start3A_55, %dma_start3A_56] : memref<64x64x8448xf32, #tpu.memory_space<hbm>> -> memref<1x64x1024xf32, #tpu.memory_space<hbm>>
      %dma_start3A_58 = tpu.memref_squeeze %dma_start3A_57 : memref<1x64x1024xf32, #tpu.memory_space<hbm>> -> memref<64x1024xf32, #tpu.memory_space<hbm>>
      tpu.enqueue_dma source(%arg7 : memref<64x1024xf32, #tpu.memory_space<vmem>>) target(%dma_start3A_58 : memref<64x1024xf32, #tpu.memory_space<hbm>>) target_semaphore(%arg9 : memref<!tpu.dma_semaphore, #tpu.memory_space<semaphore_mem>>)
      %dma_start3A_59 = arith.constant 0 : i32
      %dma_start3A_60 = arith.constant 4096 : i32
      %dma_start3A_61 = tpu.memref_slice %arg5[%add3A_27, %dma_start3A_59, %dma_start3A_60] : memref<64x64x8448xf32, #tpu.memory_space<hbm>> -> memref<1x64x1024xf32, #tpu.memory_space<hbm>>
      %dma_start3A_62 = tpu.memref_squeeze %dma_start3A_61 : memref<1x64x1024xf32, #tpu.memory_space<hbm>> -> memref<64x1024xf32, #tpu.memory_space<hbm>>
      %dma_start3A_63 = arith.constant 0 : i32
      %dma_start3A_64 = arith.constant 4096 : i32
      %dma_start3A_65 = tpu.memref_slice %arg5[%add3A_27, %dma_start3A_63, %dma_start3A_64] : memref<64x64x8448xf32, #tpu.memory_space<hbm>> -> memref<1x64x1024xf32, #tpu.memory_space<hbm>>
      %dma_start3A_66 = tpu.memref_squeeze %dma_start3A_65 : memref<1x64x1024xf32, #tpu.memory_space<hbm>> -> memref<64x1024xf32, #tpu.memory_space<hbm>>
      tpu.enqueue_dma source(%arg7 : memref<64x1024xf32, #tpu.memory_space<vmem>>) target(%dma_start3A_66 : memref<64x1024xf32, #tpu.memory_space<hbm>>) target_semaphore(%arg9 : memref<!tpu.dma_semaphore, #tpu.memory_space<semaphore_mem>>)
      %dma_start3A_67 = arith.constant 0 : i32
      %dma_start3A_68 = arith.constant 5120 : i32
      %dma_start3A_69 = tpu.memref_slice %arg5[%add3A_27, %dma_start3A_67, %dma_start3A_68] : memref<64x64x8448xf32, #tpu.memory_space<hbm>> -> memref<1x64x1024xf32, #tpu.memory_space<hbm>>
      %dma_start3A_70 = tpu.memref_squeeze %dma_start3A_69 : memref<1x64x1024xf32, #tpu.memory_space<hbm>> -> memref<64x1024xf32, #tpu.memory_space<hbm>>
      %dma_start3A_71 = arith.constant 0 : i32
      %dma_start3A_72 = arith.constant 5120 : i32
      %dma_start3A_73 = tpu.memref_slice %arg5[%add3A_27, %dma_start3A_71, %dma_start3A_72] : memref<64x64x8448xf32, #tpu.memory_space<hbm>> -> memref<1x64x1024xf32, #tpu.memory_space<hbm>>
      %dma_start3A_74 = tpu.memref_squeeze %dma_start3A_73 : memref<1x64x1024xf32, #tpu.memory_space<hbm>> -> memref<64x1024xf32, #tpu.memory_space<hbm>>
      tpu.enqueue_dma source(%arg7 : memref<64x1024xf32, #tpu.memory_space<vmem>>) target(%dma_start3A_74 : memref<64x1024xf32, #tpu.memory_space<hbm>>) target_semaphore(%arg9 : memref<!tpu.dma_semaphore, #tpu.memory_space<semaphore_mem>>)
      %dma_start3A_75 = arith.constant 0 : i32
      %dma_start3A_76 = arith.constant 6144 : i32
      %dma_start3A_77 = tpu.memref_slice %arg5[%add3A_27, %dma_start3A_75, %dma_start3A_76] : memref<64x64x8448xf32, #tpu.memory_space<hbm>> -> memref<1x64x1024xf32, #tpu.memory_space<hbm>>
      %dma_start3A_78 = tpu.memref_squeeze %dma_start3A_77 : memref<1x64x1024xf32, #tpu.memory_space<hbm>> -> memref<64x1024xf32, #tpu.memory_space<hbm>>
      %dma_start3A_79 = arith.constant 0 : i32
      %dma_start3A_80 = arith.constant 6144 : i32
      %dma_start3A_81 = tpu.memref_slice %arg5[%add3A_27, %dma_start3A_79, %dma_start3A_80] : memref<64x64x8448xf32, #tpu.memory_space<hbm>> -> memref<1x64x1024xf32, #tpu.memory_space<hbm>>
      %dma_start3A_82 = tpu.memref_squeeze %dma_start3A_81 : memref<1x64x1024xf32, #tpu.memory_space<hbm>> -> memref<64x1024xf32, #tpu.memory_space<hbm>>
      tpu.enqueue_dma source(%arg7 : memref<64x1024xf32, #tpu.memory_space<vmem>>) target(%dma_start3A_82 : memref<64x1024xf32, #tpu.memory_space<hbm>>) target_semaphore(%arg9 : memref<!tpu.dma_semaphore, #tpu.memory_space<semaphore_mem>>)
      %dma_start3A_83 = arith.constant 0 : i32
      %dma_start3A_84 = arith.constant 7168 : i32
      %dma_start3A_85 = tpu.memref_slice %arg5[%add3A_27, %dma_start3A_83, %dma_start3A_84] : memref<64x64x8448xf32, #tpu.memory_space<hbm>> -> memref<1x64x1024xf32, #tpu.memory_space<hbm>>
      %dma_start3A_86 = tpu.memref_squeeze %dma_start3A_85 : memref<1x64x1024xf32, #tpu.memory_space<hbm>> -> memref<64x1024xf32, #tpu.memory_space<hbm>>
      %dma_start3A_87 = arith.constant 0 : i32
      %dma_start3A_88 = arith.constant 7168 : i32
      %dma_start3A_89 = tpu.memref_slice %arg5[%add3A_27, %dma_start3A_87, %dma_start3A_88] : memref<64x64x8448xf32, #tpu.memory_space<hbm>> -> memref<1x64x1024xf32, #tpu.memory_space<hbm>>
      %dma_start3A_90 = tpu.memref_squeeze %dma_start3A_89 : memref<1x64x1024xf32, #tpu.memory_space<hbm>> -> memref<64x1024xf32, #tpu.memory_space<hbm>>
      tpu.enqueue_dma source(%arg7 : memref<64x1024xf32, #tpu.memory_space<vmem>>) target(%dma_start3A_90 : memref<64x1024xf32, #tpu.memory_space<hbm>>) target_semaphore(%arg9 : memref<!tpu.dma_semaphore, #tpu.memory_space<semaphore_mem>>)
      %add3A_91 = arith.constant 1 : i32
      %add3A_92 = arith.addi %mul3A_20, %add3A_91 : i32
      %dma_start3A_93 = arith.constant 0 : i32
      %dma_start3A_94 = arith.constant 0 : i32
      %dma_start3A_95 = tpu.memref_slice %arg5[%add3A_92, %dma_start3A_93, %dma_start3A_94] : memref<64x64x8448xf32, #tpu.memory_space<hbm>> -> memref<1x64x1024xf32, #tpu.memory_space<hbm>>
      %dma_start3A_96 = tpu.memref_squeeze %dma_start3A_95 : memref<1x64x1024xf32, #tpu.memory_space<hbm>> -> memref<64x1024xf32, #tpu.memory_space<hbm>>
      %dma_start3A_97 = arith.constant 0 : i32
      %dma_start3A_98 = arith.constant 0 : i32
      %dma_start3A_99 = tpu.memref_slice %arg5[%add3A_92, %dma_start3A_97, %dma_start3A_98] : memref<64x64x8448xf32, #tpu.memory_space<hbm>> -> memref<1x64x1024xf32, #tpu.memory_space<hbm>>
      %dma_start3A_100 = tpu.memref_squeeze %dma_start3A_99 : memref<1x64x1024xf32, #tpu.memory_space<hbm>> -> memref<64x1024xf32, #tpu.memory_space<hbm>>
      tpu.enqueue_dma source(%arg7 : memref<64x1024xf32, #tpu.memory_space<vmem>>) target(%dma_start3A_100 : memref<64x1024xf32, #tpu.memory_space<hbm>>) target_semaphore(%arg9 : memref<!tpu.dma_semaphore, #tpu.memory_space<semaphore_mem>>)
      %dma_start3A_101 = arith.constant 0 : i32
      %dma_start3A_102 = arith.constant 1024 : i32
      %dma_start3A_103 = tpu.memref_slice %arg5[%add3A_92, %dma_start3A_101, %dma_start3A_102] : memref<64x64x8448xf32, #tpu.memory_space<hbm>> -> memref<1x64x1024xf32, #tpu.memory_space<hbm>>
      %dma_start3A_104 = tpu.memref_squeeze %dma_start3A_103 : memref<1x64x1024xf32, #tpu.memory_space<hbm>> -> memref<64x1024xf32, #tpu.memory_space<hbm>>
      %dma_start3A_105 = arith.constant 0 : i32
      %dma_start3A_106 = arith.constant 1024 : i32
      %dma_start3A_107 = tpu.memref_slice %arg5[%add3A_92, %dma_start3A_105, %dma_start3A_106] : memref<64x64x8448xf32, #tpu.memory_space<hbm>> -> memref<1x64x1024xf32, #tpu.memory_space<hbm>>
      %dma_start3A_108 = tpu.memref_squeeze %dma_start3A_107 : memref<1x64x1024xf32, #tpu.memory_space<hbm>> -> memref<64x1024xf32, #tpu.memory_space<hbm>>
      tpu.enqueue_dma source(%arg7 : memref<64x1024xf32, #tpu.memory_space<vmem>>) target(%dma_start3A_108 : memref<64x1024xf32, #tpu.memory_space<hbm>>) target_semaphore(%arg9 : memref<!tpu.dma_semaphore, #tpu.memory_space<semaphore_mem>>)
      %dma_start3A_109 = arith.constant 0 : i32
      %dma_start3A_110 = arith.constant 2048 : i32
      %dma_start3A_111 = tpu.memref_slice %arg5[%add3A_92, %dma_start3A_109, %dma_start3A_110] : memref<64x64x8448xf32, #tpu.memory_space<hbm>> -> memref<1x64x1024xf32, #tpu.memory_space<hbm>>
      %dma_start3A_112 = tpu.memref_squeeze %dma_start3A_111 : memref<1x64x1024xf32, #tpu.memory_space<hbm>> -> memref<64x1024xf32, #tpu.memory_space<hbm>>
      %dma_start3A_113 = arith.constant 0 : i32
      %dma_start3A_114 = arith.constant 2048 : i32
      %dma_start3A_115 = tpu.memref_slice %arg5[%add3A_92, %dma_start3A_113, %dma_start3A_114] : memref<64x64x8448xf32, #tpu.memory_space<hbm>> -> memref<1x64x1024xf32, #tpu.memory_space<hbm>>
      %dma_start3A_116 = tpu.memref_squeeze %dma_start3A_115 : memref<1x64x1024xf32, #tpu.memory_space<hbm>> -> memref<64x1024xf32, #tpu.memory_space<hbm>>
      tpu.enqueue_dma source(%arg7 : memref<64x1024xf32, #tpu.memory_space<vmem>>) target(%dma_start3A_116 : memref<64x1024xf32, #tpu.memory_space<hbm>>) target_semaphore(%arg9 : memref<!tpu.dma_semaphore, #tpu.memory_space<semaphore_mem>>)
      %dma_start3A_117 = arith.constant 0 : i32
      %dma_start3A_118 = arith.constant 3072 : i32
      %dma_start3A_119 = tpu.memref_slice %arg5[%add3A_92, %dma_start3A_117, %dma_start3A_118] : memref<64x64x8448xf32, #tpu.memory_space<hbm>> -> memref<1x64x1024xf32, #tpu.memory_space<hbm>>
      %dma_start3A_120 = tpu.memref_squeeze %dma_start3A_119 : memref<1x64x1024xf32, #tpu.memory_space<hbm>> -> memref<64x1024xf32, #tpu.memory_space<hbm>>
      %dma_start3A_121 = arith.constant 0 : i32
      %dma_start3A_122 = arith.constant 3072 : i32
      %dma_start3A_123 = tpu.memref_slice %arg5[%add3A_92, %dma_start3A_121, %dma_start3A_122] : memref<64x64x8448xf32, #tpu.memory_space<hbm>> -> memref<1x64x1024xf32, #tpu.memory_space<hbm>>
      %dma_start3A_124 = tpu.memref_squeeze %dma_start3A_123 : memref<1x64x1024xf32, #tpu.memory_space<hbm>> -> memref<64x1024xf32, #tpu.memory_space<hbm>>
      tpu.enqueue_dma source(%arg7 : memref<64x1024xf32, #tpu.memory_space<vmem>>) target(%dma_start3A_124 : memref<64x1024xf32, #tpu.memory_space<hbm>>) target_semaphore(%arg9 : memref<!tpu.dma_semaphore, #tpu.memory_space<semaphore_mem>>)
      %dma_start3A_125 = arith.constant 0 : i32
      %dma_start3A_126 = arith.constant 4096 : i32
      %dma_start3A_127 = tpu.memref_slice %arg5[%add3A_92, %dma_start3A_125, %dma_start3A_126] : memref<64x64x8448xf32, #tpu.memory_space<hbm>> -> memref<1x64x1024xf32, #tpu.memory_space<hbm>>
      %dma_start3A_128 = tpu.memref_squeeze %dma_start3A_127 : memref<1x64x1024xf32, #tpu.memory_space<hbm>> -> memref<64x1024xf32, #tpu.memory_space<hbm>>
      %dma_start3A_129 = arith.constant 0 : i32
      %dma_start3A_130 = arith.constant 4096 : i32
      %dma_start3A_131 = tpu.memref_slice %arg5[%add3A_92, %dma_start3A_129, %dma_start3A_130] : memref<64x64x8448xf32, #tpu.memory_space<hbm>> -> memref<1x64x1024xf32, #tpu.memory_space<hbm>>
      %dma_start3A_132 = tpu.memref_squeeze %dma_start3A_131 : memref<1x64x1024xf32, #tpu.memory_space<hbm>> -> memref<64x1024xf32, #tpu.memory_space<hbm>>
      tpu.enqueue_dma source(%arg7 : memref<64x1024xf32, #tpu.memory_space<vmem>>) target(%dma_start3A_132 : memref<64x1024xf32, #tpu.memory_space<hbm>>) target_semaphore(%arg9 : memref<!tpu.dma_semaphore, #tpu.memory_space<semaphore_mem>>)
      %dma_start3A_133 = arith.constant 0 : i32
      %dma_start3A_134 = arith.constant 5120 : i32
      %dma_start3A_135 = tpu.memref_slice %arg5[%add3A_92, %dma_start3A_133, %dma_start3A_134] : memref<64x64x8448xf32, #tpu.memory_space<hbm>> -> memref<1x64x1024xf32, #tpu.memory_space<hbm>>
      %dma_start3A_136 = tpu.memref_squeeze %dma_start3A_135 : memref<1x64x1024xf32, #tpu.memory_space<hbm>> -> memref<64x1024xf32, #tpu.memory_space<hbm>>
      %dma_start3A_137 = arith.constant 0 : i32
      %dma_start3A_138 = arith.constant 5120 : i32
      %dma_start3A_139 = tpu.memref_slice %arg5[%add3A_92, %dma_start3A_137, %dma_start3A_138] : memref<64x64x8448xf32, #tpu.memory_space<hbm>> -> memref<1x64x1024xf32, #tpu.memory_space<hbm>>
      %dma_start3A_140 = tpu.memref_squeeze %dma_start3A_139 : memref<1x64x1024xf32, #tpu.memory_space<hbm>> -> memref<64x1024xf32, #tpu.memory_space<hbm>>
      tpu.enqueue_dma source(%arg7 : memref<64x1024xf32, #tpu.memory_space<vmem>>) target(%dma_start3A_140 : memref<64x1024xf32, #tpu.memory_space<hbm>>) target_semaphore(%arg9 : memref<!tpu.dma_semaphore, #tpu.memory_space<semaphore_mem>>)
      %dma_start3A_141 = arith.constant 0 : i32
      %dma_start3A_142 = arith.constant 6144 : i32
      %dma_start3A_143 = tpu.memref_slice %arg5[%add3A_92, %dma_start3A_141, %dma_start3A_142] : memref<64x64x8448xf32, #tpu.memory_space<hbm>> -> memref<1x64x1024xf32, #tpu.memory_space<hbm>>
      %dma_start3A_144 = tpu.memref_squeeze %dma_start3A_143 : memref<1x64x1024xf32, #tpu.memory_space<hbm>> -> memref<64x1024xf32, #tpu.memory_space<hbm>>
      %dma_start3A_145 = arith.constant 0 : i32
      %dma_start3A_146 = arith.constant 6144 : i32
      %dma_start3A_147 = tpu.memref_slice %arg5[%add3A_92, %dma_start3A_145, %dma_start3A_146] : memref<64x64x8448xf32, #tpu.memory_space<hbm>> -> memref<1x64x1024xf32, #tpu.memory_space<hbm>>
      %dma_start3A_148 = tpu.memref_squeeze %dma_start3A_147 : memref<1x64x1024xf32, #tpu.memory_space<hbm>> -> memref<64x1024xf32, #tpu.memory_space<hbm>>
      tpu.enqueue_dma source(%arg7 : memref<64x1024xf32, #tpu.memory_space<vmem>>) target(%dma_start3A_148 : memref<64x1024xf32, #tpu.memory_space<hbm>>) target_semaphore(%arg9 : memref<!tpu.dma_semaphore, #tpu.memory_space<semaphore_mem>>)
      %dma_start3A_149 = arith.constant 0 : i32
      %dma_start3A_150 = arith.constant 7168 : i32
      %dma_start3A_151 = tpu.memref_slice %arg5[%add3A_92, %dma_start3A_149, %dma_start3A_150] : memref<64x64x8448xf32, #tpu.memory_space<hbm>> -> memref<1x64x1024xf32, #tpu.memory_space<hbm>>
      %dma_start3A_152 = tpu.memref_squeeze %dma_start3A_151 : memref<1x64x1024xf32, #tpu.memory_space<hbm>> -> memref<64x1024xf32, #tpu.memory_space<hbm>>
      %dma_start3A_153 = arith.constant 0 : i32
      %dma_start3A_154 = arith.constant 7168 : i32
      %dma_start3A_155 = tpu.memref_slice %arg5[%add3A_92, %dma_start3A_153, %dma_start3A_154] : memref<64x64x8448xf32, #tpu.memory_space<hbm>> -> memref<1x64x1024xf32, #tpu.memory_space<hbm>>
      %dma_start3A_156 = tpu.memref_squeeze %dma_start3A_155 : memref<1x64x1024xf32, #tpu.memory_space<hbm>> -> memref<64x1024xf32, #tpu.memory_space<hbm>>
      tpu.enqueue_dma source(%arg7 : memref<64x1024xf32, #tpu.memory_space<vmem>>) target(%dma_start3A_156 : memref<64x1024xf32, #tpu.memory_space<hbm>>) target_semaphore(%arg9 : memref<!tpu.dma_semaphore, #tpu.memory_space<semaphore_mem>>)
      %add3A_157 = arith.constant 2 : i32
      %add3A_158 = arith.addi %mul3A_20, %add3A_157 : i32
      %dma_start3A_159 = arith.constant 0 : i32
      %dma_start3A_160 = arith.constant 0 : i32
      %dma_start3A_161 = tpu.memref_slice %arg5[%add3A_158, %dma_start3A_159, %dma_start3A_160] : memref<64x64x8448xf32, #tpu.memory_space<hbm>> -> memref<1x64x1024xf32, #tpu.memory_space<hbm>>
      %dma_start3A_162 = tpu.memref_squeeze %dma_start3A_161 : memref<1x64x1024xf32, #tpu.memory_space<hbm>> -> memref<64x1024xf32, #tpu.memory_space<hbm>>
      %dma_start3A_163 = arith.constant 0 : i32
      %dma_start3A_164 = arith.constant 0 : i32
      %dma_start3A_165 = tpu.memref_slice %arg5[%add3A_158, %dma_start3A_163, %dma_start3A_164] : memref<64x64x8448xf32, #tpu.memory_space<hbm>> -> memref<1x64x1024xf32, #tpu.memory_space<hbm>>
      %dma_start3A_166 = tpu.memref_squeeze %dma_start3A_165 : memref<1x64x1024xf32, #tpu.memory_space<hbm>> -> memref<64x1024xf32, #tpu.memory_space<hbm>>
      tpu.enqueue_dma source(%arg7 : memref<64x1024xf32, #tpu.memory_space<vmem>>) target(%dma_start3A_166 : memref<64x1024xf32, #tpu.memory_space<hbm>>) target_semaphore(%arg9 : memref<!tpu.dma_semaphore, #tpu.memory_space<semaphore_mem>>)
      %dma_start3A_167 = arith.constant 0 : i32
      %dma_start3A_168 = arith.constant 1024 : i32
      %dma_start3A_169 = tpu.memref_slice %arg5[%add3A_158, %dma_start3A_167, %dma_start3A_168] : memref<64x64x8448xf32, #tpu.memory_space<hbm>> -> memref<1x64x1024xf32, #tpu.memory_space<hbm>>
      %dma_start3A_170 = tpu.memref_squeeze %dma_start3A_169 : memref<1x64x1024xf32, #tpu.memory_space<hbm>> -> memref<64x1024xf32, #tpu.memory_space<hbm>>
      %dma_start3A_171 = arith.constant 0 : i32
      %dma_start3A_172 = arith.constant 1024 : i32
      %dma_start3A_173 = tpu.memref_slice %arg5[%add3A_158, %dma_start3A_171, %dma_start3A_172] : memref<64x64x8448xf32, #tpu.memory_space<hbm>> -> memref<1x64x1024xf32, #tpu.memory_space<hbm>>
      %dma_start3A_174 = tpu.memref_squeeze %dma_start3A_173 : memref<1x64x1024xf32, #tpu.memory_space<hbm>> -> memref<64x1024xf32, #tpu.memory_space<hbm>>
      tpu.enqueue_dma source(%arg7 : memref<64x1024xf32, #tpu.memory_space<vmem>>) target(%dma_start3A_174 : memref<64x1024xf32, #tpu.memory_space<hbm>>) target_semaphore(%arg9 : memref<!tpu.dma_semaphore, #tpu.memory_space<semaphore_mem>>)
      %dma_start3A_175 = arith.constant 0 : i32
      %dma_start3A_176 = arith.constant 2048 : i32
      %dma_start3A_177 = tpu.memref_slice %arg5[%add3A_158, %dma_start3A_175, %dma_start3A_176] : memref<64x64x8448xf32, #tpu.memory_space<hbm>> -> memref<1x64x1024xf32, #tpu.memory_space<hbm>>
      %dma_start3A_178 = tpu.memref_squeeze %dma_start3A_177 : memref<1x64x1024xf32, #tpu.memory_space<hbm>> -> memref<64x1024xf32, #tpu.memory_space<hbm>>
      %dma_start3A_179 = arith.constant 0 : i32
      %dma_start3A_180 = arith.constant 2048 : i32
      %dma_start3A_181 = tpu.memref_slice %arg5[%add3A_158, %dma_start3A_179, %dma_start3A_180] : memref<64x64x8448xf32, #tpu.memory_space<hbm>> -> memref<1x64x1024xf32, #tpu.memory_space<hbm>>
      %dma_start3A_182 = tpu.memref_squeeze %dma_start3A_181 : memref<1x64x1024xf32, #tpu.memory_space<hbm>> -> memref<64x1024xf32, #tpu.memory_space<hbm>>
      tpu.enqueue_dma source(%arg7 : memref<64x1024xf32, #tpu.memory_space<vmem>>) target(%dma_start3A_182 : memref<64x1024xf32, #tpu.memory_space<hbm>>) target_semaphore(%arg9 : memref<!tpu.dma_semaphore, #tpu.memory_space<semaphore_mem>>)
      %dma_start3A_183 = arith.constant 0 : i32
      %dma_start3A_184 = arith.constant 3072 : i32
      %dma_start3A_185 = tpu.memref_slice %arg5[%add3A_158, %dma_start3A_183, %dma_start3A_184] : memref<64x64x8448xf32, #tpu.memory_space<hbm>> -> memref<1x64x1024xf32, #tpu.memory_space<hbm>>
      %dma_start3A_186 = tpu.memref_squeeze %dma_start3A_185 : memref<1x64x1024xf32, #tpu.memory_space<hbm>> -> memref<64x1024xf32, #tpu.memory_space<hbm>>
      %dma_start3A_187 = arith.constant 0 : i32
      %dma_start3A_188 = arith.constant 3072 : i32
      %dma_start3A_189 = tpu.memref_slice %arg5[%add3A_158, %dma_start3A_187, %dma_start3A_188] : memref<64x64x8448xf32, #tpu.memory_space<hbm>> -> memref<1x64x1024xf32, #tpu.memory_space<hbm>>
      %dma_start3A_190 = tpu.memref_squeeze %dma_start3A_189 : memref<1x64x1024xf32, #tpu.memory_space<hbm>> -> memref<64x1024xf32, #tpu.memory_space<hbm>>
      tpu.enqueue_dma source(%arg7 : memref<64x1024xf32, #tpu.memory_space<vmem>>) target(%dma_start3A_190 : memref<64x1024xf32, #tpu.memory_space<hbm>>) target_semaphore(%arg9 : memref<!tpu.dma_semaphore, #tpu.memory_space<semaphore_mem>>)
      %dma_start3A_191 = arith.constant 0 : i32
      %dma_start3A_192 = arith.constant 4096 : i32
      %dma_start3A_193 = tpu.memref_slice %arg5[%add3A_158, %dma_start3A_191, %dma_start3A_192] : memref<64x64x8448xf32, #tpu.memory_space<hbm>> -> memref<1x64x1024xf32, #tpu.memory_space<hbm>>
      %dma_start3A_194 = tpu.memref_squeeze %dma_start3A_193 : memref<1x64x1024xf32, #tpu.memory_space<hbm>> -> memref<64x1024xf32, #tpu.memory_space<hbm>>
      %dma_start3A_195 = arith.constant 0 : i32
      %dma_start3A_196 = arith.constant 4096 : i32
      %dma_start3A_197 = tpu.memref_slice %arg5[%add3A_158, %dma_start3A_195, %dma_start3A_196] : memref<64x64x8448xf32, #tpu.memory_space<hbm>> -> memref<1x64x1024xf32, #tpu.memory_space<hbm>>
      %dma_start3A_198 = tpu.memref_squeeze %dma_start3A_197 : memref<1x64x1024xf32, #tpu.memory_space<hbm>> -> memref<64x1024xf32, #tpu.memory_space<hbm>>
      tpu.enqueue_dma source(%arg7 : memref<64x1024xf32, #tpu.memory_space<vmem>>) target(%dma_start3A_198 : memref<64x1024xf32, #tpu.memory_space<hbm>>) target_semaphore(%arg9 : memref<!tpu.dma_semaphore, #tpu.memory_space<semaphore_mem>>)
      %dma_start3A_199 = arith.constant 0 : i32
      %dma_start3A_200 = arith.constant 5120 : i32
      %dma_start3A_201 = tpu.memref_slice %arg5[%add3A_158, %dma_start3A_199, %dma_start3A_200] : memref<64x64x8448xf32, #tpu.memory_space<hbm>> -> memref<1x64x1024xf32, #tpu.memory_space<hbm>>
      %dma_start3A_202 = tpu.memref_squeeze %dma_start3A_201 : memref<1x64x1024xf32, #tpu.memory_space<hbm>> -> memref<64x1024xf32, #tpu.memory_space<hbm>>
      %dma_start3A_203 = arith.constant 0 : i32
      %dma_start3A_204 = arith.constant 5120 : i32
      %dma_start3A_205 = tpu.memref_slice %arg5[%add3A_158, %dma_start3A_203, %dma_start3A_204] : memref<64x64x8448xf32, #tpu.memory_space<hbm>> -> memref<1x64x1024xf32, #tpu.memory_space<hbm>>
      %dma_start3A_206 = tpu.memref_squeeze %dma_start3A_205 : memref<1x64x1024xf32, #tpu.memory_space<hbm>> -> memref<64x1024xf32, #tpu.memory_space<hbm>>
      tpu.enqueue_dma source(%arg7 : memref<64x1024xf32, #tpu.memory_space<vmem>>) target(%dma_start3A_206 : memref<64x1024xf32, #tpu.memory_space<hbm>>) target_semaphore(%arg9 : memref<!tpu.dma_semaphore, #tpu.memory_space<semaphore_mem>>)
      %dma_start3A_207 = arith.constant 0 : i32
      %dma_start3A_208 = arith.constant 6144 : i32
      %dma_start3A_209 = tpu.memref_slice %arg5[%add3A_158, %dma_start3A_207, %dma_start3A_208] : memref<64x64x8448xf32, #tpu.memory_space<hbm>> -> memref<1x64x1024xf32, #tpu.memory_space<hbm>>
      %dma_start3A_210 = tpu.memref_squeeze %dma_start3A_209 : memref<1x64x1024xf32, #tpu.memory_space<hbm>> -> memref<64x1024xf32, #tpu.memory_space<hbm>>
      %dma_start3A_211 = arith.constant 0 : i32
      %dma_start3A_212 = arith.constant 6144 : i32
      %dma_start3A_213 = tpu.memref_slice %arg5[%add3A_158, %dma_start3A_211, %dma_start3A_212] : memref<64x64x8448xf32, #tpu.memory_space<hbm>> -> memref<1x64x1024xf32, #tpu.memory_space<hbm>>
      %dma_start3A_214 = tpu.memref_squeeze %dma_start3A_213 : memref<1x64x1024xf32, #tpu.memory_space<hbm>> -> memref<64x1024xf32, #tpu.memory_space<hbm>>
      tpu.enqueue_dma source(%arg7 : memref<64x1024xf32, #tpu.memory_space<vmem>>) target(%dma_start3A_214 : memref<64x1024xf32, #tpu.memory_space<hbm>>) target_semaphore(%arg9 : memref<!tpu.dma_semaphore, #tpu.memory_space<semaphore_mem>>)
      %dma_start3A_215 = arith.constant 0 : i32
      %dma_start3A_216 = arith.constant 7168 : i32
      %dma_start3A_217 = tpu.memref_slice %arg5[%add3A_158, %dma_start3A_215, %dma_start3A_216] : memref<64x64x8448xf32, #tpu.memory_space<hbm>> -> memref<1x64x1024xf32, #tpu.memory_space<hbm>>
      %dma_start3A_218 = tpu.memref_squeeze %dma_start3A_217 : memref<1x64x1024xf32, #tpu.memory_space<hbm>> -> memref<64x1024xf32, #tpu.memory_space<hbm>>
      %dma_start3A_219 = arith.constant 0 : i32
      %dma_start3A_220 = arith.constant 7168 : i32
      %dma_start3A_221 = tpu.memref_slice %arg5[%add3A_158, %dma_start3A_219, %dma_start3A_220] : memref<64x64x8448xf32, #tpu.memory_space<hbm>> -> memref<1x64x1024xf32, #tpu.memory_space<hbm>>
      %dma_start3A_222 = tpu.memref_squeeze %dma_start3A_221 : memref<1x64x1024xf32, #tpu.memory_space<hbm>> -> memref<64x1024xf32, #tpu.memory_space<hbm>>
      tpu.enqueue_dma source(%arg7 : memref<64x1024xf32, #tpu.memory_space<vmem>>) target(%dma_start3A_222 : memref<64x1024xf32, #tpu.memory_space<hbm>>) target_semaphore(%arg9 : memref<!tpu.dma_semaphore, #tpu.memory_space<semaphore_mem>>)
      %add3A_223 = arith.constant 3 : i32
      %add3A_224 = arith.addi %mul3A_20, %add3A_223 : i32
      %dma_start3A_225 = arith.constant 0 : i32
      %dma_start3A_226 = arith.constant 0 : i32
      %dma_start3A_227 = tpu.memref_slice %arg5[%add3A_224, %dma_start3A_225, %dma_start3A_226] : memref<64x64x8448xf32, #tpu.memory_space<hbm>> -> memref<1x64x1024xf32, #tpu.memory_space<hbm>>
      %dma_start3A_228 = tpu.memref_squeeze %dma_start3A_227 : memref<1x64x1024xf32, #tpu.memory_space<hbm>> -> memref<64x1024xf32, #tpu.memory_space<hbm>>
      %dma_start3A_229 = arith.constant 0 : i32
      %dma_start3A_230 = arith.constant 0 : i32
      %dma_start3A_231 = tpu.memref_slice %arg5[%add3A_224, %dma_start3A_229, %dma_start3A_230] : memref<64x64x8448xf32, #tpu.memory_space<hbm>> -> memref<1x64x1024xf32, #tpu.memory_space<hbm>>
      %dma_start3A_232 = tpu.memref_squeeze %dma_start3A_231 : memref<1x64x1024xf32, #tpu.memory_space<hbm>> -> memref<64x1024xf32, #tpu.memory_space<hbm>>
      tpu.enqueue_dma source(%arg7 : memref<64x1024xf32, #tpu.memory_space<vmem>>) target(%dma_start3A_232 : memref<64x1024xf32, #tpu.memory_space<hbm>>) target_semaphore(%arg9 : memref<!tpu.dma_semaphore, #tpu.memory_space<semaphore_mem>>)
      %dma_start3A_233 = arith.constant 0 : i32
      %dma_start3A_234 = arith.constant 1024 : i32
      %dma_start3A_235 = tpu.memref_slice %arg5[%add3A_224, %dma_start3A_233, %dma_start3A_234] : memref<64x64x8448xf32, #tpu.memory_space<hbm>> -> memref<1x64x1024xf32, #tpu.memory_space<hbm>>
      %dma_start3A_236 = tpu.memref_squeeze %dma_start3A_235 : memref<1x64x1024xf32, #tpu.memory_space<hbm>> -> memref<64x1024xf32, #tpu.memory_space<hbm>>
      %dma_start3A_237 = arith.constant 0 : i32
      %dma_start3A_238 = arith.constant 1024 : i32
      %dma_start3A_239 = tpu.memref_slice %arg5[%add3A_224, %dma_start3A_237, %dma_start3A_238] : memref<64x64x8448xf32, #tpu.memory_space<hbm>> -> memref<1x64x1024xf32, #tpu.memory_space<hbm>>
      %dma_start3A_240 = tpu.memref_squeeze %dma_start3A_239 : memref<1x64x1024xf32, #tpu.memory_space<hbm>> -> memref<64x1024xf32, #tpu.memory_space<hbm>>
      tpu.enqueue_dma source(%arg7 : memref<64x1024xf32, #tpu.memory_space<vmem>>) target(%dma_start3A_240 : memref<64x1024xf32, #tpu.memory_space<hbm>>) target_semaphore(%arg9 : memref<!tpu.dma_semaphore, #tpu.memory_space<semaphore_mem>>)
      %dma_start3A_241 = arith.constant 0 : i32
      %dma_start3A_242 = arith.constant 2048 : i32
      %dma_start3A_243 = tpu.memref_slice %arg5[%add3A_224, %dma_start3A_241, %dma_start3A_242] : memref<64x64x8448xf32, #tpu.memory_space<hbm>> -> memref<1x64x1024xf32, #tpu.memory_space<hbm>>
      %dma_start3A_244 = tpu.memref_squeeze %dma_start3A_243 : memref<1x64x1024xf32, #tpu.memory_space<hbm>> -> memref<64x1024xf32, #tpu.memory_space<hbm>>
      %dma_start3A_245 = arith.constant 0 : i32
      %dma_start3A_246 = arith.constant 2048 : i32
      %dma_start3A_247 = tpu.memref_slice %arg5[%add3A_224, %dma_start3A_245, %dma_start3A_246] : memref<64x64x8448xf32, #tpu.memory_space<hbm>> -> memref<1x64x1024xf32, #tpu.memory_space<hbm>>
      %dma_start3A_248 = tpu.memref_squeeze %dma_start3A_247 : memref<1x64x1024xf32, #tpu.memory_space<hbm>> -> memref<64x1024xf32, #tpu.memory_space<hbm>>
      tpu.enqueue_dma source(%arg7 : memref<64x1024xf32, #tpu.memory_space<vmem>>) target(%dma_start3A_248 : memref<64x1024xf32, #tpu.memory_space<hbm>>) target_semaphore(%arg9 : memref<!tpu.dma_semaphore, #tpu.memory_space<semaphore_mem>>)
      %dma_start3A_249 = arith.constant 0 : i32
      %dma_start3A_250 = arith.constant 3072 : i32
      %dma_start3A_251 = tpu.memref_slice %arg5[%add3A_224, %dma_start3A_249, %dma_start3A_250] : memref<64x64x8448xf32, #tpu.memory_space<hbm>> -> memref<1x64x1024xf32, #tpu.memory_space<hbm>>
      %dma_start3A_252 = tpu.memref_squeeze %dma_start3A_251 : memref<1x64x1024xf32, #tpu.memory_space<hbm>> -> memref<64x1024xf32, #tpu.memory_space<hbm>>
      %dma_start3A_253 = arith.constant 0 : i32
      %dma_start3A_254 = arith.constant 3072 : i32
      %dma_start3A_255 = tpu.memref_slice %arg5[%add3A_224, %dma_start3A_253, %dma_start3A_254] : memref<64x64x8448xf32, #tpu.memory_space<hbm>> -> memref<1x64x1024xf32, #tpu.memory_space<hbm>>
      %dma_start3A_256 = tpu.memref_squeeze %dma_start3A_255 : memref<1x64x1024xf32, #tpu.memory_space<hbm>> -> memref<64x1024xf32, #tpu.memory_space<hbm>>
      tpu.enqueue_dma source(%arg7 : memref<64x1024xf32, #tpu.memory_space<vmem>>) target(%dma_start3A_256 : memref<64x1024xf32, #tpu.memory_space<hbm>>) target_semaphore(%arg9 : memref<!tpu.dma_semaphore, #tpu.memory_space<semaphore_mem>>)
      %dma_start3A_257 = arith.constant 0 : i32
      %dma_start3A_258 = arith.constant 4096 : i32
      %dma_start3A_259 = tpu.memref_slice %arg5[%add3A_224, %dma_start3A_257, %dma_start3A_258] : memref<64x64x8448xf32, #tpu.memory_space<hbm>> -> memref<1x64x1024xf32, #tpu.memory_space<hbm>>
      %dma_start3A_260 = tpu.memref_squeeze %dma_start3A_259 : memref<1x64x1024xf32, #tpu.memory_space<hbm>> -> memref<64x1024xf32, #tpu.memory_space<hbm>>
      %dma_start3A_261 = arith.constant 0 : i32
      %dma_start3A_262 = arith.constant 4096 : i32
      %dma_start3A_263 = tpu.memref_slice %arg5[%add3A_224, %dma_start3A_261, %dma_start3A_262] : memref<64x64x8448xf32, #tpu.memory_space<hbm>> -> memref<1x64x1024xf32, #tpu.memory_space<hbm>>
      %dma_start3A_264 = tpu.memref_squeeze %dma_start3A_263 : memref<1x64x1024xf32, #tpu.memory_space<hbm>> -> memref<64x1024xf32, #tpu.memory_space<hbm>>
      tpu.enqueue_dma source(%arg7 : memref<64x1024xf32, #tpu.memory_space<vmem>>) target(%dma_start3A_264 : memref<64x1024xf32, #tpu.memory_space<hbm>>) target_semaphore(%arg9 : memref<!tpu.dma_semaphore, #tpu.memory_space<semaphore_mem>>)
      %dma_start3A_265 = arith.constant 0 : i32
      %dma_start3A_266 = arith.constant 5120 : i32
      %dma_start3A_267 = tpu.memref_slice %arg5[%add3A_224, %dma_start3A_265, %dma_start3A_266] : memref<64x64x8448xf32, #tpu.memory_space<hbm>> -> memref<1x64x1024xf32, #tpu.memory_space<hbm>>
      %dma_start3A_268 = tpu.memref_squeeze %dma_start3A_267 : memref<1x64x1024xf32, #tpu.memory_space<hbm>> -> memref<64x1024xf32, #tpu.memory_space<hbm>>
      %dma_start3A_269 = arith.constant 0 : i32
      %dma_start3A_270 = arith.constant 5120 : i32
      %dma_start3A_271 = tpu.memref_slice %arg5[%add3A_224, %dma_start3A_269, %dma_start3A_270] : memref<64x64x8448xf32, #tpu.memory_space<hbm>> -> memref<1x64x1024xf32, #tpu.memory_space<hbm>>
      %dma_start3A_272 = tpu.memref_squeeze %dma_start3A_271 : memref<1x64x1024xf32, #tpu.memory_space<hbm>> -> memref<64x1024xf32, #tpu.memory_space<hbm>>
      tpu.enqueue_dma source(%arg7 : memref<64x1024xf32, #tpu.memory_space<vmem>>) target(%dma_start3A_272 : memref<64x1024xf32, #tpu.memory_space<hbm>>) target_semaphore(%arg9 : memref<!tpu.dma_semaphore, #tpu.memory_space<semaphore_mem>>)
      %dma_start3A_273 = arith.constant 0 : i32
      %dma_start3A_274 = arith.constant 6144 : i32
      %dma_start3A_275 = tpu.memref_slice %arg5[%add3A_224, %dma_start3A_273, %dma_start3A_274] : memref<64x64x8448xf32, #tpu.memory_space<hbm>> -> memref<1x64x1024xf32, #tpu.memory_space<hbm>>
      %dma_start3A_276 = tpu.memref_squeeze %dma_start3A_275 : memref<1x64x1024xf32, #tpu.memory_space<hbm>> -> memref<64x1024xf32, #tpu.memory_space<hbm>>
      %dma_start3A_277 = arith.constant 0 : i32
      %dma_start3A_278 = arith.constant 6144 : i32
      %dma_start3A_279 = tpu.memref_slice %arg5[%add3A_224, %dma_start3A_277, %dma_start3A_278] : memref<64x64x8448xf32, #tpu.memory_space<hbm>> -> memref<1x64x1024xf32, #tpu.memory_space<hbm>>
      %dma_start3A_280 = tpu.memref_squeeze %dma_start3A_279 : memref<1x64x1024xf32, #tpu.memory_space<hbm>> -> memref<64x1024xf32, #tpu.memory_space<hbm>>
      tpu.enqueue_dma source(%arg7 : memref<64x1024xf32, #tpu.memory_space<vmem>>) target(%dma_start3A_280 : memref<64x1024xf32, #tpu.memory_space<hbm>>) target_semaphore(%arg9 : memref<!tpu.dma_semaphore, #tpu.memory_space<semaphore_mem>>)
      %dma_start3A_281 = arith.constant 0 : i32
      %dma_start3A_282 = arith.constant 7168 : i32
      %dma_start3A_283 = tpu.memref_slice %arg5[%add3A_224, %dma_start3A_281, %dma_start3A_282] : memref<64x64x8448xf32, #tpu.memory_space<hbm>> -> memref<1x64x1024xf32, #tpu.memory_space<hbm>>
      %dma_start3A_284 = tpu.memref_squeeze %dma_start3A_283 : memref<1x64x1024xf32, #tpu.memory_space<hbm>> -> memref<64x1024xf32, #tpu.memory_space<hbm>>
      %dma_start3A_285 = arith.constant 0 : i32
      %dma_start3A_286 = arith.constant 7168 : i32
      %dma_start3A_287 = tpu.memref_slice %arg5[%add3A_224, %dma_start3A_285, %dma_start3A_286] : memref<64x64x8448xf32, #tpu.memory_space<hbm>> -> memref<1x64x1024xf32, #tpu.memory_space<hbm>>
      %dma_start3A_288 = tpu.memref_squeeze %dma_start3A_287 : memref<1x64x1024xf32, #tpu.memory_space<hbm>> -> memref<64x1024xf32, #tpu.memory_space<hbm>>
      tpu.enqueue_dma source(%arg7 : memref<64x1024xf32, #tpu.memory_space<vmem>>) target(%dma_start3A_288 : memref<64x1024xf32, #tpu.memory_space<hbm>>) target_semaphore(%arg9 : memref<!tpu.dma_semaphore, #tpu.memory_space<semaphore_mem>>)
      %dma_wait3A = arith.constant 0 : i32
      %dma_wait3A_289 = arith.constant 0 : i32
      %dma_wait3A_290 = tpu.memref_slice %arg5[%add3A_27, %dma_wait3A, %dma_wait3A_289] : memref<64x64x8448xf32, #tpu.memory_space<hbm>> -> memref<1x64x1024xf32, #tpu.memory_space<hbm>>
      %dma_wait3A_291 = tpu.memref_squeeze %dma_wait3A_290 : memref<1x64x1024xf32, #tpu.memory_space<hbm>> -> memref<64x1024xf32, #tpu.memory_space<hbm>>
      %dma_wait3A_292 = arith.constant 0 : i32
      %dma_wait3A_293 = arith.constant 0 : i32
      %dma_wait3A_294 = tpu.memref_slice %arg5[%add3A_27, %dma_wait3A_292, %dma_wait3A_293] : memref<64x64x8448xf32, #tpu.memory_space<hbm>> -> memref<1x64x1024xf32, #tpu.memory_space<hbm>>
      %dma_wait3A_295 = tpu.memref_squeeze %dma_wait3A_294 : memref<1x64x1024xf32, #tpu.memory_space<hbm>> -> memref<64x1024xf32, #tpu.memory_space<hbm>>
      tpu.wait_dma2 semaphore(%arg9 : memref<!tpu.dma_semaphore, #tpu.memory_space<semaphore_mem>>) src(%arg7 : memref<64x1024xf32, #tpu.memory_space<vmem>>) dst(%dma_wait3A_295 : memref<64x1024xf32, #tpu.memory_space<hbm>>)
      %dma_wait3A_296 = arith.constant 0 : i32
      %dma_wait3A_297 = arith.constant 1024 : i32
      %dma_wait3A_298 = tpu.memref_slice %arg5[%add3A_27, %dma_wait3A_296, %dma_wait3A_297] : memref<64x64x8448xf32, #tpu.memory_space<hbm>> -> memref<1x64x1024xf32, #tpu.memory_space<hbm>>
      %dma_wait3A_299 = tpu.memref_squeeze %dma_wait3A_298 : memref<1x64x1024xf32, #tpu.memory_space<hbm>> -> memref<64x1024xf32, #tpu.memory_space<hbm>>
      %dma_wait3A_300 = arith.constant 0 : i32
      %dma_wait3A_301 = arith.constant 1024 : i32
      %dma_wait3A_302 = tpu.memref_slice %arg5[%add3A_27, %dma_wait3A_300, %dma_wait3A_301] : memref<64x64x8448xf32, #tpu.memory_space<hbm>> -> memref<1x64x1024xf32, #tpu.memory_space<hbm>>
      %dma_wait3A_303 = tpu.memref_squeeze %dma_wait3A_302 : memref<1x64x1024xf32, #tpu.memory_space<hbm>> -> memref<64x1024xf32, #tpu.memory_space<hbm>>
      tpu.wait_dma2 semaphore(%arg9 : memref<!tpu.dma_semaphore, #tpu.memory_space<semaphore_mem>>) src(%arg7 : memref<64x1024xf32, #tpu.memory_space<vmem>>) dst(%dma_wait3A_303 : memref<64x1024xf32, #tpu.memory_space<hbm>>)
      %dma_wait3A_304 = arith.constant 0 : i32
      %dma_wait3A_305 = arith.constant 2048 : i32
      %dma_wait3A_306 = tpu.memref_slice %arg5[%add3A_27, %dma_wait3A_304, %dma_wait3A_305] : memref<64x64x8448xf32, #tpu.memory_space<hbm>> -> memref<1x64x1024xf32, #tpu.memory_space<hbm>>
      %dma_wait3A_307 = tpu.memref_squeeze %dma_wait3A_306 : memref<1x64x1024xf32, #tpu.memory_space<hbm>> -> memref<64x1024xf32, #tpu.memory_space<hbm>>
      %dma_wait3A_308 = arith.constant 0 : i32
      %dma_wait3A_309 = arith.constant 2048 : i32
      %dma_wait3A_310 = tpu.memref_slice %arg5[%add3A_27, %dma_wait3A_308, %dma_wait3A_309] : memref<64x64x8448xf32, #tpu.memory_space<hbm>> -> memref<1x64x1024xf32, #tpu.memory_space<hbm>>
      %dma_wait3A_311 = tpu.memref_squeeze %dma_wait3A_310 : memref<1x64x1024xf32, #tpu.memory_space<hbm>> -> memref<64x1024xf32, #tpu.memory_space<hbm>>
      tpu.wait_dma2 semaphore(%arg9 : memref<!tpu.dma_semaphore, #tpu.memory_space<semaphore_mem>>) src(%arg7 : memref<64x1024xf32, #tpu.memory_space<vmem>>) dst(%dma_wait3A_311 : memref<64x1024xf32, #tpu.memory_space<hbm>>)
      %dma_wait3A_312 = arith.constant 0 : i32
      %dma_wait3A_313 = arith.constant 3072 : i32
      %dma_wait3A_314 = tpu.memref_slice %arg5[%add3A_27, %dma_wait3A_312, %dma_wait3A_313] : memref<64x64x8448xf32, #tpu.memory_space<hbm>> -> memref<1x64x1024xf32, #tpu.memory_space<hbm>>
      %dma_wait3A_315 = tpu.memref_squeeze %dma_wait3A_314 : memref<1x64x1024xf32, #tpu.memory_space<hbm>> -> memref<64x1024xf32, #tpu.memory_space<hbm>>
      %dma_wait3A_316 = arith.constant 0 : i32
      %dma_wait3A_317 = arith.constant 3072 : i32
      %dma_wait3A_318 = tpu.memref_slice %arg5[%add3A_27, %dma_wait3A_316, %dma_wait3A_317] : memref<64x64x8448xf32, #tpu.memory_space<hbm>> -> memref<1x64x1024xf32, #tpu.memory_space<hbm>>
      %dma_wait3A_319 = tpu.memref_squeeze %dma_wait3A_318 : memref<1x64x1024xf32, #tpu.memory_space<hbm>> -> memref<64x1024xf32, #tpu.memory_space<hbm>>
      tpu.wait_dma2 semaphore(%arg9 : memref<!tpu.dma_semaphore, #tpu.memory_space<semaphore_mem>>) src(%arg7 : memref<64x1024xf32, #tpu.memory_space<vmem>>) dst(%dma_wait3A_319 : memref<64x1024xf32, #tpu.memory_space<hbm>>)
      %dma_wait3A_320 = arith.constant 0 : i32
      %dma_wait3A_321 = arith.constant 4096 : i32
      %dma_wait3A_322 = tpu.memref_slice %arg5[%add3A_27, %dma_wait3A_320, %dma_wait3A_321] : memref<64x64x8448xf32, #tpu.memory_space<hbm>> -> memref<1x64x1024xf32, #tpu.memory_space<hbm>>
      %dma_wait3A_323 = tpu.memref_squeeze %dma_wait3A_322 : memref<1x64x1024xf32, #tpu.memory_space<hbm>> -> memref<64x1024xf32, #tpu.memory_space<hbm>>
      %dma_wait3A_324 = arith.constant 0 : i32
      %dma_wait3A_325 = arith.constant 4096 : i32
      %dma_wait3A_326 = tpu.memref_slice %arg5[%add3A_27, %dma_wait3A_324, %dma_wait3A_325] : memref<64x64x8448xf32, #tpu.memory_space<hbm>> -> memref<1x64x1024xf32, #tpu.memory_space<hbm>>
      %dma_wait3A_327 = tpu.memref_squeeze %dma_wait3A_326 : memref<1x64x1024xf32, #tpu.memory_space<hbm>> -> memref<64x1024xf32, #tpu.memory_space<hbm>>
      tpu.wait_dma2 semaphore(%arg9 : memref<!tpu.dma_semaphore, #tpu.memory_space<semaphore_mem>>) src(%arg7 : memref<64x1024xf32, #tpu.memory_space<vmem>>) dst(%dma_wait3A_327 : memref<64x1024xf32, #tpu.memory_space<hbm>>)
      %dma_wait3A_328 = arith.constant 0 : i32
      %dma_wait3A_329 = arith.constant 5120 : i32
      %dma_wait3A_330 = tpu.memref_slice %arg5[%add3A_27, %dma_wait3A_328, %dma_wait3A_329] : memref<64x64x8448xf32, #tpu.memory_space<hbm>> -> memref<1x64x1024xf32, #tpu.memory_space<hbm>>
      %dma_wait3A_331 = tpu.memref_squeeze %dma_wait3A_330 : memref<1x64x1024xf32, #tpu.memory_space<hbm>> -> memref<64x1024xf32, #tpu.memory_space<hbm>>
      %dma_wait3A_332 = arith.constant 0 : i32
      %dma_wait3A_333 = arith.constant 5120 : i32
      %dma_wait3A_334 = tpu.memref_slice %arg5[%add3A_27, %dma_wait3A_332, %dma_wait3A_333] : memref<64x64x8448xf32, #tpu.memory_space<hbm>> -> memref<1x64x1024xf32, #tpu.memory_space<hbm>>
      %dma_wait3A_335 = tpu.memref_squeeze %dma_wait3A_334 : memref<1x64x1024xf32, #tpu.memory_space<hbm>> -> memref<64x1024xf32, #tpu.memory_space<hbm>>
      tpu.wait_dma2 semaphore(%arg9 : memref<!tpu.dma_semaphore, #tpu.memory_space<semaphore_mem>>) src(%arg7 : memref<64x1024xf32, #tpu.memory_space<vmem>>) dst(%dma_wait3A_335 : memref<64x1024xf32, #tpu.memory_space<hbm>>)
      %dma_wait3A_336 = arith.constant 0 : i32
      %dma_wait3A_337 = arith.constant 6144 : i32
      %dma_wait3A_338 = tpu.memref_slice %arg5[%add3A_27, %dma_wait3A_336, %dma_wait3A_337] : memref<64x64x8448xf32, #tpu.memory_space<hbm>> -> memref<1x64x1024xf32, #tpu.memory_space<hbm>>
      %dma_wait3A_339 = tpu.memref_squeeze %dma_wait3A_338 : memref<1x64x1024xf32, #tpu.memory_space<hbm>> -> memref<64x1024xf32, #tpu.memory_space<hbm>>
      %dma_wait3A_340 = arith.constant 0 : i32
      %dma_wait3A_341 = arith.constant 6144 : i32
      %dma_wait3A_342 = tpu.memref_slice %arg5[%add3A_27, %dma_wait3A_340, %dma_wait3A_341] : memref<64x64x8448xf32, #tpu.memory_space<hbm>> -> memref<1x64x1024xf32, #tpu.memory_space<hbm>>
      %dma_wait3A_343 = tpu.memref_squeeze %dma_wait3A_342 : memref<1x64x1024xf32, #tpu.memory_space<hbm>> -> memref<64x1024xf32, #tpu.memory_space<hbm>>
      tpu.wait_dma2 semaphore(%arg9 : memref<!tpu.dma_semaphore, #tpu.memory_space<semaphore_mem>>) src(%arg7 : memref<64x1024xf32, #tpu.memory_space<vmem>>) dst(%dma_wait3A_343 : memref<64x1024xf32, #tpu.memory_space<hbm>>)
      %dma_wait3A_344 = arith.constant 0 : i32
      %dma_wait3A_345 = arith.constant 7168 : i32
      %dma_wait3A_346 = tpu.memref_slice %arg5[%add3A_27, %dma_wait3A_344, %dma_wait3A_345] : memref<64x64x8448xf32, #tpu.memory_space<hbm>> -> memref<1x64x1024xf32, #tpu.memory_space<hbm>>
      %dma_wait3A_347 = tpu.memref_squeeze %dma_wait3A_346 : memref<1x64x1024xf32, #tpu.memory_space<hbm>> -> memref<64x1024xf32, #tpu.memory_space<hbm>>
      %dma_wait3A_348 = arith.constant 0 : i32
      %dma_wait3A_349 = arith.constant 7168 : i32
      %dma_wait3A_350 = tpu.memref_slice %arg5[%add3A_27, %dma_wait3A_348, %dma_wait3A_349] : memref<64x64x8448xf32, #tpu.memory_space<hbm>> -> memref<1x64x1024xf32, #tpu.memory_space<hbm>>
      %dma_wait3A_351 = tpu.memref_squeeze %dma_wait3A_350 : memref<1x64x1024xf32, #tpu.memory_space<hbm>> -> memref<64x1024xf32, #tpu.memory_space<hbm>>
      tpu.wait_dma2 semaphore(%arg9 : memref<!tpu.dma_semaphore, #tpu.memory_space<semaphore_mem>>) src(%arg7 : memref<64x1024xf32, #tpu.memory_space<vmem>>) dst(%dma_wait3A_351 : memref<64x1024xf32, #tpu.memory_space<hbm>>)
      %dma_wait3A_352 = arith.constant 0 : i32
      %dma_wait3A_353 = arith.constant 0 : i32
      %dma_wait3A_354 = tpu.memref_slice %arg5[%add3A_92, %dma_wait3A_352, %dma_wait3A_353] : memref<64x64x8448xf32, #tpu.memory_space<hbm>> -> memref<1x64x1024xf32, #tpu.memory_space<hbm>>
      %dma_wait3A_355 = tpu.memref_squeeze %dma_wait3A_354 : memref<1x64x1024xf32, #tpu.memory_space<hbm>> -> memref<64x1024xf32, #tpu.memory_space<hbm>>
      %dma_wait3A_356 = arith.constant 0 : i32
      %dma_wait3A_357 = arith.constant 0 : i32
      %dma_wait3A_358 = tpu.memref_slice %arg5[%add3A_92, %dma_wait3A_356, %dma_wait3A_357] : memref<64x64x8448xf32, #tpu.memory_space<hbm>> -> memref<1x64x1024xf32, #tpu.memory_space<hbm>>
      %dma_wait3A_359 = tpu.memref_squeeze %dma_wait3A_358 : memref<1x64x1024xf32, #tpu.memory_space<hbm>> -> memref<64x1024xf32, #tpu.memory_space<hbm>>
      tpu.wait_dma2 semaphore(%arg9 : memref<!tpu.dma_semaphore, #tpu.memory_space<semaphore_mem>>) src(%arg7 : memref<64x1024xf32, #tpu.memory_space<vmem>>) dst(%dma_wait3A_359 : memref<64x1024xf32, #tpu.memory_space<hbm>>)
      %dma_wait3A_360 = arith.constant 0 : i32
      %dma_wait3A_361 = arith.constant 1024 : i32
      %dma_wait3A_362 = tpu.memref_slice %arg5[%add3A_92, %dma_wait3A_360, %dma_wait3A_361] : memref<64x64x8448xf32, #tpu.memory_space<hbm>> -> memref<1x64x1024xf32, #tpu.memory_space<hbm>>
      %dma_wait3A_363 = tpu.memref_squeeze %dma_wait3A_362 : memref<1x64x1024xf32, #tpu.memory_space<hbm>> -> memref<64x1024xf32, #tpu.memory_space<hbm>>
      %dma_wait3A_364 = arith.constant 0 : i32
      %dma_wait3A_365 = arith.constant 1024 : i32
      %dma_wait3A_366 = tpu.memref_slice %arg5[%add3A_92, %dma_wait3A_364, %dma_wait3A_365] : memref<64x64x8448xf32, #tpu.memory_space<hbm>> -> memref<1x64x1024xf32, #tpu.memory_space<hbm>>
      %dma_wait3A_367 = tpu.memref_squeeze %dma_wait3A_366 : memref<1x64x1024xf32, #tpu.memory_space<hbm>> -> memref<64x1024xf32, #tpu.memory_space<hbm>>
      tpu.wait_dma2 semaphore(%arg9 : memref<!tpu.dma_semaphore, #tpu.memory_space<semaphore_mem>>) src(%arg7 : memref<64x1024xf32, #tpu.memory_space<vmem>>) dst(%dma_wait3A_367 : memref<64x1024xf32, #tpu.memory_space<hbm>>)
      %dma_wait3A_368 = arith.constant 0 : i32
      %dma_wait3A_369 = arith.constant 2048 : i32
      %dma_wait3A_370 = tpu.memref_slice %arg5[%add3A_92, %dma_wait3A_368, %dma_wait3A_369] : memref<64x64x8448xf32, #tpu.memory_space<hbm>> -> memref<1x64x1024xf32, #tpu.memory_space<hbm>>
      %dma_wait3A_371 = tpu.memref_squeeze %dma_wait3A_370 : memref<1x64x1024xf32, #tpu.memory_space<hbm>> -> memref<64x1024xf32, #tpu.memory_space<hbm>>
      %dma_wait3A_372 = arith.constant 0 : i32
      %dma_wait3A_373 = arith.constant 2048 : i32
      %dma_wait3A_374 = tpu.memref_slice %arg5[%add3A_92, %dma_wait3A_372, %dma_wait3A_373] : memref<64x64x8448xf32, #tpu.memory_space<hbm>> -> memref<1x64x1024xf32, #tpu.memory_space<hbm>>
      %dma_wait3A_375 = tpu.memref_squeeze %dma_wait3A_374 : memref<1x64x1024xf32, #tpu.memory_space<hbm>> -> memref<64x1024xf32, #tpu.memory_space<hbm>>
      tpu.wait_dma2 semaphore(%arg9 : memref<!tpu.dma_semaphore, #tpu.memory_space<semaphore_mem>>) src(%arg7 : memref<64x1024xf32, #tpu.memory_space<vmem>>) dst(%dma_wait3A_375 : memref<64x1024xf32, #tpu.memory_space<hbm>>)
      %dma_wait3A_376 = arith.constant 0 : i32
      %dma_wait3A_377 = arith.constant 3072 : i32
      %dma_wait3A_378 = tpu.memref_slice %arg5[%add3A_92, %dma_wait3A_376, %dma_wait3A_377] : memref<64x64x8448xf32, #tpu.memory_space<hbm>> -> memref<1x64x1024xf32, #tpu.memory_space<hbm>>
      %dma_wait3A_379 = tpu.memref_squeeze %dma_wait3A_378 : memref<1x64x1024xf32, #tpu.memory_space<hbm>> -> memref<64x1024xf32, #tpu.memory_space<hbm>>
      %dma_wait3A_380 = arith.constant 0 : i32
      %dma_wait3A_381 = arith.constant 3072 : i32
      %dma_wait3A_382 = tpu.memref_slice %arg5[%add3A_92, %dma_wait3A_380, %dma_wait3A_381] : memref<64x64x8448xf32, #tpu.memory_space<hbm>> -> memref<1x64x1024xf32, #tpu.memory_space<hbm>>
      %dma_wait3A_383 = tpu.memref_squeeze %dma_wait3A_382 : memref<1x64x1024xf32, #tpu.memory_space<hbm>> -> memref<64x1024xf32, #tpu.memory_space<hbm>>
      tpu.wait_dma2 semaphore(%arg9 : memref<!tpu.dma_semaphore, #tpu.memory_space<semaphore_mem>>) src(%arg7 : memref<64x1024xf32, #tpu.memory_space<vmem>>) dst(%dma_wait3A_383 : memref<64x1024xf32, #tpu.memory_space<hbm>>)
      %dma_wait3A_384 = arith.constant 0 : i32
      %dma_wait3A_385 = arith.constant 4096 : i32
      %dma_wait3A_386 = tpu.memref_slice %arg5[%add3A_92, %dma_wait3A_384, %dma_wait3A_385] : memref<64x64x8448xf32, #tpu.memory_space<hbm>> -> memref<1x64x1024xf32, #tpu.memory_space<hbm>>
      %dma_wait3A_387 = tpu.memref_squeeze %dma_wait3A_386 : memref<1x64x1024xf32, #tpu.memory_space<hbm>> -> memref<64x1024xf32, #tpu.memory_space<hbm>>
      %dma_wait3A_388 = arith.constant 0 : i32
      %dma_wait3A_389 = arith.constant 4096 : i32
      %dma_wait3A_390 = tpu.memref_slice %arg5[%add3A_92, %dma_wait3A_388, %dma_wait3A_389] : memref<64x64x8448xf32, #tpu.memory_space<hbm>> -> memref<1x64x1024xf32, #tpu.memory_space<hbm>>
      %dma_wait3A_391 = tpu.memref_squeeze %dma_wait3A_390 : memref<1x64x1024xf32, #tpu.memory_space<hbm>> -> memref<64x1024xf32, #tpu.memory_space<hbm>>
      tpu.wait_dma2 semaphore(%arg9 : memref<!tpu.dma_semaphore, #tpu.memory_space<semaphore_mem>>) src(%arg7 : memref<64x1024xf32, #tpu.memory_space<vmem>>) dst(%dma_wait3A_391 : memref<64x1024xf32, #tpu.memory_space<hbm>>)
      %dma_wait3A_392 = arith.constant 0 : i32
      %dma_wait3A_393 = arith.constant 5120 : i32
      %dma_wait3A_394 = tpu.memref_slice %arg5[%add3A_92, %dma_wait3A_392, %dma_wait3A_393] : memref<64x64x8448xf32, #tpu.memory_space<hbm>> -> memref<1x64x1024xf32, #tpu.memory_space<hbm>>
      %dma_wait3A_395 = tpu.memref_squeeze %dma_wait3A_394 : memref<1x64x1024xf32, #tpu.memory_space<hbm>> -> memref<64x1024xf32, #tpu.memory_space<hbm>>
      %dma_wait3A_396 = arith.constant 0 : i32
      %dma_wait3A_397 = arith.constant 5120 : i32
      %dma_wait3A_398 = tpu.memref_slice %arg5[%add3A_92, %dma_wait3A_396, %dma_wait3A_397] : memref<64x64x8448xf32, #tpu.memory_space<hbm>> -> memref<1x64x1024xf32, #tpu.memory_space<hbm>>
      %dma_wait3A_399 = tpu.memref_squeeze %dma_wait3A_398 : memref<1x64x1024xf32, #tpu.memory_space<hbm>> -> memref<64x1024xf32, #tpu.memory_space<hbm>>
      tpu.wait_dma2 semaphore(%arg9 : memref<!tpu.dma_semaphore, #tpu.memory_space<semaphore_mem>>) src(%arg7 : memref<64x1024xf32, #tpu.memory_space<vmem>>) dst(%dma_wait3A_399 : memref<64x1024xf32, #tpu.memory_space<hbm>>)
      %dma_wait3A_400 = arith.constant 0 : i32
      %dma_wait3A_401 = arith.constant 6144 : i32
      %dma_wait3A_402 = tpu.memref_slice %arg5[%add3A_92, %dma_wait3A_400, %dma_wait3A_401] : memref<64x64x8448xf32, #tpu.memory_space<hbm>> -> memref<1x64x1024xf32, #tpu.memory_space<hbm>>
      %dma_wait3A_403 = tpu.memref_squeeze %dma_wait3A_402 : memref<1x64x1024xf32, #tpu.memory_space<hbm>> -> memref<64x1024xf32, #tpu.memory_space<hbm>>
      %dma_wait3A_404 = arith.constant 0 : i32
      %dma_wait3A_405 = arith.constant 6144 : i32
      %dma_wait3A_406 = tpu.memref_slice %arg5[%add3A_92, %dma_wait3A_404, %dma_wait3A_405] : memref<64x64x8448xf32, #tpu.memory_space<hbm>> -> memref<1x64x1024xf32, #tpu.memory_space<hbm>>
      %dma_wait3A_407 = tpu.memref_squeeze %dma_wait3A_406 : memref<1x64x1024xf32, #tpu.memory_space<hbm>> -> memref<64x1024xf32, #tpu.memory_space<hbm>>
      tpu.wait_dma2 semaphore(%arg9 : memref<!tpu.dma_semaphore, #tpu.memory_space<semaphore_mem>>) src(%arg7 : memref<64x1024xf32, #tpu.memory_space<vmem>>) dst(%dma_wait3A_407 : memref<64x1024xf32, #tpu.memory_space<hbm>>)
      %dma_wait3A_408 = arith.constant 0 : i32
      %dma_wait3A_409 = arith.constant 7168 : i32
      %dma_wait3A_410 = tpu.memref_slice %arg5[%add3A_92, %dma_wait3A_408, %dma_wait3A_409] : memref<64x64x8448xf32, #tpu.memory_space<hbm>> -> memref<1x64x1024xf32, #tpu.memory_space<hbm>>
      %dma_wait3A_411 = tpu.memref_squeeze %dma_wait3A_410 : memref<1x64x1024xf32, #tpu.memory_space<hbm>> -> memref<64x1024xf32, #tpu.memory_space<hbm>>
      %dma_wait3A_412 = arith.constant 0 : i32
      %dma_wait3A_413 = arith.constant 7168 : i32
      %dma_wait3A_414 = tpu.memref_slice %arg5[%add3A_92, %dma_wait3A_412, %dma_wait3A_413] : memref<64x64x8448xf32, #tpu.memory_space<hbm>> -> memref<1x64x1024xf32, #tpu.memory_space<hbm>>
      %dma_wait3A_415 = tpu.memref_squeeze %dma_wait3A_414 : memref<1x64x1024xf32, #tpu.memory_space<hbm>> -> memref<64x1024xf32, #tpu.memory_space<hbm>>
      tpu.wait_dma2 semaphore(%arg9 : memref<!tpu.dma_semaphore, #tpu.memory_space<semaphore_mem>>) src(%arg7 : memref<64x1024xf32, #tpu.memory_space<vmem>>) dst(%dma_wait3A_415 : memref<64x1024xf32, #tpu.memory_space<hbm>>)
      %dma_wait3A_416 = arith.constant 0 : i32
      %dma_wait3A_417 = arith.constant 0 : i32
      %dma_wait3A_418 = tpu.memref_slice %arg5[%add3A_158, %dma_wait3A_416, %dma_wait3A_417] : memref<64x64x8448xf32, #tpu.memory_space<hbm>> -> memref<1x64x1024xf32, #tpu.memory_space<hbm>>
      %dma_wait3A_419 = tpu.memref_squeeze %dma_wait3A_418 : memref<1x64x1024xf32, #tpu.memory_space<hbm>> -> memref<64x1024xf32, #tpu.memory_space<hbm>>
      %dma_wait3A_420 = arith.constant 0 : i32
      %dma_wait3A_421 = arith.constant 0 : i32
      %dma_wait3A_422 = tpu.memref_slice %arg5[%add3A_158, %dma_wait3A_420, %dma_wait3A_421] : memref<64x64x8448xf32, #tpu.memory_space<hbm>> -> memref<1x64x1024xf32, #tpu.memory_space<hbm>>
      %dma_wait3A_423 = tpu.memref_squeeze %dma_wait3A_422 : memref<1x64x1024xf32, #tpu.memory_space<hbm>> -> memref<64x1024xf32, #tpu.memory_space<hbm>>
      tpu.wait_dma2 semaphore(%arg9 : memref<!tpu.dma_semaphore, #tpu.memory_space<semaphore_mem>>) src(%arg7 : memref<64x1024xf32, #tpu.memory_space<vmem>>) dst(%dma_wait3A_423 : memref<64x1024xf32, #tpu.memory_space<hbm>>)
      %dma_wait3A_424 = arith.constant 0 : i32
      %dma_wait3A_425 = arith.constant 1024 : i32
      %dma_wait3A_426 = tpu.memref_slice %arg5[%add3A_158, %dma_wait3A_424, %dma_wait3A_425] : memref<64x64x8448xf32, #tpu.memory_space<hbm>> -> memref<1x64x1024xf32, #tpu.memory_space<hbm>>
      %dma_wait3A_427 = tpu.memref_squeeze %dma_wait3A_426 : memref<1x64x1024xf32, #tpu.memory_space<hbm>> -> memref<64x1024xf32, #tpu.memory_space<hbm>>
      %dma_wait3A_428 = arith.constant 0 : i32
      %dma_wait3A_429 = arith.constant 1024 : i32
      %dma_wait3A_430 = tpu.memref_slice %arg5[%add3A_158, %dma_wait3A_428, %dma_wait3A_429] : memref<64x64x8448xf32, #tpu.memory_space<hbm>> -> memref<1x64x1024xf32, #tpu.memory_space<hbm>>
      %dma_wait3A_431 = tpu.memref_squeeze %dma_wait3A_430 : memref<1x64x1024xf32, #tpu.memory_space<hbm>> -> memref<64x1024xf32, #tpu.memory_space<hbm>>
      tpu.wait_dma2 semaphore(%arg9 : memref<!tpu.dma_semaphore, #tpu.memory_space<semaphore_mem>>) src(%arg7 : memref<64x1024xf32, #tpu.memory_space<vmem>>) dst(%dma_wait3A_431 : memref<64x1024xf32, #tpu.memory_space<hbm>>)
      %dma_wait3A_432 = arith.constant 0 : i32
      %dma_wait3A_433 = arith.constant 2048 : i32
      %dma_wait3A_434 = tpu.memref_slice %arg5[%add3A_158, %dma_wait3A_432, %dma_wait3A_433] : memref<64x64x8448xf32, #tpu.memory_space<hbm>> -> memref<1x64x1024xf32, #tpu.memory_space<hbm>>
      %dma_wait3A_435 = tpu.memref_squeeze %dma_wait3A_434 : memref<1x64x1024xf32, #tpu.memory_space<hbm>> -> memref<64x1024xf32, #tpu.memory_space<hbm>>
      %dma_wait3A_436 = arith.constant 0 : i32
      %dma_wait3A_437 = arith.constant 2048 : i32
      %dma_wait3A_438 = tpu.memref_slice %arg5[%add3A_158, %dma_wait3A_436, %dma_wait3A_437] : memref<64x64x8448xf32, #tpu.memory_space<hbm>> -> memref<1x64x1024xf32, #tpu.memory_space<hbm>>
      %dma_wait3A_439 = tpu.memref_squeeze %dma_wait3A_438 : memref<1x64x1024xf32, #tpu.memory_space<hbm>> -> memref<64x1024xf32, #tpu.memory_space<hbm>>
      tpu.wait_dma2 semaphore(%arg9 : memref<!tpu.dma_semaphore, #tpu.memory_space<semaphore_mem>>) src(%arg7 : memref<64x1024xf32, #tpu.memory_space<vmem>>) dst(%dma_wait3A_439 : memref<64x1024xf32, #tpu.memory_space<hbm>>)
      %dma_wait3A_440 = arith.constant 0 : i32
      %dma_wait3A_441 = arith.constant 3072 : i32
      %dma_wait3A_442 = tpu.memref_slice %arg5[%add3A_158, %dma_wait3A_440, %dma_wait3A_441] : memref<64x64x8448xf32, #tpu.memory_space<hbm>> -> memref<1x64x1024xf32, #tpu.memory_space<hbm>>
      %dma_wait3A_443 = tpu.memref_squeeze %dma_wait3A_442 : memref<1x64x1024xf32, #tpu.memory_space<hbm>> -> memref<64x1024xf32, #tpu.memory_space<hbm>>
      %dma_wait3A_444 = arith.constant 0 : i32
      %dma_wait3A_445 = arith.constant 3072 : i32
      %dma_wait3A_446 = tpu.memref_slice %arg5[%add3A_158, %dma_wait3A_444, %dma_wait3A_445] : memref<64x64x8448xf32, #tpu.memory_space<hbm>> -> memref<1x64x1024xf32, #tpu.memory_space<hbm>>
      %dma_wait3A_447 = tpu.memref_squeeze %dma_wait3A_446 : memref<1x64x1024xf32, #tpu.memory_space<hbm>> -> memref<64x1024xf32, #tpu.memory_space<hbm>>
      tpu.wait_dma2 semaphore(%arg9 : memref<!tpu.dma_semaphore, #tpu.memory_space<semaphore_mem>>) src(%arg7 : memref<64x1024xf32, #tpu.memory_space<vmem>>) dst(%dma_wait3A_447 : memref<64x1024xf32, #tpu.memory_space<hbm>>)
      %dma_wait3A_448 = arith.constant 0 : i32
      %dma_wait3A_449 = arith.constant 4096 : i32
      %dma_wait3A_450 = tpu.memref_slice %arg5[%add3A_158, %dma_wait3A_448, %dma_wait3A_449] : memref<64x64x8448xf32, #tpu.memory_space<hbm>> -> memref<1x64x1024xf32, #tpu.memory_space<hbm>>
      %dma_wait3A_451 = tpu.memref_squeeze %dma_wait3A_450 : memref<1x64x1024xf32, #tpu.memory_space<hbm>> -> memref<64x1024xf32, #tpu.memory_space<hbm>>
      %dma_wait3A_452 = arith.constant 0 : i32
      %dma_wait3A_453 = arith.constant 4096 : i32
      %dma_wait3A_454 = tpu.memref_slice %arg5[%add3A_158, %dma_wait3A_452, %dma_wait3A_453] : memref<64x64x8448xf32, #tpu.memory_space<hbm>> -> memref<1x64x1024xf32, #tpu.memory_space<hbm>>
      %dma_wait3A_455 = tpu.memref_squeeze %dma_wait3A_454 : memref<1x64x1024xf32, #tpu.memory_space<hbm>> -> memref<64x1024xf32, #tpu.memory_space<hbm>>
      tpu.wait_dma2 semaphore(%arg9 : memref<!tpu.dma_semaphore, #tpu.memory_space<semaphore_mem>>) src(%arg7 : memref<64x1024xf32, #tpu.memory_space<vmem>>) dst(%dma_wait3A_455 : memref<64x1024xf32, #tpu.memory_space<hbm>>)
      %dma_wait3A_456 = arith.constant 0 : i32
      %dma_wait3A_457 = arith.constant 5120 : i32
      %dma_wait3A_458 = tpu.memref_slice %arg5[%add3A_158, %dma_wait3A_456, %dma_wait3A_457] : memref<64x64x8448xf32, #tpu.memory_space<hbm>> -> memref<1x64x1024xf32, #tpu.memory_space<hbm>>
      %dma_wait3A_459 = tpu.memref_squeeze %dma_wait3A_458 : memref<1x64x1024xf32, #tpu.memory_space<hbm>> -> memref<64x1024xf32, #tpu.memory_space<hbm>>
      %dma_wait3A_460 = arith.constant 0 : i32
      %dma_wait3A_461 = arith.constant 5120 : i32
      %dma_wait3A_462 = tpu.memref_slice %arg5[%add3A_158, %dma_wait3A_460, %dma_wait3A_461] : memref<64x64x8448xf32, #tpu.memory_space<hbm>> -> memref<1x64x1024xf32, #tpu.memory_space<hbm>>
      %dma_wait3A_463 = tpu.memref_squeeze %dma_wait3A_462 : memref<1x64x1024xf32, #tpu.memory_space<hbm>> -> memref<64x1024xf32, #tpu.memory_space<hbm>>
      tpu.wait_dma2 semaphore(%arg9 : memref<!tpu.dma_semaphore, #tpu.memory_space<semaphore_mem>>) src(%arg7 : memref<64x1024xf32, #tpu.memory_space<vmem>>) dst(%dma_wait3A_463 : memref<64x1024xf32, #tpu.memory_space<hbm>>)
      %dma_wait3A_464 = arith.constant 0 : i32
      %dma_wait3A_465 = arith.constant 6144 : i32
      %dma_wait3A_466 = tpu.memref_slice %arg5[%add3A_158, %dma_wait3A_464, %dma_wait3A_465] : memref<64x64x8448xf32, #tpu.memory_space<hbm>> -> memref<1x64x1024xf32, #tpu.memory_space<hbm>>
      %dma_wait3A_467 = tpu.memref_squeeze %dma_wait3A_466 : memref<1x64x1024xf32, #tpu.memory_space<hbm>> -> memref<64x1024xf32, #tpu.memory_space<hbm>>
      %dma_wait3A_468 = arith.constant 0 : i32
      %dma_wait3A_469 = arith.constant 6144 : i32
      %dma_wait3A_470 = tpu.memref_slice %arg5[%add3A_158, %dma_wait3A_468, %dma_wait3A_469] : memref<64x64x8448xf32, #tpu.memory_space<hbm>> -> memref<1x64x1024xf32, #tpu.memory_space<hbm>>
      %dma_wait3A_471 = tpu.memref_squeeze %dma_wait3A_470 : memref<1x64x1024xf32, #tpu.memory_space<hbm>> -> memref<64x1024xf32, #tpu.memory_space<hbm>>
      tpu.wait_dma2 semaphore(%arg9 : memref<!tpu.dma_semaphore, #tpu.memory_space<semaphore_mem>>) src(%arg7 : memref<64x1024xf32, #tpu.memory_space<vmem>>) dst(%dma_wait3A_471 : memref<64x1024xf32, #tpu.memory_space<hbm>>)
      %dma_wait3A_472 = arith.constant 0 : i32
      %dma_wait3A_473 = arith.constant 7168 : i32
      %dma_wait3A_474 = tpu.memref_slice %arg5[%add3A_158, %dma_wait3A_472, %dma_wait3A_473] : memref<64x64x8448xf32, #tpu.memory_space<hbm>> -> memref<1x64x1024xf32, #tpu.memory_space<hbm>>
      %dma_wait3A_475 = tpu.memref_squeeze %dma_wait3A_474 : memref<1x64x1024xf32, #tpu.memory_space<hbm>> -> memref<64x1024xf32, #tpu.memory_space<hbm>>
      %dma_wait3A_476 = arith.constant 0 : i32
      %dma_wait3A_477 = arith.constant 7168 : i32
      %dma_wait3A_478 = tpu.memref_slice %arg5[%add3A_158, %dma_wait3A_476, %dma_wait3A_477] : memref<64x64x8448xf32, #tpu.memory_space<hbm>> -> memref<1x64x1024xf32, #tpu.memory_space<hbm>>
      %dma_wait3A_479 = tpu.memref_squeeze %dma_wait3A_478 : memref<1x64x1024xf32, #tpu.memory_space<hbm>> -> memref<64x1024xf32, #tpu.memory_space<hbm>>
      tpu.wait_dma2 semaphore(%arg9 : memref<!tpu.dma_semaphore, #tpu.memory_space<semaphore_mem>>) src(%arg7 : memref<64x1024xf32, #tpu.memory_space<vmem>>) dst(%dma_wait3A_479 : memref<64x1024xf32, #tpu.memory_space<hbm>>)
      %dma_wait3A_480 = arith.constant 0 : i32
      %dma_wait3A_481 = arith.constant 0 : i32
      %dma_wait3A_482 = tpu.memref_slice %arg5[%add3A_224, %dma_wait3A_480, %dma_wait3A_481] : memref<64x64x8448xf32, #tpu.memory_space<hbm>> -> memref<1x64x1024xf32, #tpu.memory_space<hbm>>
      %dma_wait3A_483 = tpu.memref_squeeze %dma_wait3A_482 : memref<1x64x1024xf32, #tpu.memory_space<hbm>> -> memref<64x1024xf32, #tpu.memory_space<hbm>>
      %dma_wait3A_484 = arith.constant 0 : i32
      %dma_wait3A_485 = arith.constant 0 : i32
      %dma_wait3A_486 = tpu.memref_slice %arg5[%add3A_224, %dma_wait3A_484, %dma_wait3A_485] : memref<64x64x8448xf32, #tpu.memory_space<hbm>> -> memref<1x64x1024xf32, #tpu.memory_space<hbm>>
      %dma_wait3A_487 = tpu.memref_squeeze %dma_wait3A_486 : memref<1x64x1024xf32, #tpu.memory_space<hbm>> -> memref<64x1024xf32, #tpu.memory_space<hbm>>
      tpu.wait_dma2 semaphore(%arg9 : memref<!tpu.dma_semaphore, #tpu.memory_space<semaphore_mem>>) src(%arg7 : memref<64x1024xf32, #tpu.memory_space<vmem>>) dst(%dma_wait3A_487 : memref<64x1024xf32, #tpu.memory_space<hbm>>)
      %dma_wait3A_488 = arith.constant 0 : i32
      %dma_wait3A_489 = arith.constant 1024 : i32
      %dma_wait3A_490 = tpu.memref_slice %arg5[%add3A_224, %dma_wait3A_488, %dma_wait3A_489] : memref<64x64x8448xf32, #tpu.memory_space<hbm>> -> memref<1x64x1024xf32, #tpu.memory_space<hbm>>
      %dma_wait3A_491 = tpu.memref_squeeze %dma_wait3A_490 : memref<1x64x1024xf32, #tpu.memory_space<hbm>> -> memref<64x1024xf32, #tpu.memory_space<hbm>>
      %dma_wait3A_492 = arith.constant 0 : i32
      %dma_wait3A_493 = arith.constant 1024 : i32
      %dma_wait3A_494 = tpu.memref_slice %arg5[%add3A_224, %dma_wait3A_492, %dma_wait3A_493] : memref<64x64x8448xf32, #tpu.memory_space<hbm>> -> memref<1x64x1024xf32, #tpu.memory_space<hbm>>
      %dma_wait3A_495 = tpu.memref_squeeze %dma_wait3A_494 : memref<1x64x1024xf32, #tpu.memory_space<hbm>> -> memref<64x1024xf32, #tpu.memory_space<hbm>>
      tpu.wait_dma2 semaphore(%arg9 : memref<!tpu.dma_semaphore, #tpu.memory_space<semaphore_mem>>) src(%arg7 : memref<64x1024xf32, #tpu.memory_space<vmem>>) dst(%dma_wait3A_495 : memref<64x1024xf32, #tpu.memory_space<hbm>>)
      %dma_wait3A_496 = arith.constant 0 : i32
      %dma_wait3A_497 = arith.constant 2048 : i32
      %dma_wait3A_498 = tpu.memref_slice %arg5[%add3A_224, %dma_wait3A_496, %dma_wait3A_497] : memref<64x64x8448xf32, #tpu.memory_space<hbm>> -> memref<1x64x1024xf32, #tpu.memory_space<hbm>>
      %dma_wait3A_499 = tpu.memref_squeeze %dma_wait3A_498 : memref<1x64x1024xf32, #tpu.memory_space<hbm>> -> memref<64x1024xf32, #tpu.memory_space<hbm>>
      %dma_wait3A_500 = arith.constant 0 : i32
      %dma_wait3A_501 = arith.constant 2048 : i32
      %dma_wait3A_502 = tpu.memref_slice %arg5[%add3A_224, %dma_wait3A_500, %dma_wait3A_501] : memref<64x64x8448xf32, #tpu.memory_space<hbm>> -> memref<1x64x1024xf32, #tpu.memory_space<hbm>>
      %dma_wait3A_503 = tpu.memref_squeeze %dma_wait3A_502 : memref<1x64x1024xf32, #tpu.memory_space<hbm>> -> memref<64x1024xf32, #tpu.memory_space<hbm>>
      tpu.wait_dma2 semaphore(%arg9 : memref<!tpu.dma_semaphore, #tpu.memory_space<semaphore_mem>>) src(%arg7 : memref<64x1024xf32, #tpu.memory_space<vmem>>) dst(%dma_wait3A_503 : memref<64x1024xf32, #tpu.memory_space<hbm>>)
      %dma_wait3A_504 = arith.constant 0 : i32
      %dma_wait3A_505 = arith.constant 3072 : i32
      %dma_wait3A_506 = tpu.memref_slice %arg5[%add3A_224, %dma_wait3A_504, %dma_wait3A_505] : memref<64x64x8448xf32, #tpu.memory_space<hbm>> -> memref<1x64x1024xf32, #tpu.memory_space<hbm>>
      %dma_wait3A_507 = tpu.memref_squeeze %dma_wait3A_506 : memref<1x64x1024xf32, #tpu.memory_space<hbm>> -> memref<64x1024xf32, #tpu.memory_space<hbm>>
      %dma_wait3A_508 = arith.constant 0 : i32
      %dma_wait3A_509 = arith.constant 3072 : i32
      %dma_wait3A_510 = tpu.memref_slice %arg5[%add3A_224, %dma_wait3A_508, %dma_wait3A_509] : memref<64x64x8448xf32, #tpu.memory_space<hbm>> -> memref<1x64x1024xf32, #tpu.memory_space<hbm>>
      %dma_wait3A_511 = tpu.memref_squeeze %dma_wait3A_510 : memref<1x64x1024xf32, #tpu.memory_space<hbm>> -> memref<64x1024xf32, #tpu.memory_space<hbm>>
      tpu.wait_dma2 semaphore(%arg9 : memref<!tpu.dma_semaphore, #tpu.memory_space<semaphore_mem>>) src(%arg7 : memref<64x1024xf32, #tpu.memory_space<vmem>>) dst(%dma_wait3A_511 : memref<64x1024xf32, #tpu.memory_space<hbm>>)
      %dma_wait3A_512 = arith.constant 0 : i32
      %dma_wait3A_513 = arith.constant 4096 : i32
      %dma_wait3A_514 = tpu.memref_slice %arg5[%add3A_224, %dma_wait3A_512, %dma_wait3A_513] : memref<64x64x8448xf32, #tpu.memory_space<hbm>> -> memref<1x64x1024xf32, #tpu.memory_space<hbm>>
      %dma_wait3A_515 = tpu.memref_squeeze %dma_wait3A_514 : memref<1x64x1024xf32, #tpu.memory_space<hbm>> -> memref<64x1024xf32, #tpu.memory_space<hbm>>
      %dma_wait3A_516 = arith.constant 0 : i32
      %dma_wait3A_517 = arith.constant 4096 : i32
      %dma_wait3A_518 = tpu.memref_slice %arg5[%add3A_224, %dma_wait3A_516, %dma_wait3A_517] : memref<64x64x8448xf32, #tpu.memory_space<hbm>> -> memref<1x64x1024xf32, #tpu.memory_space<hbm>>
      %dma_wait3A_519 = tpu.memref_squeeze %dma_wait3A_518 : memref<1x64x1024xf32, #tpu.memory_space<hbm>> -> memref<64x1024xf32, #tpu.memory_space<hbm>>
      tpu.wait_dma2 semaphore(%arg9 : memref<!tpu.dma_semaphore, #tpu.memory_space<semaphore_mem>>) src(%arg7 : memref<64x1024xf32, #tpu.memory_space<vmem>>) dst(%dma_wait3A_519 : memref<64x1024xf32, #tpu.memory_space<hbm>>)
      %dma_wait3A_520 = arith.constant 0 : i32
      %dma_wait3A_521 = arith.constant 5120 : i32
      %dma_wait3A_522 = tpu.memref_slice %arg5[%add3A_224, %dma_wait3A_520, %dma_wait3A_521] : memref<64x64x8448xf32, #tpu.memory_space<hbm>> -> memref<1x64x1024xf32, #tpu.memory_space<hbm>>
      %dma_wait3A_523 = tpu.memref_squeeze %dma_wait3A_522 : memref<1x64x1024xf32, #tpu.memory_space<hbm>> -> memref<64x1024xf32, #tpu.memory_space<hbm>>
      %dma_wait3A_524 = arith.constant 0 : i32
      %dma_wait3A_525 = arith.constant 5120 : i32
      %dma_wait3A_526 = tpu.memref_slice %arg5[%add3A_224, %dma_wait3A_524, %dma_wait3A_525] : memref<64x64x8448xf32, #tpu.memory_space<hbm>> -> memref<1x64x1024xf32, #tpu.memory_space<hbm>>
      %dma_wait3A_527 = tpu.memref_squeeze %dma_wait3A_526 : memref<1x64x1024xf32, #tpu.memory_space<hbm>> -> memref<64x1024xf32, #tpu.memory_space<hbm>>
      tpu.wait_dma2 semaphore(%arg9 : memref<!tpu.dma_semaphore, #tpu.memory_space<semaphore_mem>>) src(%arg7 : memref<64x1024xf32, #tpu.memory_space<vmem>>) dst(%dma_wait3A_527 : memref<64x1024xf32, #tpu.memory_space<hbm>>)
      %dma_wait3A_528 = arith.constant 0 : i32
      %dma_wait3A_529 = arith.constant 6144 : i32
      %dma_wait3A_530 = tpu.memref_slice %arg5[%add3A_224, %dma_wait3A_528, %dma_wait3A_529] : memref<64x64x8448xf32, #tpu.memory_space<hbm>> -> memref<1x64x1024xf32, #tpu.memory_space<hbm>>
      %dma_wait3A_531 = tpu.memref_squeeze %dma_wait3A_530 : memref<1x64x1024xf32, #tpu.memory_space<hbm>> -> memref<64x1024xf32, #tpu.memory_space<hbm>>
      %dma_wait3A_532 = arith.constant 0 : i32
      %dma_wait3A_533 = arith.constant 6144 : i32
      %dma_wait3A_534 = tpu.memref_slice %arg5[%add3A_224, %dma_wait3A_532, %dma_wait3A_533] : memref<64x64x8448xf32, #tpu.memory_space<hbm>> -> memref<1x64x1024xf32, #tpu.memory_space<hbm>>
      %dma_wait3A_535 = tpu.memref_squeeze %dma_wait3A_534 : memref<1x64x1024xf32, #tpu.memory_space<hbm>> -> memref<64x1024xf32, #tpu.memory_space<hbm>>
      tpu.wait_dma2 semaphore(%arg9 : memref<!tpu.dma_semaphore, #tpu.memory_space<semaphore_mem>>) src(%arg7 : memref<64x1024xf32, #tpu.memory_space<vmem>>) dst(%dma_wait3A_535 : memref<64x1024xf32, #tpu.memory_space<hbm>>)
      %dma_wait3A_536 = arith.constant 0 : i32
      %dma_wait3A_537 = arith.constant 7168 : i32
      %dma_wait3A_538 = tpu.memref_slice %arg5[%add3A_224, %dma_wait3A_536, %dma_wait3A_537] : memref<64x64x8448xf32, #tpu.memory_space<hbm>> -> memref<1x64x1024xf32, #tpu.memory_space<hbm>>
      %dma_wait3A_539 = tpu.memref_squeeze %dma_wait3A_538 : memref<1x64x1024xf32, #tpu.memory_space<hbm>> -> memref<64x1024xf32, #tpu.memory_space<hbm>>
      %dma_wait3A_540 = arith.constant 0 : i32
      %dma_wait3A_541 = arith.constant 7168 : i32
      %dma_wait3A_542 = tpu.memref_slice %arg5[%add3A_224, %dma_wait3A_540, %dma_wait3A_541] : memref<64x64x8448xf32, #tpu.memory_space<hbm>> -> memref<1x64x1024xf32, #tpu.memory_space<hbm>>
      %dma_wait3A_543 = tpu.memref_squeeze %dma_wait3A_542 : memref<1x64x1024xf32, #tpu.memory_space<hbm>> -> memref<64x1024xf32, #tpu.memory_space<hbm>>
      tpu.wait_dma2 semaphore(%arg9 : memref<!tpu.dma_semaphore, #tpu.memory_space<semaphore_mem>>) src(%arg7 : memref<64x1024xf32, #tpu.memory_space<vmem>>) dst(%dma_wait3A_543 : memref<64x1024xf32, #tpu.memory_space<hbm>>)
      %add3A_544 = arith.constant 0 : i32
      %add3A_545 = arith.addi %mul3A_20, %add3A_544 : i32
      %add3A_546 = arith.constant 64 : i32
      %add3A_547 = arith.addi %add3A_546, %add3A_545 : i32
      "tpu.region"() ({
        %run_scoped3A_672 = tpu.sem_alloc : memref<!tpu.dma_semaphore, #tpu.memory_space<semaphore_mem>>
        %dma_start3A_673 = arith.constant 0 : i32
        %dma_start3A_674 = arith.constant 0 : i32
        %dma_start3A_675 = tpu.memref_slice %arg3[%add3A_547, %dma_start3A_673, %dma_start3A_674] : memref<128x64x256xf32, #tpu.memory_space<hbm>> -> memref<1x64x256xf32, #tpu.memory_space<hbm>>
        %dma_start3A_676 = tpu.memref_squeeze %dma_start3A_675 : memref<1x64x256xf32, #tpu.memory_space<hbm>> -> memref<64x256xf32, #tpu.memory_space<hbm>>
        %dma_start3A_677 = arith.constant 0 : i32
        %dma_start3A_678 = arith.constant 0 : i32
        %dma_start3A_679 = tpu.memref_slice %arg3[%add3A_547, %dma_start3A_677, %dma_start3A_678] : memref<128x64x256xf32, #tpu.memory_space<hbm>> -> memref<1x64x256xf32, #tpu.memory_space<hbm>>
        %dma_start3A_680 = tpu.memref_squeeze %dma_start3A_679 : memref<1x64x256xf32, #tpu.memory_space<hbm>> -> memref<64x256xf32, #tpu.memory_space<hbm>>
        tpu.enqueue_dma source(%dma_start3A_680 : memref<64x256xf32, #tpu.memory_space<hbm>>) target(%arg8 : memref<64x256xf32, #tpu.memory_space<vmem>>) target_semaphore(%run_scoped3A_672 : memref<!tpu.dma_semaphore, #tpu.memory_space<semaphore_mem>>)
        %dma_wait3A_681 = arith.constant 0 : i32
        %dma_wait3A_682 = arith.constant 0 : i32
        %dma_wait3A_683 = tpu.memref_slice %arg3[%add3A_547, %dma_wait3A_681, %dma_wait3A_682] : memref<128x64x256xf32, #tpu.memory_space<hbm>> -> memref<1x64x256xf32, #tpu.memory_space<hbm>>
        %dma_wait3A_684 = tpu.memref_squeeze %dma_wait3A_683 : memref<1x64x256xf32, #tpu.memory_space<hbm>> -> memref<64x256xf32, #tpu.memory_space<hbm>>
        %dma_wait3A_685 = arith.constant 0 : i32
        %dma_wait3A_686 = arith.constant 0 : i32
        %dma_wait3A_687 = tpu.memref_slice %arg3[%add3A_547, %dma_wait3A_685, %dma_wait3A_686] : memref<128x64x256xf32, #tpu.memory_space<hbm>> -> memref<1x64x256xf32, #tpu.memory_space<hbm>>
        %dma_wait3A_688 = tpu.memref_squeeze %dma_wait3A_687 : memref<1x64x256xf32, #tpu.memory_space<hbm>> -> memref<64x256xf32, #tpu.memory_space<hbm>>
        tpu.wait_dma2 semaphore(%run_scoped3A_672 : memref<!tpu.dma_semaphore, #tpu.memory_space<semaphore_mem>>) src(%dma_wait3A_688 : memref<64x256xf32, #tpu.memory_space<hbm>>) dst(%arg8 : memref<64x256xf32, #tpu.memory_space<vmem>>)
        tpu.yield
      }) : () -> ()
      %dma_start3A_548 = arith.constant 0 : i32
      %dma_start3A_549 = arith.constant 8192 : i32
      %dma_start3A_550 = tpu.memref_slice %arg5[%add3A_545, %dma_start3A_548, %dma_start3A_549] : memref<64x64x8448xf32, #tpu.memory_space<hbm>> -> memref<1x64x256xf32, #tpu.memory_space<hbm>>
      %dma_start3A_551 = tpu.memref_squeeze %dma_start3A_550 : memref<1x64x256xf32, #tpu.memory_space<hbm>> -> memref<64x256xf32, #tpu.memory_space<hbm>>
      %dma_start3A_552 = arith.constant 0 : i32
      %dma_start3A_553 = arith.constant 8192 : i32
      %dma_start3A_554 = tpu.memref_slice %arg5[%add3A_545, %dma_start3A_552, %dma_start3A_553] : memref<64x64x8448xf32, #tpu.memory_space<hbm>> -> memref<1x64x256xf32, #tpu.memory_space<hbm>>
      %dma_start3A_555 = tpu.memref_squeeze %dma_start3A_554 : memref<1x64x256xf32, #tpu.memory_space<hbm>> -> memref<64x256xf32, #tpu.memory_space<hbm>>
      tpu.enqueue_dma source(%arg8 : memref<64x256xf32, #tpu.memory_space<vmem>>) target(%dma_start3A_555 : memref<64x256xf32, #tpu.memory_space<hbm>>) target_semaphore(%arg10 : memref<!tpu.dma_semaphore, #tpu.memory_space<semaphore_mem>>)
      %dma_start3A_556 = arith.constant 0 : i32
      %dma_start3A_557 = tpu.memref_slice %arg5[%add3A_545, %dma_start3A_556, %mul3A_15] : memref<64x64x8448xf32, #tpu.memory_space<hbm>> -> memref<1x64x256xf32, #tpu.memory_space<hbm>>
      %dma_start3A_558 = tpu.memref_squeeze %dma_start3A_557 : memref<1x64x256xf32, #tpu.memory_space<hbm>> -> memref<64x256xf32, #tpu.memory_space<hbm>>
      %dma_start3A_559 = arith.constant 0 : i32
      %dma_start3A_560 = tpu.memref_slice %arg5[%add3A_545, %dma_start3A_559, %mul3A_15] : memref<64x64x8448xf32, #tpu.memory_space<hbm>> -> memref<1x64x256xf32, #tpu.memory_space<hbm>>
      %dma_start3A_561 = tpu.memref_squeeze %dma_start3A_560 : memref<1x64x256xf32, #tpu.memory_space<hbm>> -> memref<64x256xf32, #tpu.memory_space<hbm>>
      tpu.enqueue_dma source(%arg8 : memref<64x256xf32, #tpu.memory_space<vmem>>) target(%dma_start3A_561 : memref<64x256xf32, #tpu.memory_space<hbm>>) target_semaphore(%arg10 : memref<!tpu.dma_semaphore, #tpu.memory_space<semaphore_mem>>)
      %dma_wait3A_562 = arith.constant 0 : i32
      %dma_wait3A_563 = arith.constant 8192 : i32
      %dma_wait3A_564 = tpu.memref_slice %arg5[%add3A_545, %dma_wait3A_562, %dma_wait3A_563] : memref<64x64x8448xf32, #tpu.memory_space<hbm>> -> memref<1x64x256xf32, #tpu.memory_space<hbm>>
      %dma_wait3A_565 = tpu.memref_squeeze %dma_wait3A_564 : memref<1x64x256xf32, #tpu.memory_space<hbm>> -> memref<64x256xf32, #tpu.memory_space<hbm>>
      %dma_wait3A_566 = arith.constant 0 : i32
      %dma_wait3A_567 = arith.constant 8192 : i32
      %dma_wait3A_568 = tpu.memref_slice %arg5[%add3A_545, %dma_wait3A_566, %dma_wait3A_567] : memref<64x64x8448xf32, #tpu.memory_space<hbm>> -> memref<1x64x256xf32, #tpu.memory_space<hbm>>
      %dma_wait3A_569 = tpu.memref_squeeze %dma_wait3A_568 : memref<1x64x256xf32, #tpu.memory_space<hbm>> -> memref<64x256xf32, #tpu.memory_space<hbm>>
      tpu.wait_dma2 semaphore(%arg10 : memref<!tpu.dma_semaphore, #tpu.memory_space<semaphore_mem>>) src(%arg8 : memref<64x256xf32, #tpu.memory_space<vmem>>) dst(%dma_wait3A_569 : memref<64x256xf32, #tpu.memory_space<hbm>>)
      %dma_wait3A_570 = arith.constant 0 : i32
      %dma_wait3A_571 = tpu.memref_slice %arg5[%add3A_545, %dma_wait3A_570, %mul3A_15] : memref<64x64x8448xf32, #tpu.memory_space<hbm>> -> memref<1x64x256xf32, #tpu.memory_space<hbm>>
      %dma_wait3A_572 = tpu.memref_squeeze %dma_wait3A_571 : memref<1x64x256xf32, #tpu.memory_space<hbm>> -> memref<64x256xf32, #tpu.memory_space<hbm>>
      %dma_wait3A_573 = arith.constant 0 : i32
      %dma_wait3A_574 = tpu.memref_slice %arg5[%add3A_545, %dma_wait3A_573, %mul3A_15] : memref<64x64x8448xf32, #tpu.memory_space<hbm>> -> memref<1x64x256xf32, #tpu.memory_space<hbm>>
      %dma_wait3A_575 = tpu.memref_squeeze %dma_wait3A_574 : memref<1x64x256xf32, #tpu.memory_space<hbm>> -> memref<64x256xf32, #tpu.memory_space<hbm>>
      tpu.wait_dma2 semaphore(%arg10 : memref<!tpu.dma_semaphore, #tpu.memory_space<semaphore_mem>>) src(%arg8 : memref<64x256xf32, #tpu.memory_space<vmem>>) dst(%dma_wait3A_575 : memref<64x256xf32, #tpu.memory_space<hbm>>)
      %add3A_576 = arith.constant 1 : i32
      %add3A_577 = arith.addi %mul3A_20, %add3A_576 : i32
      %add3A_578 = arith.constant 64 : i32
      %add3A_579 = arith.addi %add3A_578, %add3A_577 : i32
      "tpu.region"() ({
        %run_scoped3A_672 = tpu.sem_alloc : memref<!tpu.dma_semaphore, #tpu.memory_space<semaphore_mem>>
        %dma_start3A_673 = arith.constant 0 : i32
        %dma_start3A_674 = arith.constant 0 : i32
        %dma_start3A_675 = tpu.memref_slice %arg3[%add3A_579, %dma_start3A_673, %dma_start3A_674] : memref<128x64x256xf32, #tpu.memory_space<hbm>> -> memref<1x64x256xf32, #tpu.memory_space<hbm>>
        %dma_start3A_676 = tpu.memref_squeeze %dma_start3A_675 : memref<1x64x256xf32, #tpu.memory_space<hbm>> -> memref<64x256xf32, #tpu.memory_space<hbm>>
        %dma_start3A_677 = arith.constant 0 : i32
        %dma_start3A_678 = arith.constant 0 : i32
        %dma_start3A_679 = tpu.memref_slice %arg3[%add3A_579, %dma_start3A_677, %dma_start3A_678] : memref<128x64x256xf32, #tpu.memory_space<hbm>> -> memref<1x64x256xf32, #tpu.memory_space<hbm>>
        %dma_start3A_680 = tpu.memref_squeeze %dma_start3A_679 : memref<1x64x256xf32, #tpu.memory_space<hbm>> -> memref<64x256xf32, #tpu.memory_space<hbm>>
        tpu.enqueue_dma source(%dma_start3A_680 : memref<64x256xf32, #tpu.memory_space<hbm>>) target(%arg8 : memref<64x256xf32, #tpu.memory_space<vmem>>) target_semaphore(%run_scoped3A_672 : memref<!tpu.dma_semaphore, #tpu.memory_space<semaphore_mem>>)
        %dma_wait3A_681 = arith.constant 0 : i32
        %dma_wait3A_682 = arith.constant 0 : i32
        %dma_wait3A_683 = tpu.memref_slice %arg3[%add3A_579, %dma_wait3A_681, %dma_wait3A_682] : memref<128x64x256xf32, #tpu.memory_space<hbm>> -> memref<1x64x256xf32, #tpu.memory_space<hbm>>
        %dma_wait3A_684 = tpu.memref_squeeze %dma_wait3A_683 : memref<1x64x256xf32, #tpu.memory_space<hbm>> -> memref<64x256xf32, #tpu.memory_space<hbm>>
        %dma_wait3A_685 = arith.constant 0 : i32
        %dma_wait3A_686 = arith.constant 0 : i32
        %dma_wait3A_687 = tpu.memref_slice %arg3[%add3A_579, %dma_wait3A_685, %dma_wait3A_686] : memref<128x64x256xf32, #tpu.memory_space<hbm>> -> memref<1x64x256xf32, #tpu.memory_space<hbm>>
        %dma_wait3A_688 = tpu.memref_squeeze %dma_wait3A_687 : memref<1x64x256xf32, #tpu.memory_space<hbm>> -> memref<64x256xf32, #tpu.memory_space<hbm>>
        tpu.wait_dma2 semaphore(%run_scoped3A_672 : memref<!tpu.dma_semaphore, #tpu.memory_space<semaphore_mem>>) src(%dma_wait3A_688 : memref<64x256xf32, #tpu.memory_space<hbm>>) dst(%arg8 : memref<64x256xf32, #tpu.memory_space<vmem>>)
        tpu.yield
      }) : () -> ()
      %dma_start3A_580 = arith.constant 0 : i32
      %dma_start3A_581 = arith.constant 8192 : i32
      %dma_start3A_582 = tpu.memref_slice %arg5[%add3A_577, %dma_start3A_580, %dma_start3A_581] : memref<64x64x8448xf32, #tpu.memory_space<hbm>> -> memref<1x64x256xf32, #tpu.memory_space<hbm>>
      %dma_start3A_583 = tpu.memref_squeeze %dma_start3A_582 : memref<1x64x256xf32, #tpu.memory_space<hbm>> -> memref<64x256xf32, #tpu.memory_space<hbm>>
      %dma_start3A_584 = arith.constant 0 : i32
      %dma_start3A_585 = arith.constant 8192 : i32
      %dma_start3A_586 = tpu.memref_slice %arg5[%add3A_577, %dma_start3A_584, %dma_start3A_585] : memref<64x64x8448xf32, #tpu.memory_space<hbm>> -> memref<1x64x256xf32, #tpu.memory_space<hbm>>
      %dma_start3A_587 = tpu.memref_squeeze %dma_start3A_586 : memref<1x64x256xf32, #tpu.memory_space<hbm>> -> memref<64x256xf32, #tpu.memory_space<hbm>>
      tpu.enqueue_dma source(%arg8 : memref<64x256xf32, #tpu.memory_space<vmem>>) target(%dma_start3A_587 : memref<64x256xf32, #tpu.memory_space<hbm>>) target_semaphore(%arg10 : memref<!tpu.dma_semaphore, #tpu.memory_space<semaphore_mem>>)
      %dma_start3A_588 = arith.constant 0 : i32
      %dma_start3A_589 = tpu.memref_slice %arg5[%add3A_577, %dma_start3A_588, %mul3A_15] : memref<64x64x8448xf32, #tpu.memory_space<hbm>> -> memref<1x64x256xf32, #tpu.memory_space<hbm>>
      %dma_start3A_590 = tpu.memref_squeeze %dma_start3A_589 : memref<1x64x256xf32, #tpu.memory_space<hbm>> -> memref<64x256xf32, #tpu.memory_space<hbm>>
      %dma_start3A_591 = arith.constant 0 : i32
      %dma_start3A_592 = tpu.memref_slice %arg5[%add3A_577, %dma_start3A_591, %mul3A_15] : memref<64x64x8448xf32, #tpu.memory_space<hbm>> -> memref<1x64x256xf32, #tpu.memory_space<hbm>>
      %dma_start3A_593 = tpu.memref_squeeze %dma_start3A_592 : memref<1x64x256xf32, #tpu.memory_space<hbm>> -> memref<64x256xf32, #tpu.memory_space<hbm>>
      tpu.enqueue_dma source(%arg8 : memref<64x256xf32, #tpu.memory_space<vmem>>) target(%dma_start3A_593 : memref<64x256xf32, #tpu.memory_space<hbm>>) target_semaphore(%arg10 : memref<!tpu.dma_semaphore, #tpu.memory_space<semaphore_mem>>)
      %dma_wait3A_594 = arith.constant 0 : i32
      %dma_wait3A_595 = arith.constant 8192 : i32
      %dma_wait3A_596 = tpu.memref_slice %arg5[%add3A_577, %dma_wait3A_594, %dma_wait3A_595] : memref<64x64x8448xf32, #tpu.memory_space<hbm>> -> memref<1x64x256xf32, #tpu.memory_space<hbm>>
      %dma_wait3A_597 = tpu.memref_squeeze %dma_wait3A_596 : memref<1x64x256xf32, #tpu.memory_space<hbm>> -> memref<64x256xf32, #tpu.memory_space<hbm>>
      %dma_wait3A_598 = arith.constant 0 : i32
      %dma_wait3A_599 = arith.constant 8192 : i32
      %dma_wait3A_600 = tpu.memref_slice %arg5[%add3A_577, %dma_wait3A_598, %dma_wait3A_599] : memref<64x64x8448xf32, #tpu.memory_space<hbm>> -> memref<1x64x256xf32, #tpu.memory_space<hbm>>
      %dma_wait3A_601 = tpu.memref_squeeze %dma_wait3A_600 : memref<1x64x256xf32, #tpu.memory_space<hbm>> -> memref<64x256xf32, #tpu.memory_space<hbm>>
      tpu.wait_dma2 semaphore(%arg10 : memref<!tpu.dma_semaphore, #tpu.memory_space<semaphore_mem>>) src(%arg8 : memref<64x256xf32, #tpu.memory_space<vmem>>) dst(%dma_wait3A_601 : memref<64x256xf32, #tpu.memory_space<hbm>>)
      %dma_wait3A_602 = arith.constant 0 : i32
      %dma_wait3A_603 = tpu.memref_slice %arg5[%add3A_577, %dma_wait3A_602, %mul3A_15] : memref<64x64x8448xf32, #tpu.memory_space<hbm>> -> memref<1x64x256xf32, #tpu.memory_space<hbm>>
      %dma_wait3A_604 = tpu.memref_squeeze %dma_wait3A_603 : memref<1x64x256xf32, #tpu.memory_space<hbm>> -> memref<64x256xf32, #tpu.memory_space<hbm>>
      %dma_wait3A_605 = arith.constant 0 : i32
      %dma_wait3A_606 = tpu.memref_slice %arg5[%add3A_577, %dma_wait3A_605, %mul3A_15] : memref<64x64x8448xf32, #tpu.memory_space<hbm>> -> memref<1x64x256xf32, #tpu.memory_space<hbm>>
      %dma_wait3A_607 = tpu.memref_squeeze %dma_wait3A_606 : memref<1x64x256xf32, #tpu.memory_space<hbm>> -> memref<64x256xf32, #tpu.memory_space<hbm>>
      tpu.wait_dma2 semaphore(%arg10 : memref<!tpu.dma_semaphore, #tpu.memory_space<semaphore_mem>>) src(%arg8 : memref<64x256xf32, #tpu.memory_space<vmem>>) dst(%dma_wait3A_607 : memref<64x256xf32, #tpu.memory_space<hbm>>)
      %add3A_608 = arith.constant 2 : i32
      %add3A_609 = arith.addi %mul3A_20, %add3A_608 : i32
      %add3A_610 = arith.constant 64 : i32
      %add3A_611 = arith.addi %add3A_610, %add3A_609 : i32
      "tpu.region"() ({
        %run_scoped3A_672 = tpu.sem_alloc : memref<!tpu.dma_semaphore, #tpu.memory_space<semaphore_mem>>
        %dma_start3A_673 = arith.constant 0 : i32
        %dma_start3A_674 = arith.constant 0 : i32
        %dma_start3A_675 = tpu.memref_slice %arg3[%add3A_611, %dma_start3A_673, %dma_start3A_674] : memref<128x64x256xf32, #tpu.memory_space<hbm>> -> memref<1x64x256xf32, #tpu.memory_space<hbm>>
        %dma_start3A_676 = tpu.memref_squeeze %dma_start3A_675 : memref<1x64x256xf32, #tpu.memory_space<hbm>> -> memref<64x256xf32, #tpu.memory_space<hbm>>
        %dma_start3A_677 = arith.constant 0 : i32
        %dma_start3A_678 = arith.constant 0 : i32
        %dma_start3A_679 = tpu.memref_slice %arg3[%add3A_611, %dma_start3A_677, %dma_start3A_678] : memref<128x64x256xf32, #tpu.memory_space<hbm>> -> memref<1x64x256xf32, #tpu.memory_space<hbm>>
        %dma_start3A_680 = tpu.memref_squeeze %dma_start3A_679 : memref<1x64x256xf32, #tpu.memory_space<hbm>> -> memref<64x256xf32, #tpu.memory_space<hbm>>
        tpu.enqueue_dma source(%dma_start3A_680 : memref<64x256xf32, #tpu.memory_space<hbm>>) target(%arg8 : memref<64x256xf32, #tpu.memory_space<vmem>>) target_semaphore(%run_scoped3A_672 : memref<!tpu.dma_semaphore, #tpu.memory_space<semaphore_mem>>)
        %dma_wait3A_681 = arith.constant 0 : i32
        %dma_wait3A_682 = arith.constant 0 : i32
        %dma_wait3A_683 = tpu.memref_slice %arg3[%add3A_611, %dma_wait3A_681, %dma_wait3A_682] : memref<128x64x256xf32, #tpu.memory_space<hbm>> -> memref<1x64x256xf32, #tpu.memory_space<hbm>>
        %dma_wait3A_684 = tpu.memref_squeeze %dma_wait3A_683 : memref<1x64x256xf32, #tpu.memory_space<hbm>> -> memref<64x256xf32, #tpu.memory_space<hbm>>
        %dma_wait3A_685 = arith.constant 0 : i32
        %dma_wait3A_686 = arith.constant 0 : i32
        %dma_wait3A_687 = tpu.memref_slice %arg3[%add3A_611, %dma_wait3A_685, %dma_wait3A_686] : memref<128x64x256xf32, #tpu.memory_space<hbm>> -> memref<1x64x256xf32, #tpu.memory_space<hbm>>
        %dma_wait3A_688 = tpu.memref_squeeze %dma_wait3A_687 : memref<1x64x256xf32, #tpu.memory_space<hbm>> -> memref<64x256xf32, #tpu.memory_space<hbm>>
        tpu.wait_dma2 semaphore(%run_scoped3A_672 : memref<!tpu.dma_semaphore, #tpu.memory_space<semaphore_mem>>) src(%dma_wait3A_688 : memref<64x256xf32, #tpu.memory_space<hbm>>) dst(%arg8 : memref<64x256xf32, #tpu.memory_space<vmem>>)
        tpu.yield
      }) : () -> ()
      %dma_start3A_612 = arith.constant 0 : i32
      %dma_start3A_613 = arith.constant 8192 : i32
      %dma_start3A_614 = tpu.memref_slice %arg5[%add3A_609, %dma_start3A_612, %dma_start3A_613] : memref<64x64x8448xf32, #tpu.memory_space<hbm>> -> memref<1x64x256xf32, #tpu.memory_space<hbm>>
      %dma_start3A_615 = tpu.memref_squeeze %dma_start3A_614 : memref<1x64x256xf32, #tpu.memory_space<hbm>> -> memref<64x256xf32, #tpu.memory_space<hbm>>
      %dma_start3A_616 = arith.constant 0 : i32
      %dma_start3A_617 = arith.constant 8192 : i32
      %dma_start3A_618 = tpu.memref_slice %arg5[%add3A_609, %dma_start3A_616, %dma_start3A_617] : memref<64x64x8448xf32, #tpu.memory_space<hbm>> -> memref<1x64x256xf32, #tpu.memory_space<hbm>>
      %dma_start3A_619 = tpu.memref_squeeze %dma_start3A_618 : memref<1x64x256xf32, #tpu.memory_space<hbm>> -> memref<64x256xf32, #tpu.memory_space<hbm>>
      tpu.enqueue_dma source(%arg8 : memref<64x256xf32, #tpu.memory_space<vmem>>) target(%dma_start3A_619 : memref<64x256xf32, #tpu.memory_space<hbm>>) target_semaphore(%arg10 : memref<!tpu.dma_semaphore, #tpu.memory_space<semaphore_mem>>)
      %dma_start3A_620 = arith.constant 0 : i32
      %dma_start3A_621 = tpu.memref_slice %arg5[%add3A_609, %dma_start3A_620, %mul3A_15] : memref<64x64x8448xf32, #tpu.memory_space<hbm>> -> memref<1x64x256xf32, #tpu.memory_space<hbm>>
      %dma_start3A_622 = tpu.memref_squeeze %dma_start3A_621 : memref<1x64x256xf32, #tpu.memory_space<hbm>> -> memref<64x256xf32, #tpu.memory_space<hbm>>
      %dma_start3A_623 = arith.constant 0 : i32
      %dma_start3A_624 = tpu.memref_slice %arg5[%add3A_609, %dma_start3A_623, %mul3A_15] : memref<64x64x8448xf32, #tpu.memory_space<hbm>> -> memref<1x64x256xf32, #tpu.memory_space<hbm>>
      %dma_start3A_625 = tpu.memref_squeeze %dma_start3A_624 : memref<1x64x256xf32, #tpu.memory_space<hbm>> -> memref<64x256xf32, #tpu.memory_space<hbm>>
      tpu.enqueue_dma source(%arg8 : memref<64x256xf32, #tpu.memory_space<vmem>>) target(%dma_start3A_625 : memref<64x256xf32, #tpu.memory_space<hbm>>) target_semaphore(%arg10 : memref<!tpu.dma_semaphore, #tpu.memory_space<semaphore_mem>>)
      %dma_wait3A_626 = arith.constant 0 : i32
      %dma_wait3A_627 = arith.constant 8192 : i32
      %dma_wait3A_628 = tpu.memref_slice %arg5[%add3A_609, %dma_wait3A_626, %dma_wait3A_627] : memref<64x64x8448xf32, #tpu.memory_space<hbm>> -> memref<1x64x256xf32, #tpu.memory_space<hbm>>
      %dma_wait3A_629 = tpu.memref_squeeze %dma_wait3A_628 : memref<1x64x256xf32, #tpu.memory_space<hbm>> -> memref<64x256xf32, #tpu.memory_space<hbm>>
      %dma_wait3A_630 = arith.constant 0 : i32
      %dma_wait3A_631 = arith.constant 8192 : i32
      %dma_wait3A_632 = tpu.memref_slice %arg5[%add3A_609, %dma_wait3A_630, %dma_wait3A_631] : memref<64x64x8448xf32, #tpu.memory_space<hbm>> -> memref<1x64x256xf32, #tpu.memory_space<hbm>>
      %dma_wait3A_633 = tpu.memref_squeeze %dma_wait3A_632 : memref<1x64x256xf32, #tpu.memory_space<hbm>> -> memref<64x256xf32, #tpu.memory_space<hbm>>
      tpu.wait_dma2 semaphore(%arg10 : memref<!tpu.dma_semaphore, #tpu.memory_space<semaphore_mem>>) src(%arg8 : memref<64x256xf32, #tpu.memory_space<vmem>>) dst(%dma_wait3A_633 : memref<64x256xf32, #tpu.memory_space<hbm>>)
      %dma_wait3A_634 = arith.constant 0 : i32
      %dma_wait3A_635 = tpu.memref_slice %arg5[%add3A_609, %dma_wait3A_634, %mul3A_15] : memref<64x64x8448xf32, #tpu.memory_space<hbm>> -> memref<1x64x256xf32, #tpu.memory_space<hbm>>
      %dma_wait3A_636 = tpu.memref_squeeze %dma_wait3A_635 : memref<1x64x256xf32, #tpu.memory_space<hbm>> -> memref<64x256xf32, #tpu.memory_space<hbm>>
      %dma_wait3A_637 = arith.constant 0 : i32
      %dma_wait3A_638 = tpu.memref_slice %arg5[%add3A_609, %dma_wait3A_637, %mul3A_15] : memref<64x64x8448xf32, #tpu.memory_space<hbm>> -> memref<1x64x256xf32, #tpu.memory_space<hbm>>
      %dma_wait3A_639 = tpu.memref_squeeze %dma_wait3A_638 : memref<1x64x256xf32, #tpu.memory_space<hbm>> -> memref<64x256xf32, #tpu.memory_space<hbm>>
      tpu.wait_dma2 semaphore(%arg10 : memref<!tpu.dma_semaphore, #tpu.memory_space<semaphore_mem>>) src(%arg8 : memref<64x256xf32, #tpu.memory_space<vmem>>) dst(%dma_wait3A_639 : memref<64x256xf32, #tpu.memory_space<hbm>>)
      %add3A_640 = arith.constant 3 : i32
      %add3A_641 = arith.addi %mul3A_20, %add3A_640 : i32
      %add3A_642 = arith.constant 64 : i32
      %add3A_643 = arith.addi %add3A_642, %add3A_641 : i32
      "tpu.region"() ({
        %run_scoped3A_672 = tpu.sem_alloc : memref<!tpu.dma_semaphore, #tpu.memory_space<semaphore_mem>>
        %dma_start3A_673 = arith.constant 0 : i32
        %dma_start3A_674 = arith.constant 0 : i32
        %dma_start3A_675 = tpu.memref_slice %arg3[%add3A_643, %dma_start3A_673, %dma_start3A_674] : memref<128x64x256xf32, #tpu.memory_space<hbm>> -> memref<1x64x256xf32, #tpu.memory_space<hbm>>
        %dma_start3A_676 = tpu.memref_squeeze %dma_start3A_675 : memref<1x64x256xf32, #tpu.memory_space<hbm>> -> memref<64x256xf32, #tpu.memory_space<hbm>>
        %dma_start3A_677 = arith.constant 0 : i32
        %dma_start3A_678 = arith.constant 0 : i32
        %dma_start3A_679 = tpu.memref_slice %arg3[%add3A_643, %dma_start3A_677, %dma_start3A_678] : memref<128x64x256xf32, #tpu.memory_space<hbm>> -> memref<1x64x256xf32, #tpu.memory_space<hbm>>
        %dma_start3A_680 = tpu.memref_squeeze %dma_start3A_679 : memref<1x64x256xf32, #tpu.memory_space<hbm>> -> memref<64x256xf32, #tpu.memory_space<hbm>>
        tpu.enqueue_dma source(%dma_start3A_680 : memref<64x256xf32, #tpu.memory_space<hbm>>) target(%arg8 : memref<64x256xf32, #tpu.memory_space<vmem>>) target_semaphore(%run_scoped3A_672 : memref<!tpu.dma_semaphore, #tpu.memory_space<semaphore_mem>>)
        %dma_wait3A_681 = arith.constant 0 : i32
        %dma_wait3A_682 = arith.constant 0 : i32
        %dma_wait3A_683 = tpu.memref_slice %arg3[%add3A_643, %dma_wait3A_681, %dma_wait3A_682] : memref<128x64x256xf32, #tpu.memory_space<hbm>> -> memref<1x64x256xf32, #tpu.memory_space<hbm>>
        %dma_wait3A_684 = tpu.memref_squeeze %dma_wait3A_683 : memref<1x64x256xf32, #tpu.memory_space<hbm>> -> memref<64x256xf32, #tpu.memory_space<hbm>>
        %dma_wait3A_685 = arith.constant 0 : i32
        %dma_wait3A_686 = arith.constant 0 : i32
        %dma_wait3A_687 = tpu.memref_slice %arg3[%add3A_643, %dma_wait3A_685, %dma_wait3A_686] : memref<128x64x256xf32, #tpu.memory_space<hbm>> -> memref<1x64x256xf32, #tpu.memory_space<hbm>>
        %dma_wait3A_688 = tpu.memref_squeeze %dma_wait3A_687 : memref<1x64x256xf32, #tpu.memory_space<hbm>> -> memref<64x256xf32, #tpu.memory_space<hbm>>
        tpu.wait_dma2 semaphore(%run_scoped3A_672 : memref<!tpu.dma_semaphore, #tpu.memory_space<semaphore_mem>>) src(%dma_wait3A_688 : memref<64x256xf32, #tpu.memory_space<hbm>>) dst(%arg8 : memref<64x256xf32, #tpu.memory_space<vmem>>)
        tpu.yield
      }) : () -> ()
      %dma_start3A_644 = arith.constant 0 : i32
      %dma_start3A_645 = arith.constant 8192 : i32
      %dma_start3A_646 = tpu.memref_slice %arg5[%add3A_641, %dma_start3A_644, %dma_start3A_645] : memref<64x64x8448xf32, #tpu.memory_space<hbm>> -> memref<1x64x256xf32, #tpu.memory_space<hbm>>
      %dma_start3A_647 = tpu.memref_squeeze %dma_start3A_646 : memref<1x64x256xf32, #tpu.memory_space<hbm>> -> memref<64x256xf32, #tpu.memory_space<hbm>>
      %dma_start3A_648 = arith.constant 0 : i32
      %dma_start3A_649 = arith.constant 8192 : i32
      %dma_start3A_650 = tpu.memref_slice %arg5[%add3A_641, %dma_start3A_648, %dma_start3A_649] : memref<64x64x8448xf32, #tpu.memory_space<hbm>> -> memref<1x64x256xf32, #tpu.memory_space<hbm>>
      %dma_start3A_651 = tpu.memref_squeeze %dma_start3A_650 : memref<1x64x256xf32, #tpu.memory_space<hbm>> -> memref<64x256xf32, #tpu.memory_space<hbm>>
      tpu.enqueue_dma source(%arg8 : memref<64x256xf32, #tpu.memory_space<vmem>>) target(%dma_start3A_651 : memref<64x256xf32, #tpu.memory_space<hbm>>) target_semaphore(%arg10 : memref<!tpu.dma_semaphore, #tpu.memory_space<semaphore_mem>>)
      %dma_start3A_652 = arith.constant 0 : i32
      %dma_start3A_653 = tpu.memref_slice %arg5[%add3A_641, %dma_start3A_652, %mul3A_15] : memref<64x64x8448xf32, #tpu.memory_space<hbm>> -> memref<1x64x256xf32, #tpu.memory_space<hbm>>
      %dma_start3A_654 = tpu.memref_squeeze %dma_start3A_653 : memref<1x64x256xf32, #tpu.memory_space<hbm>> -> memref<64x256xf32, #tpu.memory_space<hbm>>
      %dma_start3A_655 = arith.constant 0 : i32
      %dma_start3A_656 = tpu.memref_slice %arg5[%add3A_641, %dma_start3A_655, %mul3A_15] : memref<64x64x8448xf32, #tpu.memory_space<hbm>> -> memref<1x64x256xf32, #tpu.memory_space<hbm>>
      %dma_start3A_657 = tpu.memref_squeeze %dma_start3A_656 : memref<1x64x256xf32, #tpu.memory_space<hbm>> -> memref<64x256xf32, #tpu.memory_space<hbm>>
      tpu.enqueue_dma source(%arg8 : memref<64x256xf32, #tpu.memory_space<vmem>>) target(%dma_start3A_657 : memref<64x256xf32, #tpu.memory_space<hbm>>) target_semaphore(%arg10 : memref<!tpu.dma_semaphore, #tpu.memory_space<semaphore_mem>>)
      %dma_wait3A_658 = arith.constant 0 : i32
      %dma_wait3A_659 = arith.constant 8192 : i32
      %dma_wait3A_660 = tpu.memref_slice %arg5[%add3A_641, %dma_wait3A_658, %dma_wait3A_659] : memref<64x64x8448xf32, #tpu.memory_space<hbm>> -> memref<1x64x256xf32, #tpu.memory_space<hbm>>
      %dma_wait3A_661 = tpu.memref_squeeze %dma_wait3A_660 : memref<1x64x256xf32, #tpu.memory_space<hbm>> -> memref<64x256xf32, #tpu.memory_space<hbm>>
      %dma_wait3A_662 = arith.constant 0 : i32
      %dma_wait3A_663 = arith.constant 8192 : i32
      %dma_wait3A_664 = tpu.memref_slice %arg5[%add3A_641, %dma_wait3A_662, %dma_wait3A_663] : memref<64x64x8448xf32, #tpu.memory_space<hbm>> -> memref<1x64x256xf32, #tpu.memory_space<hbm>>
      %dma_wait3A_665 = tpu.memref_squeeze %dma_wait3A_664 : memref<1x64x256xf32, #tpu.memory_space<hbm>> -> memref<64x256xf32, #tpu.memory_space<hbm>>
      tpu.wait_dma2 semaphore(%arg10 : memref<!tpu.dma_semaphore, #tpu.memory_space<semaphore_mem>>) src(%arg8 : memref<64x256xf32, #tpu.memory_space<vmem>>) dst(%dma_wait3A_665 : memref<64x256xf32, #tpu.memory_space<hbm>>)
      %dma_wait3A_666 = arith.constant 0 : i32
      %dma_wait3A_667 = tpu.memref_slice %arg5[%add3A_641, %dma_wait3A_666, %mul3A_15] : memref<64x64x8448xf32, #tpu.memory_space<hbm>> -> memref<1x64x256xf32, #tpu.memory_space<hbm>>
      %dma_wait3A_668 = tpu.memref_squeeze %dma_wait3A_667 : memref<1x64x256xf32, #tpu.memory_space<hbm>> -> memref<64x256xf32, #tpu.memory_space<hbm>>
      %dma_wait3A_669 = arith.constant 0 : i32
      %dma_wait3A_670 = tpu.memref_slice %arg5[%add3A_641, %dma_wait3A_669, %mul3A_15] : memref<64x64x8448xf32, #tpu.memory_space<hbm>> -> memref<1x64x256xf32, #tpu.memory_space<hbm>>
      %dma_wait3A_671 = tpu.memref_squeeze %dma_wait3A_670 : memref<1x64x256xf32, #tpu.memory_space<hbm>> -> memref<64x256xf32, #tpu.memory_space<hbm>>
      tpu.wait_dma2 semaphore(%arg10 : memref<!tpu.dma_semaphore, #tpu.memory_space<semaphore_mem>>) src(%arg8 : memref<64x256xf32, #tpu.memory_space<vmem>>) dst(%dma_wait3A_671 : memref<64x256xf32, #tpu.memory_space<hbm>>)
    } else {
    }
    return
  }
}

module attributes {stable_mosaic.version = 14 : i64} {
  func.func @_meta_body(%arg0: memref<4x256xi32, #tpu.memory_space<smem>>, %arg1: memref<128x66xi32, #tpu.memory_space<vmem>>, %arg2: memref<1x1x2xi32, #tpu.memory_space<vmem>>, %arg3: memref<1x1x2x66xi32, #tpu.memory_space<vmem>>, %arg4: memref<1x1x2xi32, #tpu.memory_space<vmem>>, %arg5: memref<1x1x2x66xi32, #tpu.memory_space<vmem>>) attributes {dimension_semantics = [], scalar_prefetch = 0 : i64, scratch_operands = 0 : i64, tpu.core_type = #tpu.core_type<tc>} {
    %get3A = arith.constant 0 : index
    %get3A_0 = arith.constant 0 : index
    %get3A_1 = memref.load %arg0[%get3A, %get3A_0] : memref<4x256xi32, #tpu.memory_space<smem>>
    %add3A = arith.constant 0 : i32
    %add3A_2 = arith.addi %get3A_1, %add3A : i32
    %div3A = arith.constant 1 : i32
    %div3A_3 = arith.divsi %add3A_2, %div3A : i32
    %rem3A = arith.constant 32 : i32
    %rem3A_4 = arith.remsi %div3A_3, %rem3A : i32
    %get3A_5 = arith.constant 0 : index
    %get3A_6 = arith.constant 0 : index
    %get3A_7 = vector.load %arg1[%get3A_5, %get3A_6] : memref<128x66xi32, #tpu.memory_space<vmem>>, vector<128x66xi32>
    %reduce_max3A = arith.constant dense<-2147483648> : vector<66xi32>
    %reduce_max3A_8 = vector.multi_reduction <maxsi>, %get3A_7, %reduce_max3A [0] : vector<128x66xi32> to vector<66xi32>
    %broadcast_in_dim3A = vector.shape_cast %reduce_max3A_8 : vector<66xi32> to vector<1x66xi32>
    %reduce_min3A = arith.constant dense<2147483647> : vector<66xi32>
    %reduce_min3A_9 = vector.multi_reduction <minsi>, %get3A_7, %reduce_min3A [0] : vector<128x66xi32> to vector<66xi32>
    %broadcast_in_dim3A_10 = vector.shape_cast %reduce_min3A_9 : vector<66xi32> to vector<1x66xi32>
    %iota3A = tpu.iota {dimensions = array<i32: 1>} : vector<1x66xi32>
    %mul3A = arith.constant 2 : i32
    %mul3A_11 = arith.muli %rem3A_4, %mul3A : i32
    %ge3A = vector.broadcast %mul3A_11 : i32 to vector<1x66xi32>
    %ge3A_12 = arith.cmpi sge, %iota3A, %ge3A : vector<1x66xi32>
    %add3A_13 = arith.constant 2 : i32
    %add3A_14 = arith.addi %mul3A_11, %add3A_13 : i32
    %lt3A = vector.broadcast %add3A_14 : i32 to vector<1x66xi32>
    %lt3A_15 = arith.cmpi slt, %iota3A, %lt3A : vector<1x66xi32>
    %and3A = arith.andi %ge3A_12, %lt3A_15 : vector<1x66xi1>
    %jit3A = arith.constant 0 : i32
    %broadcast_in_dim3A_16 = vector.broadcast %jit3A : i32 to vector<1x66xi32>
    %select_n3A = arith.select %and3A, %broadcast_in_dim3A_16, %broadcast_in_dim3A : vector<1x66xi1>, vector<1x66xi32>
    %jit3A_17 = arith.constant 0 : i32
    %broadcast_in_dim3A_18 = vector.broadcast %jit3A_17 : i32 to vector<1x66xi32>
    %select_n3A_19 = arith.select %and3A, %broadcast_in_dim3A_18, %broadcast_in_dim3A_10 : vector<1x66xi1>, vector<1x66xi32>
    %sub3A = arith.constant 1 : i32
    %sub3A_20 = vector.broadcast %sub3A : i32 to vector<1x66xi32>
    %sub3A_21 = arith.subi %sub3A_20, %select_n3A_19 : vector<1x66xi32>
    %mul3A_22 = arith.muli %select_n3A, %sub3A_21 : vector<1x66xi32>
    %iota3A_23 = tpu.iota {dimensions = array<i32: 0>} : vector<66x66xi32>
    %iota3A_24 = tpu.iota {dimensions = array<i32: 1>} : vector<66x66xi32>
    %broadcast_in_dim3A_25 = vector.shape_cast %mul3A_22 : vector<1x66xi32> to vector<1x66xi32>
    %broadcast_in_dim3A_26 = vector.broadcast %broadcast_in_dim3A_25 : vector<1x66xi32> to vector<66x66xi32>
    %lt3A_27 = arith.cmpi slt, %iota3A_24, %iota3A_23 : vector<66x66xi32>
    %jit3A_28 = arith.constant 0 : i32
    %broadcast_in_dim3A_29 = vector.broadcast %jit3A_28 : i32 to vector<66x66xi32>
    %select_n3A_30 = arith.select %lt3A_27, %broadcast_in_dim3A_26, %broadcast_in_dim3A_29 : vector<66x66xi1>, vector<66x66xi32>
    %reduce_sum3A = arith.constant dense<0> : vector<66xi32>
    %reduce_sum3A_31 = vector.multi_reduction <add>, %select_n3A_30, %reduce_sum3A [1] : vector<66x66xi32> to vector<66xi32>
    %broadcast_in_dim3A_32 = vector.shape_cast %reduce_sum3A_31 : vector<66xi32> to vector<66x1xi32>
    %sub3A_33 = arith.constant 1 : i32
    %sub3A_34 = vector.broadcast %sub3A_33 : i32 to vector<66x66xi32>
    %sub3A_35 = arith.subi %sub3A_34, %broadcast_in_dim3A_26 : vector<66x66xi32>
    %jit3A_36 = arith.constant 0 : i32
    %broadcast_in_dim3A_37 = vector.broadcast %jit3A_36 : i32 to vector<66x66xi32>
    %select_n3A_38 = arith.select %lt3A_27, %sub3A_35, %broadcast_in_dim3A_37 : vector<66x66xi1>, vector<66x66xi32>
    %reduce_sum3A_39 = arith.constant dense<0> : vector<66xi32>
    %reduce_sum3A_40 = vector.multi_reduction <add>, %select_n3A_38, %reduce_sum3A_39 [1] : vector<66x66xi32> to vector<66xi32>
    %broadcast_in_dim3A_41 = vector.shape_cast %reduce_sum3A_40 : vector<66xi32> to vector<66x1xi32>
    %eq3A = arith.cmpi eq, %iota3A_24, %iota3A_23 : vector<66x66xi32>
    %jit3A_42 = arith.constant 0 : i32
    %broadcast_in_dim3A_43 = vector.broadcast %jit3A_42 : i32 to vector<66x66xi32>
    %select_n3A_44 = arith.select %eq3A, %broadcast_in_dim3A_26, %broadcast_in_dim3A_43 : vector<66x66xi1>, vector<66x66xi32>
    %reduce_sum3A_45 = arith.constant dense<0> : vector<66xi32>
    %reduce_sum3A_46 = vector.multi_reduction <add>, %select_n3A_44, %reduce_sum3A_45 [1] : vector<66x66xi32> to vector<66xi32>
    %broadcast_in_dim3A_47 = vector.shape_cast %reduce_sum3A_46 : vector<66xi32> to vector<66x1xi32>
    %reduce_sum3A_48 = vector.shape_cast %mul3A_22 : vector<1x66xi32> to vector<1x1x66xi32>
    %reduce_sum3A_49 = arith.constant dense<0> : vector<1xi32>
    %reduce_sum3A_50 = vector.multi_reduction <add>, %reduce_sum3A_48, %reduce_sum3A_49 [1, 2] : vector<1x1x66xi32> to vector<1xi32>
    %reduce_sum3A_51 = vector.shape_cast %reduce_sum3A_50 : vector<1xi32> to vector<1x1x1xi32>
    %reduce_sum3A_52 = vector.extract %reduce_sum3A_51[0, 0, 0] : i32 from vector<1x1x1xi32>
    %gt3A = arith.constant 0 : i32
    %gt3A_53 = vector.broadcast %gt3A : i32 to vector<66x1xi32>
    %gt3A_54 = arith.cmpi sgt, %broadcast_in_dim3A_47, %gt3A_53 : vector<66x1xi32>
    %add3A_55 = vector.broadcast %reduce_sum3A_52 : i32 to vector<66x1xi32>
    %add3A_56 = arith.addi %add3A_55, %broadcast_in_dim3A_41 : vector<66x1xi32>
    %select_n3A_57 = arith.select %gt3A_54, %broadcast_in_dim3A_32, %add3A_56 : vector<66x1xi1>, vector<66x1xi32>
    %eq3A_58 = vector.broadcast %select_n3A_57 : vector<66x1xi32> to vector<66x66xi32>
    %eq3A_59 = arith.cmpi eq, %eq3A_58, %iota3A_24 : vector<66x66xi32>
    %jit3A_60 = arith.constant 0 : i32
    %broadcast_in_dim3A_61 = vector.broadcast %jit3A_60 : i32 to vector<66x66xi32>
    %select_n3A_62 = arith.select %eq3A_59, %iota3A_23, %broadcast_in_dim3A_61 : vector<66x66xi1>, vector<66x66xi32>
    %reduce_sum3A_63 = arith.constant dense<0> : vector<66xi32>
    %reduce_sum3A_64 = vector.multi_reduction <add>, %select_n3A_62, %reduce_sum3A_63 [0] : vector<66x66xi32> to vector<66xi32>
    %broadcast_in_dim3A_65 = vector.shape_cast %reduce_sum3A_64 : vector<66xi32> to vector<1x66xi32>
    %broadcast_in_dim3A_66 = vector.shape_cast %select_n3A_19 : vector<1x66xi32> to vector<1x66xi32>
    %broadcast_in_dim3A_67 = vector.broadcast %broadcast_in_dim3A_66 : vector<1x66xi32> to vector<66x66xi32>
    %lt3A_68 = arith.cmpi slt, %iota3A_24, %iota3A_23 : vector<66x66xi32>
    %jit3A_69 = arith.constant 0 : i32
    %broadcast_in_dim3A_70 = vector.broadcast %jit3A_69 : i32 to vector<66x66xi32>
    %select_n3A_71 = arith.select %lt3A_68, %broadcast_in_dim3A_67, %broadcast_in_dim3A_70 : vector<66x66xi1>, vector<66x66xi32>
    %reduce_sum3A_72 = arith.constant dense<0> : vector<66xi32>
    %reduce_sum3A_73 = vector.multi_reduction <add>, %select_n3A_71, %reduce_sum3A_72 [1] : vector<66x66xi32> to vector<66xi32>
    %broadcast_in_dim3A_74 = vector.shape_cast %reduce_sum3A_73 : vector<66xi32> to vector<66x1xi32>
    %sub3A_75 = arith.constant 1 : i32
    %sub3A_76 = vector.broadcast %sub3A_75 : i32 to vector<66x66xi32>
    %sub3A_77 = arith.subi %sub3A_76, %broadcast_in_dim3A_67 : vector<66x66xi32>
    %jit3A_78 = arith.constant 0 : i32
    %broadcast_in_dim3A_79 = vector.broadcast %jit3A_78 : i32 to vector<66x66xi32>
    %select_n3A_80 = arith.select %lt3A_68, %sub3A_77, %broadcast_in_dim3A_79 : vector<66x66xi1>, vector<66x66xi32>
    %reduce_sum3A_81 = arith.constant dense<0> : vector<66xi32>
    %reduce_sum3A_82 = vector.multi_reduction <add>, %select_n3A_80, %reduce_sum3A_81 [1] : vector<66x66xi32> to vector<66xi32>
    %broadcast_in_dim3A_83 = vector.shape_cast %reduce_sum3A_82 : vector<66xi32> to vector<66x1xi32>
    %eq3A_84 = arith.cmpi eq, %iota3A_24, %iota3A_23 : vector<66x66xi32>
    %jit3A_85 = arith.constant 0 : i32
    %broadcast_in_dim3A_86 = vector.broadcast %jit3A_85 : i32 to vector<66x66xi32>
    %select_n3A_87 = arith.select %eq3A_84, %broadcast_in_dim3A_67, %broadcast_in_dim3A_86 : vector<66x66xi1>, vector<66x66xi32>
    %reduce_sum3A_88 = arith.constant dense<0> : vector<66xi32>
    %reduce_sum3A_89 = vector.multi_reduction <add>, %select_n3A_87, %reduce_sum3A_88 [1] : vector<66x66xi32> to vector<66xi32>
    %broadcast_in_dim3A_90 = vector.shape_cast %reduce_sum3A_89 : vector<66xi32> to vector<66x1xi32>
    %reduce_sum3A_91 = vector.shape_cast %select_n3A_19 : vector<1x66xi32> to vector<1x1x66xi32>
    %reduce_sum3A_92 = arith.constant dense<0> : vector<1xi32>
    %reduce_sum3A_93 = vector.multi_reduction <add>, %reduce_sum3A_91, %reduce_sum3A_92 [1, 2] : vector<1x1x66xi32> to vector<1xi32>
    %reduce_sum3A_94 = vector.shape_cast %reduce_sum3A_93 : vector<1xi32> to vector<1x1x1xi32>
    %reduce_sum3A_95 = vector.extract %reduce_sum3A_94[0, 0, 0] : i32 from vector<1x1x1xi32>
    %gt3A_96 = arith.constant 0 : i32
    %gt3A_97 = vector.broadcast %gt3A_96 : i32 to vector<66x1xi32>
    %gt3A_98 = arith.cmpi sgt, %broadcast_in_dim3A_90, %gt3A_97 : vector<66x1xi32>
    %add3A_99 = vector.broadcast %reduce_sum3A_95 : i32 to vector<66x1xi32>
    %add3A_100 = arith.addi %add3A_99, %broadcast_in_dim3A_83 : vector<66x1xi32>
    %select_n3A_101 = arith.select %gt3A_98, %broadcast_in_dim3A_74, %add3A_100 : vector<66x1xi1>, vector<66x1xi32>
    %eq3A_102 = vector.broadcast %select_n3A_101 : vector<66x1xi32> to vector<66x66xi32>
    %eq3A_103 = arith.cmpi eq, %eq3A_102, %iota3A_24 : vector<66x66xi32>
    %jit3A_104 = arith.constant 0 : i32
    %broadcast_in_dim3A_105 = vector.broadcast %jit3A_104 : i32 to vector<66x66xi32>
    %select_n3A_106 = arith.select %eq3A_103, %iota3A_23, %broadcast_in_dim3A_105 : vector<66x66xi1>, vector<66x66xi32>
    %reduce_sum3A_107 = arith.constant dense<0> : vector<66xi32>
    %reduce_sum3A_108 = vector.multi_reduction <add>, %select_n3A_106, %reduce_sum3A_107 [0] : vector<66x66xi32> to vector<66xi32>
    %broadcast_in_dim3A_109 = vector.shape_cast %reduce_sum3A_108 : vector<66xi32> to vector<1x66xi32>
    %broadcast_in_dim3A_110 = vector.broadcast %reduce_sum3A_52 : i32 to vector<1x1x2xi32>
    %swap3A = arith.constant 0 : index
    %swap3A_111 = arith.constant 0 : index
    %swap3A_112 = arith.constant 0 : index
    %swap3A_113 = vector.load %arg2[%swap3A, %swap3A_111, %swap3A_112] : memref<1x1x2xi32, #tpu.memory_space<vmem>>, vector<1x1x2xi32>
    tpu.vector_store %arg2[%swap3A, %swap3A_111, %swap3A_112], %broadcast_in_dim3A_110 {strides = array<i32>} : memref<1x1x2xi32, #tpu.memory_space<vmem>>, vector<1x1x2xi32>,
    %reshape3A = vector.shape_cast %broadcast_in_dim3A_65 : vector<1x66xi32> to vector<1x1x1x66xi32>
    %broadcast_in_dim3A_114 = vector.shape_cast %reshape3A : vector<1x1x1x66xi32> to vector<1x1x1x66xi32>
    %broadcast_in_dim3A_115 = vector.broadcast %broadcast_in_dim3A_114 : vector<1x1x1x66xi32> to vector<1x1x2x66xi32>
    %swap3A_116 = arith.constant 0 : index
    %swap3A_117 = arith.constant 0 : index
    %swap3A_118 = arith.constant 0 : index
    %swap3A_119 = arith.constant 0 : index
    %swap3A_120 = vector.load %arg3[%swap3A_116, %swap3A_117, %swap3A_118, %swap3A_119] : memref<1x1x2x66xi32, #tpu.memory_space<vmem>>, vector<1x1x2x66xi32>
    tpu.vector_store %arg3[%swap3A_116, %swap3A_117, %swap3A_118, %swap3A_119], %broadcast_in_dim3A_115 {strides = array<i32>} : memref<1x1x2x66xi32, #tpu.memory_space<vmem>>, vector<1x1x2x66xi32>,
    %broadcast_in_dim3A_121 = vector.broadcast %reduce_sum3A_95 : i32 to vector<1x1x2xi32>
    %swap3A_122 = arith.constant 0 : index
    %swap3A_123 = arith.constant 0 : index
    %swap3A_124 = arith.constant 0 : index
    %swap3A_125 = vector.load %arg4[%swap3A_122, %swap3A_123, %swap3A_124] : memref<1x1x2xi32, #tpu.memory_space<vmem>>, vector<1x1x2xi32>
    tpu.vector_store %arg4[%swap3A_122, %swap3A_123, %swap3A_124], %broadcast_in_dim3A_121 {strides = array<i32>} : memref<1x1x2xi32, #tpu.memory_space<vmem>>, vector<1x1x2xi32>,
    %reshape3A_126 = vector.shape_cast %broadcast_in_dim3A_109 : vector<1x66xi32> to vector<1x1x1x66xi32>
    %broadcast_in_dim3A_127 = vector.shape_cast %reshape3A_126 : vector<1x1x1x66xi32> to vector<1x1x1x66xi32>
    %broadcast_in_dim3A_128 = vector.broadcast %broadcast_in_dim3A_127 : vector<1x1x1x66xi32> to vector<1x1x2x66xi32>
    %swap3A_129 = arith.constant 0 : index
    %swap3A_130 = arith.constant 0 : index
    %swap3A_131 = arith.constant 0 : index
    %swap3A_132 = arith.constant 0 : index
    %swap3A_133 = vector.load %arg5[%swap3A_129, %swap3A_130, %swap3A_131, %swap3A_132] : memref<1x1x2x66xi32, #tpu.memory_space<vmem>>, vector<1x1x2x66xi32>
    tpu.vector_store %arg5[%swap3A_129, %swap3A_130, %swap3A_131, %swap3A_132], %broadcast_in_dim3A_128 {strides = array<i32>} : memref<1x1x2x66xi32, #tpu.memory_space<vmem>>, vector<1x1x2x66xi32>,
    return
  }
}

</mosaic_0001>

<sc_bundles>
// kernel: kernel.4.cloned.1.call-start
scs
__scs_entry_jumppad:
0x0: {  	(pc) =	sbr.rel $0x88, $3  }
0x1: {  	(tag) =	ssettag $0x0;
	lr =	simm.s32 $0x1  }
0x2: {  	[smem:$0x3F9E] =	sst lr;
	_ =	strace $0xD0000000  }
0x3: {  	_ = 	snop  }
0x4: {  	_ = 	snop  }
0x5: {  	_ = 	snop  }
0x6: {  	_ = 	snop  }
0x7: {  	_ = 	snop  }
__scs_overlays_trampoline_lowered:
0x8: {  	[smem:$0x3FAD] =	sst s0  }
0x9: {  	[smem:$0x3FAE] =	sst s1  }
0xa: {  	[smem:$0x3FAF] =	sst s2  }
0xb: {  	[smem:$0x3FB0] =	sst s3  }
0xc: {  	[smem:$0x3FB1] =	sst s4  }
0xd: {  	[smem:$0x3FB2] =	sst s5  }
0xe: {  	[smem:$0x3FB3] =	sst s6  }
0xf: {  	[smem:$0x3FB4] =	sst s7  }
0x10: {  	[smem:$0x3FB5] =	sst s8  }
0x11: {  	[smem:$0x3FB6] =	sst s9;
	s0 =	simm.s32 @!p0 $0x0  }
0x12: {  	s1 =	sld [smem:$0x3F9C];
	s0 =	simm.s32 @p0 $0x1  }
0x13: {  	[smem:$0x3FB7] =	sst s0;
	s0 =	simm.s32 @!p1 $0x0  }
0x14: {  	s2 =	sld [smem:$0x3F9B];
	s0 =	simm.s32 @p1 $0x1  }
0x15: {  	[smem:$0x3FB8] =	sst s0;
	s0 =	simm.s32 @!p2 $0x0  }
0x16: {  	s3 =	sld [smem:$0x3FDB];
	s0 =	simm.s32 @p2 $0x1  }
0x17: {  	s4 =	simm.s32 $0x1BF5;
	[smem:$0x3FBA] =	sst s0  }
0x18: {  	s0 =	sld [smem:$0x3F9D];
	_ =	swait.ge [sflag:s4], $0x0  }
0x19: {  	s7 =	sld [smem:$0x3F9E]  }
0x1a: {  	s8 =	sadd.s32 $0xFFFFE003, lr  }
0x1b: {  	s9 =	sadd.s32 $0xFFFFFEF7, lr;
	s5 =	simm.s32 $0xFFFFFFFF;
	p2 =	slt.u32 s8, $0xFFFFF086  }
0x1c: {  	p1 =	slt.u32 s9, $0xF7A;
	s5 =	simm.s32 @!p2 $0x0  }
0x1d: {  	s5 =	simm.s32 @p1 $0x1;
	p0 =	seq.s32 s7, s2  }
0x1e: {  	s7 =	smul.u32 @!p0 $0xF7A, s2;
	p2 =	seq.s32 @!p0 s5, $0x0  }
0x1f: {  	s9 =	smul.u32 $0xF7A, s1;
	s8 =	simm.s32 @!p0 $0x1BF5;
	p2 =	por !p2, p0  }
0x20: {  	[sflag:s8] =	ssyncset.s32 @!p0 $0xFFFFF086;
	s6 =	sadd.s32 @!p0 s3, s7;
	s7 =	simm.s32 @!p0 $0x108  }
0x21: {  	s3 =	sadd.s32 s3, s9;
	s6 =	sadd.s32 @!p0 $0x88, s6;
	s7 =	simm.s32 @p2 $0x1082  }
0x22: {  	[simem:s7], [sflag:s8] =	dma.local @!p0 [hbm:s6], $0xF7A  }
0x23: {  	s9 =	sor.u32 $0xD0000000, s2;
	s6 =	simm.s32 $0x108;
	_ =	swait.ge @!p0 [sflag:s8], $0x0  }
0x24: {  	s3 =	sadd.s32 $0x88, s3;
	s6 =	simm.s32 @!p1 $0x1082;
	[sflag:s4] =	ssyncset.s32 $0xFFFFF086  }
0x25: {  	[simem:s6], [sflag:s4] =	dma.local [hbm:s3], $0xF7A  }
0x26: {  	[smem:$0x3F9E] =	sst s1;
	(tag) =	ssettag s2;
	_ =	strace s9  }
0x27: {  	s1 =	sld [smem:$0x3FAE]  }
0x28: {  	s2 =	sld [smem:$0x3FAF]  }
0x29: {  	s4 =	sld [smem:$0x3FB1]  }
0x2a: {  	p0 =	seq.s32 s5, $0x0;
	s5 =	sld [smem:$0x3FB2]  }
0x2b: {  	s6 =	sld [smem:$0x3FB3]  }
0x2c: {  	s7 =	sld [smem:$0x3FB4]  }
0x2d: {  	s3 =	simm.s32 $0x108;
	s8 =	sld [smem:$0x3FB5]  }
0x2e: {  	s3 =	simm.s32 @!p0 $0x1082;
	s9 =	sld [smem:$0x3FB6]  }
0x2f: {  	lr =	sadd.s32 s0, s3;
	s0 =	sld [smem:$0x3FAD]  }
0x30: {  	s3 =	sld [smem:$0x3FB0]  }
0x31: {  	[smem:$0x3FB9] =	sst s10  }
0x32: {  	s10 =	sld [smem:$0x3FB7];
	_ =	sdelay $0x3  }
0x33: {  	p0 =	seq.s32 s10, $0x1;
	s10 =	sld [smem:$0x3FB9];
	_ =	sdelay $0x3  }
0x34: {  	[smem:$0x3FB9] =	sst s10  }
0x35: {  	s10 =	sld [smem:$0x3FB8];
	_ =	sdelay $0x3  }
0x36: {  	p1 =	seq.s32 s10, $0x1;
	s10 =	sld [smem:$0x3FB9];
	_ =	sdelay $0x3  }
0x37: {  	[smem:$0x3FB9] =	sst s10  }
0x38: {  	s10 =	sld [smem:$0x3FBA]  }
0x39: {  	_ = 	snop;
	(pc) =	sbr.ind lr, $3  }
0x3a: {  	_ = 	snop  }
0x3b: {  	_ = 	snop  }
0x3c: {  	p2 =	seq.s32 s10, $0x1;
	s10 =	sld [smem:$0x3FB9]  }
0x3d: {  	_ =	shalt  }
0x3e: {  	_ =	shalt  }
0x3f: {  	_ =	shalt  }
0x40: {  	_ =	shalt  }
0x41: {  	_ =	shalt  }
0x42: {  	_ =	shalt  }
0x43: {  	_ =	shalt  }
0x44: {  	_ =	shalt  }
0x45: {  	_ =	shalt  }
0x46: {  	_ =	shalt  }
0x47: {  	_ =	shalt  }
0x48: {  	_ =	shalt  }
0x49: {  	_ =	shalt  }
0x4a: {  	_ =	shalt  }
0x4b: {  	_ =	shalt  }
0x4c: {  	_ =	shalt  }
0x4d: {  	_ =	shalt  }
0x4e: {  	_ =	shalt  }
0x4f: {  	_ =	shalt  }
0x50: {  	_ =	shalt  }
0x51: {  	_ =	shalt  }
0x52: {  	_ =	shalt  }
0x53: {  	_ =	shalt  }
0x54: {  	_ =	shalt  }
0x55: {  	_ =	shalt  }
0x56: {  	_ =	shalt  }
0x57: {  	_ =	shalt  }
0x58: {  	_ =	shalt  }
0x59: {  	_ =	shalt  }
0x5a: {  	_ =	shalt  }
0x5b: {  	_ =	shalt  }
0x5c: {  	_ =	shalt  }
0x5d: {  	_ =	shalt  }
0x5e: {  	_ =	shalt  }
0x5f: {  	_ =	shalt  }
0x60: {  	_ =	shalt  }
0x61: {  	_ =	shalt  }
0x62: {  	_ =	shalt  }
0x63: {  	_ =	shalt  }
0x64: {  	_ =	shalt  }
0x65: {  	_ =	shalt  }
0x66: {  	_ =	shalt  }
0x67: {  	_ =	shalt  }
0x68: {  	_ =	shalt  }
0x69: {  	_ =	shalt  }
0x6a: {  	_ =	shalt  }
0x6b: {  	_ =	shalt  }
0x6c: {  	_ =	shalt  }
0x6d: {  	_ =	shalt  }
0x6e: {  	_ =	shalt  }
0x6f: {  	_ =	shalt  }
0x70: {  	_ =	shalt  }
0x71: {  	_ =	shalt  }
0x72: {  	_ =	shalt  }
0x73: {  	_ =	shalt  }
0x74: {  	_ =	shalt  }
0x75: {  	_ =	shalt  }
0x76: {  	_ =	shalt  }
0x77: {  	_ =	shalt  }
0x78: {  	_ =	shalt  }
0x79: {  	_ =	shalt  }
0x7a: {  	_ =	shalt  }
0x7b: {  	_ =	shalt  }
0x7c: {  	_ =	shalt  }
0x7d: {  	_ =	shalt  }
0x7e: {  	_ =	shalt  }
0x7f: {  	_ =	shalt  }
0x80: {  	_ =	shalt  }
0x81: {  	_ =	shalt  }
0x82: {  	_ =	shalt  }
0x83: {  	_ =	shalt  }
0x84: {  	_ =	shalt  }
0x85: {  	_ =	shalt  }
0x86: {  	_ =	shalt  }
0x87: {  	_ =	shalt  }
.Lfunc_end0:
.L_simem_size_0:
called_computation_lowered:
.L_overlay_start_0:
0x88: {  	s2 =	sld [smem:$0x3FD9]  }
0x89: {  	s3 =	sld [smem:$0x3FFE];
	_ =	sdelay $0x1  }
0x8a: {  	s1 =	srdreg.scid  }
0x8b: {  	s0 =	sand.u32 $0x1, s1  }
0x8c: {  	s15 =	sshll.u32 s0, $0xA;
	s2 =	sadd.s32 s3, s2  }
0x8d: {  	s2 =	sadd.s32 s2, s15  }
0x8e: {  	[smem:$0x3FC5] =	sst s2  }
0x8f: {  	_ = 	snop  }
0x90: {  	s2 =	sld [smem:$0x3FD0];
	_ =	sdelay $0x1  }
0x91: {  	s16 =	sld [smem:$0x3FC9]  }
0x92: {  	s5 =	simm.s32 $0xA;
	s6 =	simm.s32 $0x10;
	s4 =	sld [smem:$0x3FC8]  }
0x93: {  	[smem:s6], [sflag:s5] =	dma.local [hbm:s2], $0x1  }
0x94: {  	_ =	swait.eq [sflag:s5], $0x1  }
0x95: {  	[sflag:s5] =	ssyncset.done $0x0  }
0x96: {  	s17 =	sld [smem:$0x10];
	[sflag:s5] =	ssyncadd.s32 $0xFFFFFFFF  }
0x97: {  	s18 =	sld [smem:$0x11];
	(tm) =	ssettm $0x1  }
0x98: {  	s19 =	sld [smem:$0x3FFB];
	_ =	sdelay $0x3  }
0x99: {  	_ =	strace s19  }
0x9a: {  	s6 =	sld [smem:$0x3FFC];
	_ =	sdelay $0x3  }
0x9b: {  	_ =	strace s6  }
0x9c: {  	s6 =	sld [smem:$0x3FFD];
	_ =	sdelay $0x3  }
0x9d: {  	_ =	strace s6  }
0x9e: {  	_ =	strace $0x8FFFFFFF  }
0x9f: {  	s20 =	sld [smem:$0x3FDB];
	_ =	sdelay $0x1  }
0xa0: {  	s7 =	simm.s32 $_scs_section_size  }
0xa1: {  	s8 =	simm.s32 $_size__tile_overlayer_lowered;
	s9 =	simm.s32 $_tile_overlayer_lowered  }
0xa2: {  	s23 =	simm.s32 $0x1BFF;
	s22 =	sshll.u32 s9, $0x1;
	s6 =	sadd.s32 s7, s20  }
0xa3: {  	s10 =	simm.s32 $0x0;
	s21 =	sshll.u32 s8, $0x1;
	s8 =	sadd.s32 s22, s6  }
0xa4: {  	[timem:s10], [sflag:s23] =	dma.local [hbm:s8], s21  }
0xa5: {  	_ =	swait.ge [sflag:s23], s21  }
0xa6: {  	s7 =	ssub.s32 $0x0, s21;
	[sflag:s23] =	ssyncset.done $0x0  }
0xa7: {  	[sflag:s23] =	ssyncadd.s32 s7;
	_ =	sdelay $0x1  }
0xa8: {  	s24 =	simm.s32 $0x1B8B  }
0xa9: {  	_ =	swait.ge [sflag:s24], $0x1  }
0xaa: {  	[sflag:s24] =	ssyncset.done $0x0  }
0xab: {  	s25 =	simm.s32 $0x1B8E;
	[sflag:s24] =	ssyncadd.s32 $0xFFFFFFFF  }
0xac: {  	s26 =	simm.s32 $execute0_lowered;
	[smem:$0x3FD2] =	sst s25  }
0xad: {  	s7 =	sshll.u32 s26, $0x1;
	_ =	strace $0x80000046;
	[dreg:$0x1] =	wrdreg $0xFFFFFFFF  }
0xae: {  	s28 =	simm.s32 $_size_execute0_lowered;
	s6 =	sadd.s32 s6, s7;
	[dreg:$0x0] =	wrdreg $0x0  }
0xaf: {  	s7 =	sshll.u32 s28, $0x1;
	[dreg:$0x2] =	wrdreg s6  }
0xb0: {  	[dreg:$0x3] =	wrdreg s7  }
0xb1: {  	[dreg:$0x4] =	wrdreg $0xC0  }
0xb2: {  	_ =	task [dreg:s10], $0x5FFFF  }
0xb3: {  	[dreg:$0x1] =	wrdreg $0xFFFFFFFF  }
0xb4: {  	[dreg:$0x0] =	wrdreg $0x60  }
0xb5: {  	[dreg:$0x2] =	wrdreg s4  }
0xb6: {  	[dreg:$0x3] =	wrdreg s16  }
0xb7: {  	[dreg:$0x4] =	wrdreg s17  }
0xb8: {  	[dreg:$0x5] =	wrdreg s18  }
0xb9: {  	[dreg:$0x6] =	wrdreg $0x9  }
0xba: {  	_ =	task.clear_ibuf [dreg:s10], $0x7FFFF;
	_ =	strace $0x90000046  }
0xbb: {  	s29 =	simm.s32 $0x9;
	_ =	strace $0x80000048  }
0xbc: {  	_ =	swait.ge [sflag:s29], $0x1  }
0xbd: {  	[sflag:s29] =	ssyncadd.s32 $0xFFFFFFFF  }
0xbe: {  	_ =	strace $0x90000048  }
0xbf: {  	_ =	sfence  }
0xc0: {  	s30 =	sld [smem:$0x0];
	_ =	sdelay $0x2  }
0xc1: {  	s31 =	sshll.u32 s1, $0xD;
	s1 =	sshrl.u32 s1, $0x2  }
0xc2: {  	s3 =	sand.u32 $0x4000, s31;
	s1 =	sadd.s32 s1, s30  }
0xc3: {  	s0 =	sor.u32 s3, s0;
	s1 =	sshll.u32 s1, $0x11  }
0xc4: {  	s0 =	sor.u32 s1, s0  }
0xc5: {  	s0 =	sadd.s32 $0x8F2B, s0  }
0xc6: {  	[sflag:s0] =	ssyncadd.remote.s32 $0x1  }
0xc7: {  	_ =	sfence.sel $0xFFFF  }
0xc8: {  	[dreg:$0x0] =	wrdreg $0xFFFFFFFF;
	(pc) =	sbr.abs _section_cstart, $3  }
0xc9: {  	[dreg:$0x1] =	wrdreg $0xFFFFFFFF  }
0xca: {  	_ =	task.clear_ibuf [dreg:s10], $0x2FFFF;
	_ =	strace $0x9FFFFFFF  }
0xcb: {  	(tm) =	ssettm $0x7FFFFFFF  }
tec
execute0_lowered:
.L_overlay_start_1:
0x0: {  	(tag) =	ssettag $0x1  }
0x1: {  	s0 =	srdreg.scid;
	s1 =	stileid.u32  }
0x2: {  	s16 =	rddreg [dreg:$0x2];
	s19 =	stileid.u32  }
0x3: {  	s2 =	rddreg [dreg:$0x3];
	s17 =	stileid.u32  }
0x4: {  	s9 =	sand.u32 $0x1, s0;
	s4 =	smul.u32 $0x210000, s1;
	s15 =	sadd.s32 $0x400, s2  }
0x5: {  	s10 =	sadd.s32 $0x800, s2;
	s11 =	sadd.s32 $0xC00, s2;
	s12 =	sadd.s32 $0x1000, s2  }
0x6: {  	s3 =	sshll.u32 s19, $0x2;
	s18 =	sadd.s32 $0x400, s16;
	s13 =	sadd.s32 $0xC00, s16  }
0x7: {  	s22 =	sadd.s32 $0x1000, s16;
	s24 =	sadd.s32 $0x1400, s16;
	p0 =	seq.s32 s9, $0x0  }
0x8: {  	s5 =	sor.u32 $0x2, s3;
	s8 =	sor.u32 $0x1, s3;
	s14 =	sshrl.u32 s4, $0x3  }
0x9: {  	s28 =	sadd.s32 $0x84000, s4;
	s30 =	sadd.s32 $0x108000, s4;
	s7 =	smul.u32 $0x84000, s5  }
0xa: {  	[dreg:$0x5] =	wrdreg s4;
	s31 =	sadd.s32 $0x18C000, s4;
	s4 =	smul.u32 $0x84000, s8  }
0xb: {  	s11 =	smov.u32 @p0 s13;
	s15 =	smov.u32 @p0 s18;
	s12 =	smov.u32 @p0 s22  }
0xc: {  	s8 =	sshll.u32 s8, $0xB;
	s20 =	sshrl.u32 s28, $0x3;
	s21 =	sshrl.u32 s30, $0x3  }
0xd: {  	s6 =	sshrl.u32 s31, $0x3;
	s11 =	sadd.s32 s14, s11;
	s12 =	sadd.s32 s14, s12  }
0xe: {  	s29 =	sadd.s32 s2, s20;
	[smem:$0x7FB] =	sst s7;
	s0 =	sadd.s32 s2, s21  }
0xf: {  	s1 =	sadd.s32 s2, s6;
	s6 =	sadd.s32 $0x800, s16;
	s7 =	sshrl.u32 s7, $0x3  }
0x10: {  	s23 =	sshrl.u32 s4, $0x3;
	s28 =	smov.u32 @p0 s4;
	s3 =	sadd.s32 s16, s7  }
0x11: {  	s19 =	sadd.s32 s7, s18;
	s10 =	smov.u32 @p0 s6;
	s20 =	sadd.s32 s7, s6  }
0x12: {  	s21 =	sadd.s32 s7, s13;
	s7 =	sshllo.u32 s17, $0x2;
	s13 =	sadd.s32 $0x1400, s2  }
0x13: {  	s6 =	sadd.s32 s2, s14;
	s2 =	smov.u32 @p0 s16;
	s17 =	sadd.s32 s16, s23  }
0x14: {  	s22 =	sadd.s32 s23, s22;
	[dreg:$0x6] =	wrdreg s28;
	s29 =	smov.u32 @p0 s17  }
0x15: {  	s26 =	smul.u32 $0x84000, s7;
	s0 =	smov.u32 @p0 s3;
	[dreg:$0x7] =	wrdreg s29  }
0x16: {  	s13 =	smov.u32 @p0 s24;
	s7 =	sshll.u32 s7, $0xB;
	[dreg:$0x9] =	wrdreg s0  }
0x17: {  	s10 =	sadd.s32 s14, s10;
	s0 =	sld [smem:$0x7FB];
	s25 =	sshrl.u32 s26, $0x3  }
0x18: {  	s29 =	sshll.u32 s9, $0x11;
	s16 =	sadd.s32 s16, s25;
	s25 =	sadd.s32 s25, s18  }
0x19: {  	s18 =	sadd.s32 s23, s18;
	s23 =	sadd.s32 s23, s24;
	s24 =	sadd.s32 $0x10C00, s6  }
0x1a: {  	s13 =	sadd.s32 s14, s13;
	s31 =	smov.u32 @p0 s26;
	s24 =	smov.u32 @p0 s18  }
0x1b: {  	s18 =	sadd.s32 $0x800, s17;
	s30 =	smov.u32 @p0 s0;
	[dreg:$0xb] =	wrdreg s24  }
0x1c: {  	s1 =	smov.u32 @p0 s16;
	s24 =	sadd.s32 $0x11000, s6;
	[dreg:$0x8] =	wrdreg s30  }
0x1d: {  	s26 =	simm.s32 $0x0;
	[dreg:$0xa] =	wrdreg s1;
	s24 =	smov.u32 @p0 s18  }
0x1e: {  	s18 =	sadd.s32 $0xC00, s17;
	[dreg:$0xc] =	wrdreg s24;
	s24 =	sadd.s32 $0x11400, s6  }
0x1f: {  	s1 =	smov.u32 s31;
	s24 =	smov.u32 @p0 s18;
	s18 =	sadd.s32 $0x11800, s6  }
0x20: {  	[dreg:$0xd] =	wrdreg s24;
	s24 =	sadd.s32 $0x11C00, s6;
	s18 =	smov.u32 @p0 s22  }
0x21: {  	s22 =	sadd.s32 $0x1C00, s17;
	[dreg:$0xe] =	wrdreg s18;
	s24 =	smov.u32 @p0 s23  }
0x22: {  	s23 =	sadd.s32 $0x12000, s6;
	s18 =	sadd.s32 $0x1800, s17;
	[dreg:$0xf] =	wrdreg s24  }
0x23: {  	s24 =	sadd.s32 $0x12400, s6;
	s23 =	smov.u32 @p0 s18;
	s18 =	sadd.s32 $0x21400, s6  }
0x24: {  	[dreg:$0x10] =	wrdreg s23;
	s24 =	smov.u32 @p0 s22;
	s18 =	smov.u32 @p0 s19  }
0x25: {  	s19 =	sadd.s32 $0x21C00, s6;
	s22 =	stileid.u32;
	s23 =	ssub.s32 $0x2, s9  }
0x26: {  	s9 =	sadd.s32 s14, s15;
	[dreg:$0x12] =	wrdreg s18;
	s18 =	sadd.s32 $0x21800, s6  }
0x27: {  	s19 =	smov.u32 @p0 s21;
	s21 =	sadd.s32 $0x22400, s6;
	s18 =	smov.u32 @p0 s20  }
0x28: {  	[dreg:$0x14] =	wrdreg s19;
	s20 =	sadd.s32 $0x22000, s6;
	s19 =	sadd.s32 $0x1400, s3  }
0x29: {  	[dreg:$0x13] =	wrdreg s18;
	s18 =	sadd.s32 $0x1000, s3;
	s21 =	smov.u32 @p0 s19  }
0x2a: {  	s19 =	sadd.s32 $0x1C00, s3;
	s20 =	smov.u32 @p0 s18;
	[dreg:$0x16] =	wrdreg s21  }
0x2b: {  	s18 =	sadd.s32 $0x1800, s3;
	[dreg:$0x15] =	wrdreg s20;
	s20 =	sadd.s32 $0x22800, s6  }
0x2c: {  	s21 =	sadd.s32 $0x22C00, s6;
	s20 =	smov.u32 @p0 s18;
	s18 =	sadd.s32 $0x31C00, s6  }
0x2d: {  	s14 =	sadd.s32 s2, s14;
	s21 =	smov.u32 @p0 s19;
	s18 =	smov.u32 @p0 s25  }
0x2e: {  	s19 =	sadd.s32 $0x32000, s6;
	[dreg:$0x19] =	wrdreg s18;
	s18 =	sadd.s32 $0x800, s16  }
0x2f: {  	[dreg:$0x11] =	wrdreg s24;
	s24 =	sshrl.u32 s23, $0x1;
	s19 =	smov.u32 @p0 s18  }
0x30: {  	s18 =	sadd.s32 $0xC00, s16;
	[dreg:$0x1a] =	wrdreg s19;
	s19 =	sadd.s32 $0x32400, s6  }
0x31: {  	s15 =	sadd.s32 $0x1800, s14;
	s3 =	sadd.s32 $0x2000, s3;
	s19 =	smov.u32 @p0 s18  }
0x32: {  	s18 =	sadd.s32 $0x1000, s16;
	[dreg:$0x1b] =	wrdreg s19;
	s19 =	sadd.s32 $0x32800, s6  }
0x33: {  	[dreg:$0x18] =	wrdreg s21;
	s21 =	simm.s32 $0x80;
	s19 =	smov.u32 @p0 s18  }
0x34: {  	s18 =	sadd.s32 $0x1400, s16;
	[dreg:$0x1c] =	wrdreg s19;
	s19 =	sadd.s32 $0x32C00, s6  }
0x35: {  	[dreg:$0x17] =	wrdreg s20;
	s20 =	ssub.s32 s23, s24;
	s19 =	smov.u32 @p0 s18  }
0x36: {  	s18 =	sadd.s32 $0x1800, s16;
	[dreg:$0x1d] =	wrdreg s19;
	s19 =	sadd.s32 $0x33000, s6  }
0x37: {  	s25 =	sshll.u32 s5, $0xB;
	s5 =	sadd.s32 $0x12800, s6;
	s19 =	smov.u32 @p0 s18  }
0x38: {  	s18 =	sadd.s32 $0x1C00, s16;
	[dreg:$0x1e] =	wrdreg s19;
	s19 =	sadd.s32 $0x33400, s6  }
0x39: {  	s23 =	simm.s32 $0x10080;
	s19 =	smov.u32 @p0 s18;
	s18 =	rddreg [dreg:$0x1]  }
0x3a: {  	s24 =	simm.s32 $0x800;
	[dreg:$0x1f] =	wrdreg s19;
	s19 =	sshll.u32 s22, $0xD  }
0x3b: {  	s31 =	smax.u32 s20, $0x1;
	s20 =	simm.s32 $0x10800;
	s19 =	sadd.s32 s19, s18  }
0x3c: {  	s16 =	sadd.s32 $0x2000, s16;
	s8 =	sadd.s32 s18, s8;
	s22 =	sadd.s32 $0x20800, s19  }
0x3d: {  	s4 =	sadd.s32 $0x21000, s19;
	s30 =	sadd.s32 s29, s19;
	s22 =	smov.u32 @p0 s8  }
0x3e: {  	s8 =	sadd.s32 $0x2000, s17;
	s17 =	sadd.s32 s18, s7;
	[smem:$0x7FC] =	sst s30  }
0x3f: {  	s7 =	sadd.s32 $0x23000, s6;
	[smem:$0x7F9] =	sst s22;
	s5 =	smov.u32 @p0 s8  }
0x40: {  	s8 =	sadd.s32 s18, s25;
	s7 =	smov.u32 @p0 s3;
	s3 =	sadd.s32 $0x21800, s19  }
0x41: {  	s18 =	simm.s32 $0x3;
	s19 =	simm.s32 $0x2000;
	s22 =	simm.s32 $0x1  }
0x42: {  	s25 =	simm.s32 $0x2;
	[smem:$0x7FA] =	sst s5;
	s4 =	smov.u32 @p0 s8  }
0x43: {  	s3 =	smov.u32 @p0 s17;
	s8 =	simm.s32 $0x0;
	s5 =	sadd.s32 $0x33800, s6  }
0x44: {  	s17 =	sadd.s32 $0x2000, s14;
	[smem:$0x7FF] =	sst s8;
	s5 =	smov.u32 @p0 s16  }
0x45: {  	v0 =	vimm.f32 $0.0e+00;
	s16 =	sadd.s32 $0x1C00, s14;
	_ =	strace $0x80000047;
	[smem:$0x7FD] =	sst s31  }
.LBB2_1:
0x46: {  	s28 =	simm.s32 $0xFFFF0000  }
0x47: {  	s29 =	simm.s32 $0x0;
	s30 =	simm.s32 $0x0;
	s31 =	simm.s32 $0x0  }
.LBB2_2:
0x48: {  	s0 =	sadd.s32 $0x10000, s28  }
0x49: {  	s6 =	sand.u32 $0x380, s31;
	s0 =	sand.u32 $0xE000, s0  }
0x4a: {  	s0 =	sor.u32 s6, s0  }
0x4b: {  	[tilespmem:s0+$0x80] =	vst v0  }
0x4c: {  	[tilespmem:s0+$0x90] =	vst v0  }
0x4d: {  	[tilespmem:s0+$0xA0] =	vst v0  }
0x4e: {  	[tilespmem:s0+$0xB0] =	vst v0  }
0x4f: {  	[tilespmem:s0+$0xC0] =	vst v0  }
0x50: {  	[tilespmem:s0+$0xD0] =	vst v0  }
0x51: {  	[tilespmem:s0+$0xE0] =	vst v0  }
0x52: {  	[tilespmem:s0+$0xF0] =	vst v0  }
0x53: {  	[tilespmem:s0+$0x480] =	vst v0  }
0x54: {  	[tilespmem:s0+$0x490] =	vst v0  }
0x55: {  	[tilespmem:s0+$0x4A0] =	vst v0  }
0x56: {  	[tilespmem:s0+$0x4B0] =	vst v0  }
0x57: {  	[tilespmem:s0+$0x4C0] =	vst v0  }
0x58: {  	[tilespmem:s0+$0x4D0] =	vst v0  }
0x59: {  	[tilespmem:s0+$0x4E0] =	vst v0  }
0x5a: {  	[tilespmem:s0+$0x4F0] =	vst v0  }
0x5b: {  	[tilespmem:s0+$0x880] =	vst v0  }
0x5c: {  	[tilespmem:s0+$0x890] =	vst v0  }
0x5d: {  	[tilespmem:s0+$0x8A0] =	vst v0  }
0x5e: {  	[tilespmem:s0+$0x8B0] =	vst v0  }
0x5f: {  	[tilespmem:s0+$0x8C0] =	vst v0  }
0x60: {  	[tilespmem:s0+$0x8D0] =	vst v0  }
0x61: {  	[tilespmem:s0+$0x8E0] =	vst v0  }
0x62: {  	[tilespmem:s0+$0x8F0] =	vst v0  }
0x63: {  	[tilespmem:s0+$0xC80] =	vst v0  }
0x64: {  	[tilespmem:s0+$0xC90] =	vst v0  }
0x65: {  	[tilespmem:s0+$0xCA0] =	vst v0  }
0x66: {  	[tilespmem:s0+$0xCB0] =	vst v0  }
0x67: {  	[tilespmem:s0+$0xCC0] =	vst v0  }
0x68: {  	[tilespmem:s0+$0xCD0] =	vst v0  }
0x69: {  	[tilespmem:s0+$0xCE0] =	vst v0  }
0x6a: {  	[tilespmem:s0+$0xCF0] =	vst v0  }
0x6b: {  	[tilespmem:s0+$0x1080] =	vst v0  }
0x6c: {  	[tilespmem:s0+$0x1090] =	vst v0  }
0x6d: {  	[tilespmem:s0+$0x10A0] =	vst v0  }
0x6e: {  	[tilespmem:s0+$0x10B0] =	vst v0  }
0x6f: {  	[tilespmem:s0+$0x10C0] =	vst v0  }
0x70: {  	[tilespmem:s0+$0x10D0] =	vst v0  }
0x71: {  	[tilespmem:s0+$0x10E0] =	vst v0  }
0x72: {  	[tilespmem:s0+$0x10F0] =	vst v0  }
0x73: {  	[tilespmem:s0+$0x1480] =	vst v0  }
0x74: {  	[tilespmem:s0+$0x1490] =	vst v0  }
0x75: {  	[tilespmem:s0+$0x14A0] =	vst v0  }
0x76: {  	[tilespmem:s0+$0x14B0] =	vst v0  }
0x77: {  	[tilespmem:s0+$0x14C0] =	vst v0  }
0x78: {  	[tilespmem:s0+$0x14D0] =	vst v0  }
0x79: {  	[tilespmem:s0+$0x14E0] =	vst v0  }
0x7a: {  	[tilespmem:s0+$0x14F0] =	vst v0  }
0x7b: {  	[tilespmem:s0+$0x1880] =	vst v0  }
0x7c: {  	[tilespmem:s0+$0x1890] =	vst v0  }
0x7d: {  	[tilespmem:s0+$0x18A0] =	vst v0  }
0x7e: {  	[tilespmem:s0+$0x18B0] =	vst v0  }
0x7f: {  	s6 =	sand.u32 $0x7, s29;
	[tilespmem:s0+$0x18C0] =	vst v0  }
0x80: {  	s6 =	sshll.u32 s6, $0x7;
	[tilespmem:s0+$0x18D0] =	vst v0  }
0x81: {  	[tilespmem:s0+$0x18E0] =	vst v0;
	s6 =	sadd.s32 s6, s30  }
0x82: {  	[tilespmem:s0+$0x18F0] =	vst v0;
	s0 =	sor.u32 $0x1C00, s6  }
0x83: {  	[tilespmem:s0+$0x80] =	vst v0;
	s0 =	sor.u32 $0x1C10, s6  }
0x84: {  	[tilespmem:s0+$0x80] =	vst v0;
	s0 =	sor.u32 $0x1C20, s6  }
0x85: {  	p0 =	sne.s32 s31, $0x1F80;
	[tilespmem:s0+$0x80] =	vst v0;
	s0 =	sor.u32 $0x1C30, s6  }
.Ltmp0:
0x86: {  	[tilespmem:s0+$0x80] =	vst v0;
	s0 =	sor.u32 $0x1C40, s6;
	(pc) =	sbr.rel @p0 .LBB2_2-.Ltmp0, $4  }
0x87: {  	[tilespmem:s0+$0x80] =	vst v0;
	s0 =	sor.u32 $0x1C50, s6  }
0x88: {  	[tilespmem:s0+$0x80] =	vst v0;
	s0 =	sor.u32 $0x1C60, s6  }
0x89: {  	s28 =	sadd.s32 $0x400, s28;
	s6 =	sor.u32 $0x1C70, s6;
	[tilespmem:s0+$0x80] =	vst v0  }
0x8a: {  	s31 =	sadd.s32 $0x80, s31;
	s29 =	sadd.s32 $0x1, s29;
	s30 =	sadd.s32 $0x400, s30;
	[tilespmem:s6+$0x80] =	vst v0  }
0x8b: {  	s0 =	rddreg [dreg:$0x0]  }
0x8c: {  	[tilespmem:s8], [sflag:$0x3] =	stream.linear.gather [hbm4b:s0+s8], $0x10, $0x38;
	[tilespmem:$0x14080] =	vst v63  }
0x8d: {  	_ =	swait.ge [sflag:s18], $0x10  }
0x8e: {  	[sflag:s18] =	ssyncset.done $0x0  }
0x8f: {  	[sflag:s18] =	ssyncadd.s32 $0xFFFFFFF0  }
0x90: {  	v1 =	vld [tilespmem:$0x0];
	[hbm4b:s14+s19] =	stream.strided.scatter [tilespmem:s21], [sflag:$0x1], $0x10000, s20, s19, $0x38  }
0x91: {  	_ = 	snop  }
0x92: {  	[hbm4b:s9+s19] =	stream.strided.scatter [tilespmem:s21], [sflag:$0x1], $0x10000, s20, s19, $0x38;
	[tilespmem:$0x14080] =	vst v63  }
0x93: {  	_ = 	snop  }
0x94: {  	[hbm4b:s10+s19] =	stream.strided.scatter [tilespmem:s21], [sflag:$0x1], $0x10000, s20, s19, $0x38;
	[tilespmem:$0x14080] =	vst v63  }
0x95: {  	_ = 	snop  }
0x96: {  	[hbm4b:s11+s19] =	stream.strided.scatter [tilespmem:s21], [sflag:$0x1], $0x10000, s20, s19, $0x38;
	[tilespmem:$0x14080] =	vst v63  }
0x97: {  	_ = 	snop  }
0x98: {  	[hbm4b:s12+s19] =	stream.strided.scatter [tilespmem:s21], [sflag:$0x1], $0x10000, s20, s19, $0x38;
	[tilespmem:$0x14080] =	vst v63  }
0x99: {  	_ = 	snop  }
0x9a: {  	[hbm4b:s13+s19] =	stream.strided.scatter [tilespmem:s21], [sflag:$0x1], $0x10000, s20, s19, $0x38;
	[tilespmem:$0x14080] =	vst v63  }
0x9b: {  	_ = 	snop  }
0x9c: {  	[hbm4b:s15+s19] =	stream.strided.scatter [tilespmem:s21], [sflag:$0x1], $0x10000, s20, s19, $0x38;
	[tilespmem:$0x14080] =	vst v63  }
0x9d: {  	_ = 	snop  }
0x9e: {  	[hbm4b:s16+s19] =	stream.strided.scatter [tilespmem:s21], [sflag:$0x1], $0x10000, s20, s19, $0x38;
	[tilespmem:$0x14080] =	vst v63  }
0x9f: {  	s29 =	rddreg [dreg:$0x7]  }
0xa0: {  	[hbm4b:s29+s19] =	stream.strided.scatter [tilespmem:s21], [sflag:$0x1], $0x10000, s20, s19, $0x38;
	[tilespmem:$0x14080] =	vst v63  }
0xa1: {  	s30 =	rddreg [dreg:$0xb]  }
0xa2: {  	[hbm4b:s30+s19] =	stream.strided.scatter [tilespmem:s21], [sflag:$0x1], $0x10000, s20, s19, $0x38;
	[tilespmem:$0x14080] =	vst v63  }
0xa3: {  	s31 =	rddreg [dreg:$0xc]  }
0xa4: {  	[hbm4b:s31+s19] =	stream.strided.scatter [tilespmem:s21], [sflag:$0x1], $0x10000, s20, s19, $0x38;
	[tilespmem:$0x14080] =	vst v63  }
0xa5: {  	s6 =	rddreg [dreg:$0xd]  }
0xa6: {  	[hbm4b:s6+s19] =	stream.strided.scatter [tilespmem:s21], [sflag:$0x1], $0x10000, s20, s19, $0x38;
	[tilespmem:$0x14080] =	vst v63  }
0xa7: {  	s28 =	rddreg [dreg:$0xe]  }
0xa8: {  	[hbm4b:s28+s19] =	stream.strided.scatter [tilespmem:s21], [sflag:$0x1], $0x10000, s20, s19, $0x38;
	[tilespmem:$0x14080] =	vst v63  }
0xa9: {  	s29 =	rddreg [dreg:$0xf]  }
0xaa: {  	[hbm4b:s29+s19] =	stream.strided.scatter [tilespmem:s21], [sflag:$0x1], $0x10000, s20, s19, $0x38;
	[tilespmem:$0x14080] =	vst v63  }
0xab: {  	s30 =	rddreg [dreg:$0x10]  }
0xac: {  	[hbm4b:s30+s19] =	stream.strided.scatter [tilespmem:s21], [sflag:$0x1], $0x10000, s20, s19, $0x38;
	[tilespmem:$0x14080] =	vst v63  }
0xad: {  	s31 =	rddreg [dreg:$0x11]  }
0xae: {  	[hbm4b:s31+s19] =	stream.strided.scatter [tilespmem:s21], [sflag:$0x1], $0x10000, s20, s19, $0x38;
	[tilespmem:$0x14080] =	vst v63  }
0xaf: {  	s6 =	rddreg [dreg:$0x9]  }
0xb0: {  	[hbm4b:s6+s19] =	stream.strided.scatter [tilespmem:s21], [sflag:$0x1], $0x10000, s20, s19, $0x38;
	[tilespmem:$0x14080] =	vst v63  }
0xb1: {  	s28 =	rddreg [dreg:$0x12]  }
0xb2: {  	[hbm4b:s28+s19] =	stream.strided.scatter [tilespmem:s21], [sflag:$0x1], $0x10000, s20, s19, $0x38;
	[tilespmem:$0x14080] =	vst v63  }
0xb3: {  	s29 =	rddreg [dreg:$0x13]  }
0xb4: {  	[hbm4b:s29+s19] =	stream.strided.scatter [tilespmem:s21], [sflag:$0x1], $0x10000, s20, s19, $0x38;
	[tilespmem:$0x14080] =	vst v63  }
0xb5: {  	s30 =	rddreg [dreg:$0x14]  }
0xb6: {  	[hbm4b:s30+s19] =	stream.strided.scatter [tilespmem:s21], [sflag:$0x1], $0x10000, s20, s19, $0x38;
	[tilespmem:$0x14080] =	vst v63  }
0xb7: {  	s31 =	rddreg [dreg:$0x15]  }
0xb8: {  	[hbm4b:s31+s19] =	stream.strided.scatter [tilespmem:s21], [sflag:$0x1], $0x10000, s20, s19, $0x38;
	[tilespmem:$0x14080] =	vst v63  }
0xb9: {  	s6 =	rddreg [dreg:$0x16]  }
0xba: {  	[hbm4b:s6+s19] =	stream.strided.scatter [tilespmem:s21], [sflag:$0x1], $0x10000, s20, s19, $0x38;
	[tilespmem:$0x14080] =	vst v63  }
0xbb: {  	s28 =	rddreg [dreg:$0x17]  }
0xbc: {  	[hbm4b:s28+s19] =	stream.strided.scatter [tilespmem:s21], [sflag:$0x1], $0x10000, s20, s19, $0x38;
	[tilespmem:$0x14080] =	vst v63  }
0xbd: {  	s29 =	rddreg [dreg:$0x18]  }
0xbe: {  	(v2sf) =	vpush v1, $0x0;
	[hbm4b:s29+s19] =	stream.strided.scatter [tilespmem:s21], [sflag:$0x1], $0x10000, s20, s19, $0x38;
	[tilespmem:$0x14080] =	vst v63  }
0xbf: {  	s30 =	rddreg [dreg:$0xa]  }
0xc0: {  	[hbm4b:s30+s19] =	stream.strided.scatter [tilespmem:s21], [sflag:$0x1], $0x10000, s20, s19, $0x38;
	[tilespmem:$0x14080] =	vst v63  }
0xc1: {  	s31 =	rddreg [dreg:$0x19]  }
0xc2: {  	[hbm4b:s31+s19] =	stream.strided.scatter [tilespmem:s21], [sflag:$0x1], $0x10000, s20, s19, $0x38;
	[tilespmem:$0x14080] =	vst v63  }
0xc3: {  	s6 =	rddreg [dreg:$0x1a]  }
0xc4: {  	[hbm4b:s6+s19] =	stream.strided.scatter [tilespmem:s21], [sflag:$0x1], $0x10000, s20, s19, $0x38;
	[tilespmem:$0x14080] =	vst v63  }
0xc5: {  	s28 =	rddreg [dreg:$0x1b]  }
0xc6: {  	[hbm4b:s28+s19] =	stream.strided.scatter [tilespmem:s21], [sflag:$0x1], $0x10000, s20, s19, $0x38;
	[tilespmem:$0x14080] =	vst v63  }
0xc7: {  	s29 =	rddreg [dreg:$0x1c]  }
0xc8: {  	[hbm4b:s29+s19] =	stream.strided.scatter [tilespmem:s21], [sflag:$0x1], $0x10000, s20, s19, $0x38;
	[tilespmem:$0x14080] =	vst v63  }
0xc9: {  	s30 =	rddreg [dreg:$0x1d]  }
0xca: {  	[hbm4b:s30+s19] =	stream.strided.scatter [tilespmem:s21], [sflag:$0x1], $0x10000, s20, s19, $0x38;
	[tilespmem:$0x14080] =	vst v63  }
0xcb: {  	s31 =	rddreg [dreg:$0x1e]  }
0xcc: {  	[hbm4b:s31+s19] =	stream.strided.scatter [tilespmem:s21], [sflag:$0x1], $0x10000, s20, s19, $0x38;
	[tilespmem:$0x14080] =	vst v63  }
0xcd: {  	s6 =	rddreg [dreg:$0x1f];
	s28 =	spop (v2sf)  }
0xce: {  	[hbm4b:s6+s19] =	stream.strided.scatter [tilespmem:s21], [sflag:$0x1], $0x10000, s20, s19, $0x38;
	[tilespmem:$0x14080] =	vst v63  }
0xcf: {  	_ =	swait.ge [sflag:s22], $0x10000  }
0xd0: {  	[sflag:s22] =	ssyncset.done $0x0  }
0xd1: {  	[sflag:s22] =	ssyncadd.s32 $0xFFFF0000  }
0xd2: {  	_ =	swait.ge [sflag:s22], $0x10000  }
0xd3: {  	[sflag:s22] =	ssyncset.done $0x0  }
0xd4: {  	[sflag:s22] =	ssyncadd.s32 $0xFFFF0000  }
0xd5: {  	_ =	swait.ge [sflag:s22], $0x10000  }
0xd6: {  	[sflag:s22] =	ssyncset.done $0x0  }
0xd7: {  	[sflag:s22] =	ssyncadd.s32 $0xFFFF0000  }
0xd8: {  	_ =	swait.ge [sflag:s22], $0x10000  }
0xd9: {  	[sflag:s22] =	ssyncset.done $0x0  }
0xda: {  	[sflag:s22] =	ssyncadd.s32 $0xFFFF0000  }
0xdb: {  	_ =	swait.ge [sflag:s22], $0x10000  }
0xdc: {  	[sflag:s22] =	ssyncset.done $0x0  }
0xdd: {  	[sflag:s22] =	ssyncadd.s32 $0xFFFF0000  }
0xde: {  	_ =	swait.ge [sflag:s22], $0x10000  }
0xdf: {  	[sflag:s22] =	ssyncset.done $0x0  }
0xe0: {  	[sflag:s22] =	ssyncadd.s32 $0xFFFF0000  }
0xe1: {  	_ =	swait.ge [sflag:s22], $0x10000  }
0xe2: {  	[sflag:s22] =	ssyncset.done $0x0  }
0xe3: {  	[sflag:s22] =	ssyncadd.s32 $0xFFFF0000  }
0xe4: {  	_ =	swait.ge [sflag:s22], $0x10000  }
0xe5: {  	[sflag:s22] =	ssyncset.done $0x0  }
0xe6: {  	[sflag:s22] =	ssyncadd.s32 $0xFFFF0000  }
0xe7: {  	_ =	swait.ge [sflag:s22], $0x10000  }
0xe8: {  	[sflag:s22] =	ssyncset.done $0x0  }
0xe9: {  	[sflag:s22] =	ssyncadd.s32 $0xFFFF0000  }
0xea: {  	_ =	swait.ge [sflag:s22], $0x10000  }
0xeb: {  	[sflag:s22] =	ssyncset.done $0x0  }
0xec: {  	[sflag:s22] =	ssyncadd.s32 $0xFFFF0000  }
0xed: {  	_ =	swait.ge [sflag:s22], $0x10000  }
0xee: {  	[sflag:s22] =	ssyncset.done $0x0  }
0xef: {  	[sflag:s22] =	ssyncadd.s32 $0xFFFF0000  }
0xf0: {  	_ =	swait.ge [sflag:s22], $0x10000  }
0xf1: {  	[sflag:s22] =	ssyncset.done $0x0  }
0xf2: {  	[sflag:s22] =	ssyncadd.s32 $0xFFFF0000  }
0xf3: {  	_ =	swait.ge [sflag:s22], $0x10000  }
0xf4: {  	[sflag:s22] =	ssyncset.done $0x0  }
0xf5: {  	[sflag:s22] =	ssyncadd.s32 $0xFFFF0000  }
0xf6: {  	_ =	swait.ge [sflag:s22], $0x10000  }
0xf7: {  	[sflag:s22] =	ssyncset.done $0x0  }
0xf8: {  	[sflag:s22] =	ssyncadd.s32 $0xFFFF0000  }
0xf9: {  	_ =	swait.ge [sflag:s22], $0x10000  }
0xfa: {  	[sflag:s22] =	ssyncset.done $0x0  }
0xfb: {  	[sflag:s22] =	ssyncadd.s32 $0xFFFF0000  }
0xfc: {  	_ =	swait.ge [sflag:s22], $0x10000  }
0xfd: {  	[sflag:s22] =	ssyncset.done $0x0  }
0xfe: {  	[sflag:s22] =	ssyncadd.s32 $0xFFFF0000  }
0xff: {  	_ =	swait.ge [sflag:s22], $0x10000  }
0x100: {  	[sflag:s22] =	ssyncset.done $0x0  }
0x101: {  	[sflag:s22] =	ssyncadd.s32 $0xFFFF0000  }
0x102: {  	_ =	swait.ge [sflag:s22], $0x10000  }
0x103: {  	[sflag:s22] =	ssyncset.done $0x0  }
0x104: {  	[sflag:s22] =	ssyncadd.s32 $0xFFFF0000  }
0x105: {  	_ =	swait.ge [sflag:s22], $0x10000  }
0x106: {  	[sflag:s22] =	ssyncset.done $0x0  }
0x107: {  	[sflag:s22] =	ssyncadd.s32 $0xFFFF0000  }
0x108: {  	_ =	swait.ge [sflag:s22], $0x10000  }
0x109: {  	[sflag:s22] =	ssyncset.done $0x0  }
0x10a: {  	[sflag:s22] =	ssyncadd.s32 $0xFFFF0000  }
0x10b: {  	_ =	swait.ge [sflag:s22], $0x10000  }
0x10c: {  	[sflag:s22] =	ssyncset.done $0x0  }
0x10d: {  	[sflag:s22] =	ssyncadd.s32 $0xFFFF0000  }
0x10e: {  	_ =	swait.ge [sflag:s22], $0x10000  }
0x10f: {  	[sflag:s22] =	ssyncset.done $0x0  }
0x110: {  	[sflag:s22] =	ssyncadd.s32 $0xFFFF0000  }
0x111: {  	_ =	swait.ge [sflag:s22], $0x10000  }
0x112: {  	[sflag:s22] =	ssyncset.done $0x0  }
0x113: {  	[sflag:s22] =	ssyncadd.s32 $0xFFFF0000  }
0x114: {  	_ =	swait.ge [sflag:s22], $0x10000  }
0x115: {  	[sflag:s22] =	ssyncset.done $0x0  }
0x116: {  	[sflag:s22] =	ssyncadd.s32 $0xFFFF0000  }
0x117: {  	_ =	swait.ge [sflag:s22], $0x10000  }
0x118: {  	[sflag:s22] =	ssyncset.done $0x0  }
0x119: {  	[sflag:s22] =	ssyncadd.s32 $0xFFFF0000  }
0x11a: {  	_ =	swait.ge [sflag:s22], $0x10000  }
0x11b: {  	[sflag:s22] =	ssyncset.done $0x0  }
0x11c: {  	[sflag:s22] =	ssyncadd.s32 $0xFFFF0000  }
0x11d: {  	_ =	swait.ge [sflag:s22], $0x10000  }
0x11e: {  	[sflag:s22] =	ssyncset.done $0x0  }
0x11f: {  	[sflag:s22] =	ssyncadd.s32 $0xFFFF0000  }
0x120: {  	_ =	swait.ge [sflag:s22], $0x10000  }
0x121: {  	[sflag:s22] =	ssyncset.done $0x0  }
0x122: {  	[sflag:s22] =	ssyncadd.s32 $0xFFFF0000  }
0x123: {  	_ =	swait.ge [sflag:s22], $0x10000  }
0x124: {  	[sflag:s22] =	ssyncset.done $0x0  }
0x125: {  	[sflag:s22] =	ssyncadd.s32 $0xFFFF0000  }
0x126: {  	_ =	swait.ge [sflag:s22], $0x10000  }
0x127: {  	[sflag:s22] =	ssyncset.done $0x0  }
0x128: {  	[sflag:s22] =	ssyncadd.s32 $0xFFFF0000  }
0x129: {  	_ =	swait.ge [sflag:s22], $0x10000  }
0x12a: {  	[sflag:s22] =	ssyncset.done $0x0  }
0x12b: {  	[sflag:s22] =	ssyncadd.s32 $0xFFFF0000  }
0x12c: {  	s29 =	sshra.s32 s28, $0x1F;
	_ =	swait.ge [sflag:s22], $0x10000  }
0x12d: {  	s0 =	sshrl.u32 s29, $0x1B;
	s6 =	sld [smem:$0x7FC]  }
0x12e: {  	s0 =	sadd.s32 s0, s28;
	[sflag:s22] =	ssyncset.done $0x0  }
0x12f: {  	s0 =	sand.u32 $0x1FFFE0, s0;
	[sflag:s22] =	ssyncadd.s32 $0xFFFF0000  }
0x130: {  	[tilespmem:s23], [sflag:$0x3] =	stream.linear.gather [hbm4b:s6+s8], $0x4000, $0x38;
	[tilespmem:$0x14080] =	vst v63  }
0x131: {  	s0 =	ssub.s32 s28, s0;
	_ =	swait.ge [sflag:s18], $0x4000  }
0x132: {  	s0 =	sshll.u32 s0, $0xB;
	[sflag:s18] =	ssyncset.done $0x0;
	s30 =	rddreg [dreg:$0x5]  }
0x133: {  	[sflag:s18] =	ssyncadd.s32 $0xFFFFC000;
	s6 =	sadd.s32 s30, s0  }
0x134: {  	[hbm4b:s17+s24] =	stream.strided.scatter [tilespmem:s23], [sflag:$0x2], $0x4000, s20, s24, $0x38;
	[tilespmem:$0x14080] =	vst v63  }
0x135: {  	s6 =	sshrl.u32 s6, $0x3  }
0x136: {  	s6 =	sadd.s32 s2, s6  }
0x137: {  	[hbm4b:s6+s24] =	stream.strided.scatter [tilespmem:s23], [sflag:$0x2], $0x4000, s20, s24, $0x38;
	[tilespmem:$0x14080] =	vst v63  }
0x138: {  	_ =	swait.ge [sflag:s25], $0x4000  }
0x139: {  	[sflag:s25] =	ssyncset.done $0x0  }
0x13a: {  	[sflag:s25] =	ssyncadd.s32 $0xFFFFC000  }
0x13b: {  	_ =	swait.ge [sflag:s25], $0x4000  }
0x13c: {  	s31 =	sld [smem:$0x7F9]  }
0x13d: {  	[sflag:s25] =	ssyncset.done $0x0  }
0x13e: {  	[sflag:s25] =	ssyncadd.s32 $0xFFFFC000  }
0x13f: {  	[tilespmem:s23], [sflag:$0x3] =	stream.linear.gather [hbm4b:s31+s8], $0x4000, $0x38;
	[tilespmem:$0x14080] =	vst v63  }
0x140: {  	_ =	swait.ge [sflag:s18], $0x4000  }
0x141: {  	s28 =	sld [smem:$0x7FA]  }
0x142: {  	s29 =	rddreg [dreg:$0x6]  }
0x143: {  	[sflag:s18] =	ssyncset.done $0x0;
	s6 =	sadd.s32 s29, s0  }
0x144: {  	[sflag:s18] =	ssyncadd.s32 $0xFFFFC000;
	s6 =	sshrl.u32 s6, $0x3  }
0x145: {  	[hbm4b:s28+s24] =	stream.strided.scatter [tilespmem:s23], [sflag:$0x2], $0x4000, s20, s24, $0x38;
	[tilespmem:$0x14080] =	vst v63  }
0x146: {  	s6 =	sadd.s32 s2, s6  }
0x147: {  	[hbm4b:s6+s24] =	stream.strided.scatter [tilespmem:s23], [sflag:$0x2], $0x4000, s20, s24, $0x38;
	[tilespmem:$0x14080] =	vst v63  }
0x148: {  	_ =	swait.ge [sflag:s25], $0x4000  }
0x149: {  	[sflag:s25] =	ssyncset.done $0x0  }
0x14a: {  	[sflag:s25] =	ssyncadd.s32 $0xFFFFC000  }
0x14b: {  	_ =	swait.ge [sflag:s25], $0x4000  }
0x14c: {  	[sflag:s25] =	ssyncset.done $0x0  }
0x14d: {  	[sflag:s25] =	ssyncadd.s32 $0xFFFFC000  }
0x14e: {  	[tilespmem:s23], [sflag:$0x3] =	stream.linear.gather [hbm4b:s4+s8], $0x4000, $0x38;
	[tilespmem:$0x14080] =	vst v63  }
0x14f: {  	_ =	swait.ge [sflag:s18], $0x4000  }
0x150: {  	[sflag:s18] =	ssyncset.done $0x0;
	s30 =	rddreg [dreg:$0x8]  }
0x151: {  	[sflag:s18] =	ssyncadd.s32 $0xFFFFC000;
	s6 =	sadd.s32 s30, s0  }
0x152: {  	[hbm4b:s7+s24] =	stream.strided.scatter [tilespmem:s23], [sflag:$0x2], $0x4000, s20, s24, $0x38;
	[tilespmem:$0x14080] =	vst v63  }
0x153: {  	s6 =	sshrl.u32 s6, $0x3  }
0x154: {  	s6 =	sadd.s32 s2, s6  }
0x155: {  	[hbm4b:s6+s24] =	stream.strided.scatter [tilespmem:s23], [sflag:$0x2], $0x4000, s20, s24, $0x38;
	[tilespmem:$0x14080] =	vst v63  }
0x156: {  	_ =	swait.ge [sflag:s25], $0x4000  }
0x157: {  	[sflag:s25] =	ssyncset.done $0x0  }
0x158: {  	[sflag:s25] =	ssyncadd.s32 $0xFFFFC000  }
0x159: {  	_ =	swait.ge [sflag:s25], $0x4000  }
0x15a: {  	[sflag:s25] =	ssyncset.done $0x0  }
0x15b: {  	[sflag:s25] =	ssyncadd.s32 $0xFFFFC000  }
0x15c: {  	[tilespmem:s23], [sflag:$0x3] =	stream.linear.gather [hbm4b:s3+s8], $0x4000, $0x38;
	[tilespmem:$0x14080] =	vst v63  }
0x15d: {  	_ =	swait.ge [sflag:s18], $0x4000  }
0x15e: {  	s0 =	sadd.s32 s1, s0;
	[sflag:s18] =	ssyncset.done $0x0  }
0x15f: {  	s0 =	sshrl.u32 s0, $0x3;
	[sflag:s18] =	ssyncadd.s32 $0xFFFFC000  }
0x160: {  	[hbm4b:s5+s24] =	stream.strided.scatter [tilespmem:s23], [sflag:$0x2], $0x4000, s20, s24, $0x38;
	[tilespmem:$0x14080] =	vst v63  }
0x161: {  	s0 =	sadd.s32 s2, s0  }
0x162: {  	[hbm4b:s0+s24] =	stream.strided.scatter [tilespmem:s23], [sflag:$0x2], $0x4000, s20, s24, $0x38;
	[tilespmem:$0x14080] =	vst v63  }
0x163: {  	_ =	swait.ge [sflag:s25], $0x4000  }
0x164: {  	[sflag:s25] =	ssyncset.done $0x0  }
0x165: {  	[sflag:s25] =	ssyncadd.s32 $0xFFFFC000  }
0x166: {  	_ =	swait.ge [sflag:s25], $0x4000  }
0x167: {  	s31 =	sld [smem:$0x7FD];
	_ =	sdelay $0x1  }
0x168: {  	s26 =	sadd.s32 $0x1, s26  }
0x169: {  	p0 =	sne.s32 s26, s31  }
.Ltmp1:
0x16a: {  	_ = 	snop;
	(pc) =	sbr.rel @p0 .LBB2_1-.Ltmp1, $3  }
0x16b: {  	_ =	sdelay $0x1  }
0x16c: {  	[sflag:s25] =	ssyncset.done $0x0  }
0x16d: {  	[sflag:s25] =	ssyncadd.s32 $0xFFFFC000  }
0x16e: {  	_ =	sfence.sel $0x180000  }
0x16f: {  	[bflag:$0x0] =	sbarrier.arrive $0xFFFF  }
0x170: {  	_ =	strace $0x90000047  }
0x171: {  	s0 =	stileid.u32;
	[bflag:$0x2] =	sbarrier.arrive $0xFFFF  }
0x172: {  	p0 =	sne.s32 s0, $0x0;
	s0 =	rddreg [dreg:$0x4]  }
0x173: {  	s0 =	sadd.s32 @!p0 $0x100000, s0  }
0x174: {  	[sflag:s0] =	ssyncadd.tile.s32 @!p0 $0x1;
	_ =	shalt  }
.Lfunc_end2:
_tile_overlayer_lowered:
.L_overlay_start_2:
0x175: {  	(tag) =	ssettag $0x2  }
0x176: {  	s0 =	rddreg [dreg:$0x0];
	s2 =	stileid.u32  }
0x177: {  	s1 =	rddreg [dreg:$0x1];
	p0 =	sne.s32 s2, $0x0  }
0x178: {  	s3 =	rddreg [dreg:$0x2];
	[bflag:$0x3] =	sbarrier.arrive $0xFFFF;
	s2 =	simm.s32 @!p0 $0x1C03  }
0x179: {  	[timem:s3], [sflag:s2] =	dma.local @!p0 [hbm:s0], s1  }
0x17a: {  	s0 =	simm.s32 @!p0 $0x3  }
0x17b: {  	_ =	swait.ge @!p0 [sflag:s0], s1  }
0x17c: {  	s1 =	ssub.s32 @!p0 $0x0, s1;
	[sflag:s0] =	ssyncset.done @!p0 $0x0  }
0x17d: {  	[sflag:s0] =	ssyncadd.s32 @!p0 s1  }
0x17e: {  	[bflag:$0x3] =	sbarrier.arrive $0xFFFF  }
0x17f: {  	_ =	shalt  }

</sc_bundles>
